<compile_context>
chip_gen: v7x
topology: tpu7x:2x2x1
jax: 0.10.2.dev20260603
libtpu: 0.0.44.dev20260713+nightly
codegen_flags: <defaults>
</compile_context>

<pallas_src>
import functools

import jax
import jax.numpy as jnp
from jax import lax
from jax.experimental import pallas as pl
from jax.experimental.pallas import tpu as pltpu
from jax.experimental.pallas import tpu_sc as plsc

N_NODES = 10000
N_EDGES = 320000
D = 128
N_GRAPHS = 64

CHUNK = 128
N_CORES = 2
N_SUB = 16
TILES = N_CORES * N_SUB
PER_TILE = 80
NCHUNKS = TILES * PER_TILE
E_PAD = NCHUNKS * CHUNK
ROWS_PER_SUB = 632
AGG_ROWS = N_SUB * ROWS_PER_SUB

ROW_BLK = 1000
GRID = N_NODES // ROW_BLK



IBLK = 8
PT = 80
N_BLOCKS = PT // IBLK


def _sc_agg_body(x_hbm, src_hbm, dst_hbm, z_hbm, out_hbm,
                 src_v, dst_v, rows_a, rows_b, agg_sh,
                 sem_a, sem_b, sem_i, sem_j):
    c = lax.axis_index("c")
    s = lax.axis_index("s")
    tile_base = (c * N_SUB + s) * PT

    pltpu.sync_copy(z_hbm,
                    agg_sh.at[pl.ds(s * ROWS_PER_SUB, ROWS_PER_SUB)])

    def _pref(blk, half, sem_s, sem_d):
        off = tile_base + blk * IBLK
        pltpu.async_copy(src_hbm.at[pl.ds(off, IBLK)],
                         src_v.at[pl.ds(half, IBLK)], sem_s)
        pltpu.async_copy(dst_hbm.at[pl.ds(off, IBLK)],
                         dst_v.at[pl.ds(half, IBLK)], sem_d)

    def _wait_idx(half, sem, buf):
        pltpu.make_async_copy(src_hbm.at[pl.ds(tile_base, IBLK)],
                              buf.at[pl.ds(half, IBLK)], sem).wait()

    _pref(0, 0, sem_i, sem_j)
    _wait_idx(0, sem_i, src_v)
    pltpu.async_copy(x_hbm.at[src_v.at[0]], rows_a, sem_a)
    plsc.subcore_barrier()

    def _halfblock(rb, nxt_row):
        for t in range(IBLK // 2):
            r0 = rb + 2 * t
            pltpu.make_async_copy(x_hbm.at[src_v.at[r0]], rows_a,
                                  sem_a).wait()
            pltpu.async_copy(x_hbm.at[src_v.at[r0 + 1]], rows_b, sem_b)
            pltpu.sync_copy(rows_a, agg_sh.at[dst_v.at[r0]], add=True)
            pltpu.make_async_copy(x_hbm.at[src_v.at[r0 + 1]], rows_b,
                                  sem_b).wait()
            if t == IBLK // 2 - 1:
                _wait_idx(nxt_row, sem_i, src_v)
                nr = nxt_row
            else:
                nr = r0 + 2
            pltpu.async_copy(x_hbm.at[src_v.at[nr]], rows_a, sem_a)
            pltpu.sync_copy(rows_b, agg_sh.at[dst_v.at[r0 + 1]],
                            add=True)

    def body(q, carry):
        _wait_idx(0, sem_j, dst_v)
        _pref(2 * q + 1, IBLK, sem_i, sem_j)
        _halfblock(0, IBLK)
        _wait_idx(IBLK, sem_j, dst_v)
        _pref(lax.rem(2 * q + 2, N_BLOCKS), 0, sem_i, sem_j)
        _halfblock(IBLK, 0)
        return carry

    lax.fori_loop(0, PT // (2 * IBLK), body, 0)
    pltpu.make_async_copy(x_hbm.at[src_v.at[0]], rows_a, sem_a).wait()
    _wait_idx(0, sem_j, dst_v)
    plsc.subcore_barrier()

    pltpu.sync_copy(agg_sh.at[pl.ds(s * ROWS_PER_SUB, ROWS_PER_SUB)],
                    out_hbm.at[c, pl.ds(s * ROWS_PER_SUB, ROWS_PER_SUB)])


def _sc_agg(x, src2d, dst2d, zrows):
    f = functools.partial(
        pl.kernel,
        out_type=jax.ShapeDtypeStruct((N_CORES, AGG_ROWS, D), jnp.float32),
        mesh=plsc.VectorSubcoreMesh(core_axis_name="c", subcore_axis_name="s"),
        scratch_types=[
            pltpu.VMEM((2 * IBLK, CHUNK), jnp.int32),
            pltpu.VMEM((2 * IBLK, CHUNK), jnp.int32),
            pltpu.VMEM((CHUNK, D), jnp.float32),
            pltpu.VMEM((CHUNK, D), jnp.float32),
            pltpu.VMEM_SHARED((AGG_ROWS, D), jnp.float32),
            pltpu.SemaphoreType.DMA,
            pltpu.SemaphoreType.DMA,
            pltpu.SemaphoreType.DMA,
            pltpu.SemaphoreType.DMA,
        ],
    )(_sc_agg_body)
    return f(x, src2d, dst2d, zrows)



def _matmul_t(h, w_ref, b_ref):
    return lax.dot_general(h, w_ref[...], (((1,), (1,)), ((), ())),
                           preferred_element_type=jnp.float32) + b_ref[...]


def _mlp_body(x_ref, a_ref, w1_ref, b1_ref, w2_ref, b2_ref, o_ref):
    h = x_ref[...] + a_ref[0] + a_ref[1]
    h = jnp.maximum(_matmul_t(h, w1_ref, b1_ref), 0.0)
    o_ref[...] = jnp.maximum(_matmul_t(h, w2_ref, b2_ref), 0.0)


def _mlp(x, agg, w1t, b1, w2t, b2):
    wspec = pl.BlockSpec((D, D), lambda i: (0, 0))
    bspec = pl.BlockSpec((1, D), lambda i: (0, 0))
    return pl.pallas_call(
        _mlp_body,
        grid=(GRID,),
        in_specs=[
            pl.BlockSpec((ROW_BLK, D), lambda i: (i, 0)),
            pl.BlockSpec((N_CORES, ROW_BLK, D), lambda i: (0, i, 0)),
            wspec, bspec, wspec, bspec,
        ],
        out_specs=pl.BlockSpec((ROW_BLK, D), lambda i: (i, 0)),
        out_shape=jax.ShapeDtypeStruct((N_NODES, D), jnp.float32),
    )(x, agg, w1t, b1, w2t, b2)


def _pool_body(x_ref, a_ref, seg_ref, w3_ref, b3_ref, w4_ref, b4_ref,
               wf_ref, bf_ref, o_ref, acc_ref):
    i = pl.program_id(0)
    h = x_ref[...] + a_ref[0] + a_ref[1]
    h = jnp.maximum(_matmul_t(h, w3_ref, b3_ref), 0.0)
    h = jnp.maximum(_matmul_t(h, w4_ref, b4_ref), 0.0)
    seg = seg_ref[0, 0, :]
    onehot = (seg[:, None] == lax.broadcasted_iota(jnp.int32, (1, N_GRAPHS), 1))
    onehot = onehot.astype(jnp.float32)
    p = lax.dot_general(onehot, h, (((0,), (0,)), ((), ())),
                        preferred_element_type=jnp.float32)

    @pl.when(i == 0)
    def _():
        acc_ref[...] = p

    @pl.when(i > 0)
    def _():
        acc_ref[...] = acc_ref[...] + p

    @pl.when(i == GRID - 1)
    def _():
        o_ref[...] = jnp.maximum(_matmul_t(acc_ref[...], wf_ref, bf_ref), 0.0)


def _pool(h1, agg, seg3d, w3t, b3, w4t, b4, wft, bf):
    wspec = pl.BlockSpec((D, D), lambda i: (0, 0))
    bspec = pl.BlockSpec((1, D), lambda i: (0, 0))
    return pl.pallas_call(
        _pool_body,
        grid=(GRID,),
        in_specs=[
            pl.BlockSpec((ROW_BLK, D), lambda i: (i, 0)),
            pl.BlockSpec((N_CORES, ROW_BLK, D), lambda i: (0, i, 0)),
            pl.BlockSpec((1, 1, ROW_BLK), lambda i: (i, 0, 0)),
            wspec, bspec, wspec, bspec, wspec, bspec,
        ],
        out_specs=pl.BlockSpec((N_GRAPHS, D), lambda i: (0, 0)),
        out_shape=jax.ShapeDtypeStruct((N_GRAPHS, D), jnp.float32),
        scratch_shapes=[pltpu.VMEM((N_GRAPHS, D), jnp.float32)],
    )(h1, agg, seg3d, w3t, b3, w4t, b4, wft, bf)



@jax.jit
def kernel(x, edge_index, batch, W1, b1, W2, b2, W3, b3, W4, b4, Wf, bf):
    src = edge_index[0].astype(jnp.int32)
    dst = edge_index[1].astype(jnp.int32)
    pad = E_PAD - N_EDGES
    pad_src = jnp.arange(pad, dtype=jnp.int32) % N_NODES
    src_p = jnp.concatenate([src, pad_src])
    pad_dst = N_NODES + jnp.arange(pad, dtype=jnp.int32) % (AGG_ROWS - N_NODES)
    dst_p = jnp.concatenate([dst, pad_dst])
    src2d = src_p.reshape(NCHUNKS, CHUNK)
    dst2d = dst_p.reshape(NCHUNKS, CHUNK)
    zrows = jnp.zeros((ROWS_PER_SUB, D), jnp.float32)
    seg3d = batch.astype(jnp.int32).reshape(GRID, 1, ROW_BLK)

    agg1 = _sc_agg(x, src2d, dst2d, zrows)
    r1 = _mlp(x, agg1, W1, b1.reshape(1, D), W2, b2.reshape(1, D))
    agg2 = _sc_agg(r1, src2d, dst2d, zrows)
    out = _pool(r1, agg2, seg3d, W3, b3.reshape(1, D), W4, b4.reshape(1, D),
                Wf, bf.reshape(1, D))
    return out

# --- scband reference (transcript-rebuilt; emitter-appended) ---
"""Pipeline reference for scband-gin-26096221290965 (READ-ONLY COPY).

The authoritative reference and input builder live on the scoring server;
editing this copy changes nothing except your own understanding.
"""

import jax, jax.numpy as jnp
import numpy as np

N_NODES = 10000
N_EDGES = 320000
D = 128
N_GRAPHS = 64


def _init_linear(key, fan_in, fan_out):
    k1, k2 = jax.random.split(key)
    bound = 1.0 / np.sqrt(fan_in)
    W = jax.random.uniform(k1, (fan_out, fan_in), minval=-bound, maxval=bound, dtype=jnp.float32)
    b = jax.random.uniform(k2, (fan_out,), minval=-bound, maxval=bound, dtype=jnp.float32)
    return W, b


def setup_inputs(seed: int = 0) -> dict:
    key = jax.random.key(seed)
    keys = jax.random.split(key, 10)
    x = jax.random.normal(keys[0], (N_NODES, D), dtype=jnp.float32)
    edge_index = jax.random.randint(keys[1], (2, N_EDGES), 0, N_NODES, dtype=jnp.int64 if jax.config.jax_enable_x64 else jnp.int32)
    batch = jnp.sort(jax.random.randint(keys[2], (N_NODES,), 0, N_GRAPHS, dtype=jnp.int64 if jax.config.jax_enable_x64 else jnp.int32))
    W1, b1 = _init_linear(keys[3], D, D)
    W2, b2 = _init_linear(keys[4], D, D)
    W3, b3 = _init_linear(keys[5], D, D)
    W4, b4 = _init_linear(keys[6], D, D)
    Wf, bf = _init_linear(keys[7], D, D)
    return {"x": x, "edge_index": edge_index, "batch": batch,
            "W1": W1, "b1": b1, "W2": W2, "b2": b2,
            "W3": W3, "b3": b3, "W4": W4, "b4": b4,
            "Wf": Wf, "bf": bf}


def _gin_conv(x, edge_index, Wa, ba, Wb, bb):
    # GINConv with eps=0: mlp((1+eps)*x + sum_{j in N(i)} x_j)
    src = edge_index[0]
    dst = edge_index[1]
    msgs = jnp.take(x, src, axis=0)
    agg = jnp.zeros_like(x).at[dst].add(msgs)
    h = x + agg
    h = h @ Wa.T + ba
    h = jax.nn.relu(h)
    h = h @ Wb.T + bb
    return h


def reference(x, edge_index, batch, W1, b1, W2, b2, W3, b3, W4, b4, Wf, bf):
    h = _gin_conv(x, edge_index, W1, b1, W2, b2)
    h = jax.nn.relu(h)
    h = _gin_conv(h, edge_index, W3, b3, W4, b4)
    h = jax.nn.relu(h)
    pooled = jax.ops.segment_sum(h, batch, num_segments=N_GRAPHS)
    out = pooled @ Wf.T + bf
    return jax.nn.relu(out)

if __name__ == "__main__":
    import jax
    _d = setup_inputs()
    print(jax.jit(kernel)(*tuple(_d.values())))

</pallas_src>

<mosaic_0001>
#map = affine_map<(d0, d1) -> (0, 0)>
#map1 = affine_map<(d0, d1) -> (0, 0, 0)>
module attributes {stable_mosaic.version = 14 : i64} {
  func.func @_sc_agg_body(%arg0: i32, %arg1: i32, %arg2: memref<10000x128xf32, #tpu.memory_space<hbm>>, %arg3: memref<2560x128xi32, #tpu.memory_space<hbm>>, %arg4: memref<2560x128xi32, #tpu.memory_space<hbm>>, %arg5: memref<632x128xf32, #tpu.memory_space<hbm>>, %arg6: memref<2x10112x128xf32, #tpu.memory_space<hbm>>, %arg7: memref<16x128xi32, #tpu.memory_space<vmem>>, %arg8: memref<16x128xi32, #tpu.memory_space<vmem>>, %arg9: memref<128x128xf32, #tpu.memory_space<vmem>>, %arg10: memref<128x128xf32, #tpu.memory_space<vmem>>, %arg11: memref<10112x128xf32, #tpu.memory_space<vmem_shared>>, %arg12: memref<!tpu.dma_semaphore, #tpu.memory_space<semaphore_mem>>, %arg13: memref<!tpu.dma_semaphore, #tpu.memory_space<semaphore_mem>>, %arg14: memref<!tpu.dma_semaphore, #tpu.memory_space<semaphore_mem>>, %arg15: memref<!tpu.dma_semaphore, #tpu.memory_space<semaphore_mem>>) attributes {dimension_semantics = [#tpu.dimension_semantics<core_parallel>, #tpu.dimension_semantics<subcore_parallel>], iteration_bounds = array<i64: 2, 16>, scalar_prefetch = 0 : i64, scratch_operands = 9 : i64, tpu.core_type = #tpu.core_type<sc_vector_subcore>, window_params = [{transform_indices = #map}, {transform_indices = #map}, {transform_indices = #map}, {transform_indices = #map}, {transform_indices = #map1}]} {
    %mul3A = arith.constant 16 : i32
    %mul3A_0 = arith.muli %arg0, %mul3A : i32
    %add3A = arith.addi %mul3A_0, %arg1 : i32
    %mul3A_1 = arith.constant 80 : i32
    %mul3A_2 = arith.muli %add3A, %mul3A_1 : i32
    %mul3A_3 = arith.constant 632 : i32
    %mul3A_4 = arith.muli %arg1, %mul3A_3 : i32
    "tpu.region"() ({
      %run_scoped3A = tpu.sem_alloc : memref<!tpu.dma_semaphore, #tpu.memory_space<semaphore_mem>>
      %dma_start3A_69 = arith.constant 0 : i32
      %dma_start3A_70 = tpu.memref_slice %arg11[%mul3A_4, %dma_start3A_69] : memref<10112x128xf32, #tpu.memory_space<vmem_shared>> -> memref<632x128xf32, #tpu.memory_space<vmem_shared>>
      tpu.enqueue_dma source(%arg5 : memref<632x128xf32, #tpu.memory_space<hbm>>) target(%dma_start3A_70 : memref<632x128xf32, #tpu.memory_space<vmem_shared>>) target_semaphore(%run_scoped3A : memref<!tpu.dma_semaphore, #tpu.memory_space<semaphore_mem>>)
      %dma_wait3A_71 = arith.constant 0 : i32
      %dma_wait3A_72 = tpu.memref_slice %arg11[%mul3A_4, %dma_wait3A_71] : memref<10112x128xf32, #tpu.memory_space<vmem_shared>> -> memref<632x128xf32, #tpu.memory_space<vmem_shared>>
      tpu.wait_dma2 semaphore(%run_scoped3A : memref<!tpu.dma_semaphore, #tpu.memory_space<semaphore_mem>>) src(%arg5 : memref<632x128xf32, #tpu.memory_space<hbm>>) dst(%dma_wait3A_72 : memref<632x128xf32, #tpu.memory_space<vmem_shared>>)
      tpu.yield
    }) : () -> ()
    %add3A_5 = arith.constant 0 : i32
    %add3A_6 = arith.addi %mul3A_2, %add3A_5 : i32
    %dma_start3A = arith.constant 0 : i32
    %dma_start3A_7 = arith.constant 0 : i32
    %dma_start3A_8 = tpu.memref_slice %arg7[%dma_start3A, %dma_start3A_7] : memref<16x128xi32, #tpu.memory_space<vmem>> -> memref<8x128xi32, #tpu.memory_space<vmem>>
    %dma_start3A_9 = arith.constant 0 : i32
    %dma_start3A_10 = tpu.memref_slice %arg3[%add3A_6, %dma_start3A_9] : memref<2560x128xi32, #tpu.memory_space<hbm>> -> memref<8x128xi32, #tpu.memory_space<hbm>>
    %dma_start3A_11 = arith.constant 0 : i32
    %dma_start3A_12 = arith.constant 0 : i32
    %dma_start3A_13 = tpu.memref_slice %arg7[%dma_start3A_11, %dma_start3A_12] : memref<16x128xi32, #tpu.memory_space<vmem>> -> memref<8x128xi32, #tpu.memory_space<vmem>>
    %dma_start3A_14 = arith.constant 0 : i32
    %dma_start3A_15 = tpu.memref_slice %arg3[%add3A_6, %dma_start3A_14] : memref<2560x128xi32, #tpu.memory_space<hbm>> -> memref<8x128xi32, #tpu.memory_space<hbm>>
    tpu.enqueue_dma source(%dma_start3A_15 : memref<8x128xi32, #tpu.memory_space<hbm>>) target(%dma_start3A_13 : memref<8x128xi32, #tpu.memory_space<vmem>>) target_semaphore(%arg14 : memref<!tpu.dma_semaphore, #tpu.memory_space<semaphore_mem>>)
    %dma_start3A_16 = arith.constant 0 : i32
    %dma_start3A_17 = arith.constant 0 : i32
    %dma_start3A_18 = tpu.memref_slice %arg8[%dma_start3A_16, %dma_start3A_17] : memref<16x128xi32, #tpu.memory_space<vmem>> -> memref<8x128xi32, #tpu.memory_space<vmem>>
    %dma_start3A_19 = arith.constant 0 : i32
    %dma_start3A_20 = tpu.memref_slice %arg4[%add3A_6, %dma_start3A_19] : memref<2560x128xi32, #tpu.memory_space<hbm>> -> memref<8x128xi32, #tpu.memory_space<hbm>>
    %dma_start3A_21 = arith.constant 0 : i32
    %dma_start3A_22 = arith.constant 0 : i32
    %dma_start3A_23 = tpu.memref_slice %arg8[%dma_start3A_21, %dma_start3A_22] : memref<16x128xi32, #tpu.memory_space<vmem>> -> memref<8x128xi32, #tpu.memory_space<vmem>>
    %dma_start3A_24 = arith.constant 0 : i32
    %dma_start3A_25 = tpu.memref_slice %arg4[%add3A_6, %dma_start3A_24] : memref<2560x128xi32, #tpu.memory_space<hbm>> -> memref<8x128xi32, #tpu.memory_space<hbm>>
    tpu.enqueue_dma source(%dma_start3A_25 : memref<8x128xi32, #tpu.memory_space<hbm>>) target(%dma_start3A_23 : memref<8x128xi32, #tpu.memory_space<vmem>>) target_semaphore(%arg15 : memref<!tpu.dma_semaphore, #tpu.memory_space<semaphore_mem>>)
    %dma_wait3A = arith.constant 0 : i32
    %dma_wait3A_26 = arith.constant 0 : i32
    %dma_wait3A_27 = tpu.memref_slice %arg7[%dma_wait3A, %dma_wait3A_26] : memref<16x128xi32, #tpu.memory_space<vmem>> -> memref<8x128xi32, #tpu.memory_space<vmem>>
    %dma_wait3A_28 = arith.constant 0 : i32
    %dma_wait3A_29 = tpu.memref_slice %arg3[%mul3A_2, %dma_wait3A_28] : memref<2560x128xi32, #tpu.memory_space<hbm>> -> memref<8x128xi32, #tpu.memory_space<hbm>>
    %dma_wait3A_30 = arith.constant 0 : i32
    %dma_wait3A_31 = arith.constant 0 : i32
    %dma_wait3A_32 = tpu.memref_slice %arg7[%dma_wait3A_30, %dma_wait3A_31] : memref<16x128xi32, #tpu.memory_space<vmem>> -> memref<8x128xi32, #tpu.memory_space<vmem>>
    %dma_wait3A_33 = arith.constant 0 : i32
    %dma_wait3A_34 = tpu.memref_slice %arg3[%mul3A_2, %dma_wait3A_33] : memref<2560x128xi32, #tpu.memory_space<hbm>> -> memref<8x128xi32, #tpu.memory_space<hbm>>
    tpu.wait_dma2 semaphore(%arg14 : memref<!tpu.dma_semaphore, #tpu.memory_space<semaphore_mem>>) src(%dma_wait3A_34 : memref<8x128xi32, #tpu.memory_space<hbm>>) dst(%dma_wait3A_32 : memref<8x128xi32, #tpu.memory_space<vmem>>)
    %dma_start3A_35 = arith.constant 0 : i32
    %dma_start3A_36 = arith.constant 0 : i32
    %dma_start3A_37 = tpu.memref_slice %arg7[%dma_start3A_35, %dma_start3A_36] : memref<16x128xi32, #tpu.memory_space<vmem>> -> memref<1x128xi32, #tpu.memory_space<vmem>>
    %dma_start3A_38 = tpu.memref_squeeze %dma_start3A_37 : memref<1x128xi32, #tpu.memory_space<vmem>> -> memref<128xi32, #tpu.memory_space<vmem>>
    %dma_start3A_39 = arith.constant 0 : i32
    %dma_start3A_40 = arith.constant 0 : i32
    %dma_start3A_41 = tpu.memref_slice %arg2[%dma_start3A_39, %dma_start3A_40] : memref<10000x128xf32, #tpu.memory_space<hbm>> -> memref<10000x128xf32, #tpu.memory_space<hbm>>
    tpu.enqueue_indirect_dma source(%dma_start3A_41 : memref<10000x128xf32, #tpu.memory_space<hbm>>) target(%arg9 : memref<128x128xf32, #tpu.memory_space<vmem>>) offsets(%dma_start3A_38 : memref<128xi32, #tpu.memory_space<vmem>>) semaphore(%arg12 : memref<!tpu.dma_semaphore, #tpu.memory_space<semaphore_mem>>)
    %barrier3A = arith.constant 0 : index
    tpu.barrier barrier_id(%barrier3A)
    %scan3A = arith.constant 0 : i32
    %scan3A_42 = arith.constant 0 : i32
    %scan3A_43 = arith.constant 5 : i32
    %scan3A_44 = arith.addi %scan3A_42, %scan3A_43 : i32
    %scan3A_45 = arith.constant 1 : i32
    scf.for %scan3A_69 = %scan3A_42 to %scan3A_44 step %scan3A_45  : i32 {
      %dma_wait3A_70 = arith.constant 0 : i32
      %dma_wait3A_71 = arith.constant 0 : i32
      %dma_wait3A_72 = tpu.memref_slice %arg8[%dma_wait3A_70, %dma_wait3A_71] : memref<16x128xi32, #tpu.memory_space<vmem>> -> memref<8x128xi32, #tpu.memory_space<vmem>>
      %dma_wait3A_73 = arith.constant 0 : i32
      %dma_wait3A_74 = tpu.memref_slice %arg3[%mul3A_2, %dma_wait3A_73] : memref<2560x128xi32, #tpu.memory_space<hbm>> -> memref<8x128xi32, #tpu.memory_space<hbm>>
      %dma_wait3A_75 = arith.constant 0 : i32
      %dma_wait3A_76 = arith.constant 0 : i32
      %dma_wait3A_77 = tpu.memref_slice %arg8[%dma_wait3A_75, %dma_wait3A_76] : memref<16x128xi32, #tpu.memory_space<vmem>> -> memref<8x128xi32, #tpu.memory_space<vmem>>
      %dma_wait3A_78 = arith.constant 0 : i32
      %dma_wait3A_79 = tpu.memref_slice %arg3[%mul3A_2, %dma_wait3A_78] : memref<2560x128xi32, #tpu.memory_space<hbm>> -> memref<8x128xi32, #tpu.memory_space<hbm>>
      tpu.wait_dma2 semaphore(%arg15 : memref<!tpu.dma_semaphore, #tpu.memory_space<semaphore_mem>>) src(%dma_wait3A_79 : memref<8x128xi32, #tpu.memory_space<hbm>>) dst(%dma_wait3A_77 : memref<8x128xi32, #tpu.memory_space<vmem>>)
      %mul3A_80 = arith.constant 2 : i32
      %mul3A_81 = arith.muli %mul3A_80, %scan3A_69 : i32
      %add3A_82 = arith.constant 1 : i32
      %add3A_83 = arith.addi %mul3A_81, %add3A_82 : i32
      %mul3A_84 = arith.constant 8 : i32
      %mul3A_85 = arith.muli %add3A_83, %mul3A_84 : i32
      %add3A_86 = arith.addi %mul3A_2, %mul3A_85 : i32
      %dma_start3A_87 = arith.constant 8 : i32
      %dma_start3A_88 = arith.constant 0 : i32
      %dma_start3A_89 = tpu.memref_slice %arg7[%dma_start3A_87, %dma_start3A_88] : memref<16x128xi32, #tpu.memory_space<vmem>> -> memref<8x128xi32, #tpu.memory_space<vmem>>
      %dma_start3A_90 = arith.constant 0 : i32
      %dma_start3A_91 = tpu.memref_slice %arg3[%add3A_86, %dma_start3A_90] : memref<2560x128xi32, #tpu.memory_space<hbm>> -> memref<8x128xi32, #tpu.memory_space<hbm>>
      %dma_start3A_92 = arith.constant 8 : i32
      %dma_start3A_93 = arith.constant 0 : i32
      %dma_start3A_94 = tpu.memref_slice %arg7[%dma_start3A_92, %dma_start3A_93] : memref<16x128xi32, #tpu.memory_space<vmem>> -> memref<8x128xi32, #tpu.memory_space<vmem>>
      %dma_start3A_95 = arith.constant 0 : i32
      %dma_start3A_96 = tpu.memref_slice %arg3[%add3A_86, %dma_start3A_95] : memref<2560x128xi32, #tpu.memory_space<hbm>> -> memref<8x128xi32, #tpu.memory_space<hbm>>
      tpu.enqueue_dma source(%dma_start3A_96 : memref<8x128xi32, #tpu.memory_space<hbm>>) target(%dma_start3A_94 : memref<8x128xi32, #tpu.memory_space<vmem>>) target_semaphore(%arg14 : memref<!tpu.dma_semaphore, #tpu.memory_space<semaphore_mem>>)
      %dma_start3A_97 = arith.constant 8 : i32
      %dma_start3A_98 = arith.constant 0 : i32
      %dma_start3A_99 = tpu.memref_slice %arg8[%dma_start3A_97, %dma_start3A_98] : memref<16x128xi32, #tpu.memory_space<vmem>> -> memref<8x128xi32, #tpu.memory_space<vmem>>
      %dma_start3A_100 = arith.constant 0 : i32
      %dma_start3A_101 = tpu.memref_slice %arg4[%add3A_86, %dma_start3A_100] : memref<2560x128xi32, #tpu.memory_space<hbm>> -> memref<8x128xi32, #tpu.memory_space<hbm>>
      %dma_start3A_102 = arith.constant 8 : i32
      %dma_start3A_103 = arith.constant 0 : i32
      %dma_start3A_104 = tpu.memref_slice %arg8[%dma_start3A_102, %dma_start3A_103] : memref<16x128xi32, #tpu.memory_space<vmem>> -> memref<8x128xi32, #tpu.memory_space<vmem>>
      %dma_start3A_105 = arith.constant 0 : i32
      %dma_start3A_106 = tpu.memref_slice %arg4[%add3A_86, %dma_start3A_105] : memref<2560x128xi32, #tpu.memory_space<hbm>> -> memref<8x128xi32, #tpu.memory_space<hbm>>
      tpu.enqueue_dma source(%dma_start3A_106 : memref<8x128xi32, #tpu.memory_space<hbm>>) target(%dma_start3A_104 : memref<8x128xi32, #tpu.memory_space<vmem>>) target_semaphore(%arg15 : memref<!tpu.dma_semaphore, #tpu.memory_space<semaphore_mem>>)
      %dma_wait3A_107 = arith.constant 0 : i32
      %dma_wait3A_108 = arith.constant 0 : i32
      %dma_wait3A_109 = tpu.memref_slice %arg7[%dma_wait3A_107, %dma_wait3A_108] : memref<16x128xi32, #tpu.memory_space<vmem>> -> memref<1x128xi32, #tpu.memory_space<vmem>>
      %dma_wait3A_110 = tpu.memref_squeeze %dma_wait3A_109 : memref<1x128xi32, #tpu.memory_space<vmem>> -> memref<128xi32, #tpu.memory_space<vmem>>
      %dma_wait3A_111 = arith.constant 0 : i32
      %dma_wait3A_112 = arith.constant 0 : i32
      %dma_wait3A_113 = tpu.memref_slice %arg2[%dma_wait3A_111, %dma_wait3A_112] : memref<10000x128xf32, #tpu.memory_space<hbm>> -> memref<10000x128xf32, #tpu.memory_space<hbm>>
      tpu.wait_indirect_dma semaphore(%arg12 : memref<!tpu.dma_semaphore, #tpu.memory_space<semaphore_mem>>) src(%dma_wait3A_113 : memref<10000x128xf32, #tpu.memory_space<hbm>>) dst(%arg9 : memref<128x128xf32, #tpu.memory_space<vmem>>)
      %dma_start3A_114 = arith.constant 1 : i32
      %dma_start3A_115 = arith.constant 0 : i32
      %dma_start3A_116 = tpu.memref_slice %arg7[%dma_start3A_114, %dma_start3A_115] : memref<16x128xi32, #tpu.memory_space<vmem>> -> memref<1x128xi32, #tpu.memory_space<vmem>>
      %dma_start3A_117 = tpu.memref_squeeze %dma_start3A_116 : memref<1x128xi32, #tpu.memory_space<vmem>> -> memref<128xi32, #tpu.memory_space<vmem>>
      %dma_start3A_118 = arith.constant 0 : i32
      %dma_start3A_119 = arith.constant 0 : i32
      %dma_start3A_120 = tpu.memref_slice %arg2[%dma_start3A_118, %dma_start3A_119] : memref<10000x128xf32, #tpu.memory_space<hbm>> -> memref<10000x128xf32, #tpu.memory_space<hbm>>
      tpu.enqueue_indirect_dma source(%dma_start3A_120 : memref<10000x128xf32, #tpu.memory_space<hbm>>) target(%arg10 : memref<128x128xf32, #tpu.memory_space<vmem>>) offsets(%dma_start3A_117 : memref<128xi32, #tpu.memory_space<vmem>>) semaphore(%arg13 : memref<!tpu.dma_semaphore, #tpu.memory_space<semaphore_mem>>)
      %run_scoped3A = arith.constant 0 : i32
      "tpu.region"() ({
        %run_scoped3A_404 = tpu.sem_alloc : memref<!tpu.dma_semaphore, #tpu.memory_space<semaphore_mem>>
        %dma_start3A_405 = arith.constant 0 : i32
        %dma_start3A_406 = tpu.memref_slice %arg8[%run_scoped3A, %dma_start3A_405] : memref<16x128xi32, #tpu.memory_space<vmem>> -> memref<1x128xi32, #tpu.memory_space<vmem>>
        %dma_start3A_407 = tpu.memref_squeeze %dma_start3A_406 : memref<1x128xi32, #tpu.memory_space<vmem>> -> memref<128xi32, #tpu.memory_space<vmem>>
        %dma_start3A_408 = arith.constant 0 : i32
        %dma_start3A_409 = arith.constant 0 : i32
        %dma_start3A_410 = tpu.memref_slice %arg11[%dma_start3A_408, %dma_start3A_409] : memref<10112x128xf32, #tpu.memory_space<vmem_shared>> -> memref<10112x128xf32, #tpu.memory_space<vmem_shared>>
        tpu.enqueue_indirect_dma source(%arg9 : memref<128x128xf32, #tpu.memory_space<vmem>>) target(%dma_start3A_410 : memref<10112x128xf32, #tpu.memory_space<vmem_shared>>) offsets(%dma_start3A_407 : memref<128xi32, #tpu.memory_space<vmem>>) semaphore(%run_scoped3A_404 : memref<!tpu.dma_semaphore, #tpu.memory_space<semaphore_mem>>) {add = true}
        %dma_wait3A_411 = arith.constant 0 : i32
        %dma_wait3A_412 = tpu.memref_slice %arg8[%run_scoped3A, %dma_wait3A_411] : memref<16x128xi32, #tpu.memory_space<vmem>> -> memref<1x128xi32, #tpu.memory_space<vmem>>
        %dma_wait3A_413 = tpu.memref_squeeze %dma_wait3A_412 : memref<1x128xi32, #tpu.memory_space<vmem>> -> memref<128xi32, #tpu.memory_space<vmem>>
        %dma_wait3A_414 = arith.constant 0 : i32
        %dma_wait3A_415 = arith.constant 0 : i32
        %dma_wait3A_416 = tpu.memref_slice %arg11[%dma_wait3A_414, %dma_wait3A_415] : memref<10112x128xf32, #tpu.memory_space<vmem_shared>> -> memref<10112x128xf32, #tpu.memory_space<vmem_shared>>
        tpu.wait_indirect_dma semaphore(%run_scoped3A_404 : memref<!tpu.dma_semaphore, #tpu.memory_space<semaphore_mem>>) src(%arg9 : memref<128x128xf32, #tpu.memory_space<vmem>>) dst(%dma_wait3A_416 : memref<10112x128xf32, #tpu.memory_space<vmem_shared>>)
        tpu.yield
      }) : () -> ()
      %dma_wait3A_121 = arith.constant 1 : i32
      %dma_wait3A_122 = arith.constant 0 : i32
      %dma_wait3A_123 = tpu.memref_slice %arg7[%dma_wait3A_121, %dma_wait3A_122] : memref<16x128xi32, #tpu.memory_space<vmem>> -> memref<1x128xi32, #tpu.memory_space<vmem>>
      %dma_wait3A_124 = tpu.memref_squeeze %dma_wait3A_123 : memref<1x128xi32, #tpu.memory_space<vmem>> -> memref<128xi32, #tpu.memory_space<vmem>>
      %dma_wait3A_125 = arith.constant 0 : i32
      %dma_wait3A_126 = arith.constant 0 : i32
      %dma_wait3A_127 = tpu.memref_slice %arg2[%dma_wait3A_125, %dma_wait3A_126] : memref<10000x128xf32, #tpu.memory_space<hbm>> -> memref<10000x128xf32, #tpu.memory_space<hbm>>
      tpu.wait_indirect_dma semaphore(%arg13 : memref<!tpu.dma_semaphore, #tpu.memory_space<semaphore_mem>>) src(%dma_wait3A_127 : memref<10000x128xf32, #tpu.memory_space<hbm>>) dst(%arg10 : memref<128x128xf32, #tpu.memory_space<vmem>>)
      %dma_start3A_128 = arith.constant 2 : i32
      %dma_start3A_129 = arith.constant 0 : i32
      %dma_start3A_130 = tpu.memref_slice %arg7[%dma_start3A_128, %dma_start3A_129] : memref<16x128xi32, #tpu.memory_space<vmem>> -> memref<1x128xi32, #tpu.memory_space<vmem>>
      %dma_start3A_131 = tpu.memref_squeeze %dma_start3A_130 : memref<1x128xi32, #tpu.memory_space<vmem>> -> memref<128xi32, #tpu.memory_space<vmem>>
      %dma_start3A_132 = arith.constant 0 : i32
      %dma_start3A_133 = arith.constant 0 : i32
      %dma_start3A_134 = tpu.memref_slice %arg2[%dma_start3A_132, %dma_start3A_133] : memref<10000x128xf32, #tpu.memory_space<hbm>> -> memref<10000x128xf32, #tpu.memory_space<hbm>>
      tpu.enqueue_indirect_dma source(%dma_start3A_134 : memref<10000x128xf32, #tpu.memory_space<hbm>>) target(%arg9 : memref<128x128xf32, #tpu.memory_space<vmem>>) offsets(%dma_start3A_131 : memref<128xi32, #tpu.memory_space<vmem>>) semaphore(%arg12 : memref<!tpu.dma_semaphore, #tpu.memory_space<semaphore_mem>>)
      %run_scoped3A_135 = arith.constant 1 : i32
      "tpu.region"() ({
        %run_scoped3A_404 = tpu.sem_alloc : memref<!tpu.dma_semaphore, #tpu.memory_space<semaphore_mem>>
        %dma_start3A_405 = arith.constant 0 : i32
        %dma_start3A_406 = tpu.memref_slice %arg8[%run_scoped3A_135, %dma_start3A_405] : memref<16x128xi32, #tpu.memory_space<vmem>> -> memref<1x128xi32, #tpu.memory_space<vmem>>
        %dma_start3A_407 = tpu.memref_squeeze %dma_start3A_406 : memref<1x128xi32, #tpu.memory_space<vmem>> -> memref<128xi32, #tpu.memory_space<vmem>>
        %dma_start3A_408 = arith.constant 0 : i32
        %dma_start3A_409 = arith.constant 0 : i32
        %dma_start3A_410 = tpu.memref_slice %arg11[%dma_start3A_408, %dma_start3A_409] : memref<10112x128xf32, #tpu.memory_space<vmem_shared>> -> memref<10112x128xf32, #tpu.memory_space<vmem_shared>>
        tpu.enqueue_indirect_dma source(%arg10 : memref<128x128xf32, #tpu.memory_space<vmem>>) target(%dma_start3A_410 : memref<10112x128xf32, #tpu.memory_space<vmem_shared>>) offsets(%dma_start3A_407 : memref<128xi32, #tpu.memory_space<vmem>>) semaphore(%run_scoped3A_404 : memref<!tpu.dma_semaphore, #tpu.memory_space<semaphore_mem>>) {add = true}
        %dma_wait3A_411 = arith.constant 0 : i32
        %dma_wait3A_412 = tpu.memref_slice %arg8[%run_scoped3A_135, %dma_wait3A_411] : memref<16x128xi32, #tpu.memory_space<vmem>> -> memref<1x128xi32, #tpu.memory_space<vmem>>
        %dma_wait3A_413 = tpu.memref_squeeze %dma_wait3A_412 : memref<1x128xi32, #tpu.memory_space<vmem>> -> memref<128xi32, #tpu.memory_space<vmem>>
        %dma_wait3A_414 = arith.constant 0 : i32
        %dma_wait3A_415 = arith.constant 0 : i32
        %dma_wait3A_416 = tpu.memref_slice %arg11[%dma_wait3A_414, %dma_wait3A_415] : memref<10112x128xf32, #tpu.memory_space<vmem_shared>> -> memref<10112x128xf32, #tpu.memory_space<vmem_shared>>
        tpu.wait_indirect_dma semaphore(%run_scoped3A_404 : memref<!tpu.dma_semaphore, #tpu.memory_space<semaphore_mem>>) src(%arg10 : memref<128x128xf32, #tpu.memory_space<vmem>>) dst(%dma_wait3A_416 : memref<10112x128xf32, #tpu.memory_space<vmem_shared>>)
        tpu.yield
      }) : () -> ()
      %dma_wait3A_136 = arith.constant 2 : i32
      %dma_wait3A_137 = arith.constant 0 : i32
      %dma_wait3A_138 = tpu.memref_slice %arg7[%dma_wait3A_136, %dma_wait3A_137] : memref<16x128xi32, #tpu.memory_space<vmem>> -> memref<1x128xi32, #tpu.memory_space<vmem>>
      %dma_wait3A_139 = tpu.memref_squeeze %dma_wait3A_138 : memref<1x128xi32, #tpu.memory_space<vmem>> -> memref<128xi32, #tpu.memory_space<vmem>>
      %dma_wait3A_140 = arith.constant 0 : i32
      %dma_wait3A_141 = arith.constant 0 : i32
      %dma_wait3A_142 = tpu.memref_slice %arg2[%dma_wait3A_140, %dma_wait3A_141] : memref<10000x128xf32, #tpu.memory_space<hbm>> -> memref<10000x128xf32, #tpu.memory_space<hbm>>
      tpu.wait_indirect_dma semaphore(%arg12 : memref<!tpu.dma_semaphore, #tpu.memory_space<semaphore_mem>>) src(%dma_wait3A_142 : memref<10000x128xf32, #tpu.memory_space<hbm>>) dst(%arg9 : memref<128x128xf32, #tpu.memory_space<vmem>>)
      %dma_start3A_143 = arith.constant 3 : i32
      %dma_start3A_144 = arith.constant 0 : i32
      %dma_start3A_145 = tpu.memref_slice %arg7[%dma_start3A_143, %dma_start3A_144] : memref<16x128xi32, #tpu.memory_space<vmem>> -> memref<1x128xi32, #tpu.memory_space<vmem>>
      %dma_start3A_146 = tpu.memref_squeeze %dma_start3A_145 : memref<1x128xi32, #tpu.memory_space<vmem>> -> memref<128xi32, #tpu.memory_space<vmem>>
      %dma_start3A_147 = arith.constant 0 : i32
      %dma_start3A_148 = arith.constant 0 : i32
      %dma_start3A_149 = tpu.memref_slice %arg2[%dma_start3A_147, %dma_start3A_148] : memref<10000x128xf32, #tpu.memory_space<hbm>> -> memref<10000x128xf32, #tpu.memory_space<hbm>>
      tpu.enqueue_indirect_dma source(%dma_start3A_149 : memref<10000x128xf32, #tpu.memory_space<hbm>>) target(%arg10 : memref<128x128xf32, #tpu.memory_space<vmem>>) offsets(%dma_start3A_146 : memref<128xi32, #tpu.memory_space<vmem>>) semaphore(%arg13 : memref<!tpu.dma_semaphore, #tpu.memory_space<semaphore_mem>>)
      %run_scoped3A_150 = arith.constant 2 : i32
      "tpu.region"() ({
        %run_scoped3A_404 = tpu.sem_alloc : memref<!tpu.dma_semaphore, #tpu.memory_space<semaphore_mem>>
        %dma_start3A_405 = arith.constant 0 : i32
        %dma_start3A_406 = tpu.memref_slice %arg8[%run_scoped3A_150, %dma_start3A_405] : memref<16x128xi32, #tpu.memory_space<vmem>> -> memref<1x128xi32, #tpu.memory_space<vmem>>
        %dma_start3A_407 = tpu.memref_squeeze %dma_start3A_406 : memref<1x128xi32, #tpu.memory_space<vmem>> -> memref<128xi32, #tpu.memory_space<vmem>>
        %dma_start3A_408 = arith.constant 0 : i32
        %dma_start3A_409 = arith.constant 0 : i32
        %dma_start3A_410 = tpu.memref_slice %arg11[%dma_start3A_408, %dma_start3A_409] : memref<10112x128xf32, #tpu.memory_space<vmem_shared>> -> memref<10112x128xf32, #tpu.memory_space<vmem_shared>>
        tpu.enqueue_indirect_dma source(%arg9 : memref<128x128xf32, #tpu.memory_space<vmem>>) target(%dma_start3A_410 : memref<10112x128xf32, #tpu.memory_space<vmem_shared>>) offsets(%dma_start3A_407 : memref<128xi32, #tpu.memory_space<vmem>>) semaphore(%run_scoped3A_404 : memref<!tpu.dma_semaphore, #tpu.memory_space<semaphore_mem>>) {add = true}
        %dma_wait3A_411 = arith.constant 0 : i32
        %dma_wait3A_412 = tpu.memref_slice %arg8[%run_scoped3A_150, %dma_wait3A_411] : memref<16x128xi32, #tpu.memory_space<vmem>> -> memref<1x128xi32, #tpu.memory_space<vmem>>
        %dma_wait3A_413 = tpu.memref_squeeze %dma_wait3A_412 : memref<1x128xi32, #tpu.memory_space<vmem>> -> memref<128xi32, #tpu.memory_space<vmem>>
        %dma_wait3A_414 = arith.constant 0 : i32
        %dma_wait3A_415 = arith.constant 0 : i32
        %dma_wait3A_416 = tpu.memref_slice %arg11[%dma_wait3A_414, %dma_wait3A_415] : memref<10112x128xf32, #tpu.memory_space<vmem_shared>> -> memref<10112x128xf32, #tpu.memory_space<vmem_shared>>
        tpu.wait_indirect_dma semaphore(%run_scoped3A_404 : memref<!tpu.dma_semaphore, #tpu.memory_space<semaphore_mem>>) src(%arg9 : memref<128x128xf32, #tpu.memory_space<vmem>>) dst(%dma_wait3A_416 : memref<10112x128xf32, #tpu.memory_space<vmem_shared>>)
        tpu.yield
      }) : () -> ()
      %dma_wait3A_151 = arith.constant 3 : i32
      %dma_wait3A_152 = arith.constant 0 : i32
      %dma_wait3A_153 = tpu.memref_slice %arg7[%dma_wait3A_151, %dma_wait3A_152] : memref<16x128xi32, #tpu.memory_space<vmem>> -> memref<1x128xi32, #tpu.memory_space<vmem>>
      %dma_wait3A_154 = tpu.memref_squeeze %dma_wait3A_153 : memref<1x128xi32, #tpu.memory_space<vmem>> -> memref<128xi32, #tpu.memory_space<vmem>>
      %dma_wait3A_155 = arith.constant 0 : i32
      %dma_wait3A_156 = arith.constant 0 : i32
      %dma_wait3A_157 = tpu.memref_slice %arg2[%dma_wait3A_155, %dma_wait3A_156] : memref<10000x128xf32, #tpu.memory_space<hbm>> -> memref<10000x128xf32, #tpu.memory_space<hbm>>
      tpu.wait_indirect_dma semaphore(%arg13 : memref<!tpu.dma_semaphore, #tpu.memory_space<semaphore_mem>>) src(%dma_wait3A_157 : memref<10000x128xf32, #tpu.memory_space<hbm>>) dst(%arg10 : memref<128x128xf32, #tpu.memory_space<vmem>>)
      %dma_start3A_158 = arith.constant 4 : i32
      %dma_start3A_159 = arith.constant 0 : i32
      %dma_start3A_160 = tpu.memref_slice %arg7[%dma_start3A_158, %dma_start3A_159] : memref<16x128xi32, #tpu.memory_space<vmem>> -> memref<1x128xi32, #tpu.memory_space<vmem>>
      %dma_start3A_161 = tpu.memref_squeeze %dma_start3A_160 : memref<1x128xi32, #tpu.memory_space<vmem>> -> memref<128xi32, #tpu.memory_space<vmem>>
      %dma_start3A_162 = arith.constant 0 : i32
      %dma_start3A_163 = arith.constant 0 : i32
      %dma_start3A_164 = tpu.memref_slice %arg2[%dma_start3A_162, %dma_start3A_163] : memref<10000x128xf32, #tpu.memory_space<hbm>> -> memref<10000x128xf32, #tpu.memory_space<hbm>>
      tpu.enqueue_indirect_dma source(%dma_start3A_164 : memref<10000x128xf32, #tpu.memory_space<hbm>>) target(%arg9 : memref<128x128xf32, #tpu.memory_space<vmem>>) offsets(%dma_start3A_161 : memref<128xi32, #tpu.memory_space<vmem>>) semaphore(%arg12 : memref<!tpu.dma_semaphore, #tpu.memory_space<semaphore_mem>>)
      %run_scoped3A_165 = arith.constant 3 : i32
      "tpu.region"() ({
        %run_scoped3A_404 = tpu.sem_alloc : memref<!tpu.dma_semaphore, #tpu.memory_space<semaphore_mem>>
        %dma_start3A_405 = arith.constant 0 : i32
        %dma_start3A_406 = tpu.memref_slice %arg8[%run_scoped3A_165, %dma_start3A_405] : memref<16x128xi32, #tpu.memory_space<vmem>> -> memref<1x128xi32, #tpu.memory_space<vmem>>
        %dma_start3A_407 = tpu.memref_squeeze %dma_start3A_406 : memref<1x128xi32, #tpu.memory_space<vmem>> -> memref<128xi32, #tpu.memory_space<vmem>>
        %dma_start3A_408 = arith.constant 0 : i32
        %dma_start3A_409 = arith.constant 0 : i32
        %dma_start3A_410 = tpu.memref_slice %arg11[%dma_start3A_408, %dma_start3A_409] : memref<10112x128xf32, #tpu.memory_space<vmem_shared>> -> memref<10112x128xf32, #tpu.memory_space<vmem_shared>>
        tpu.enqueue_indirect_dma source(%arg10 : memref<128x128xf32, #tpu.memory_space<vmem>>) target(%dma_start3A_410 : memref<10112x128xf32, #tpu.memory_space<vmem_shared>>) offsets(%dma_start3A_407 : memref<128xi32, #tpu.memory_space<vmem>>) semaphore(%run_scoped3A_404 : memref<!tpu.dma_semaphore, #tpu.memory_space<semaphore_mem>>) {add = true}
        %dma_wait3A_411 = arith.constant 0 : i32
        %dma_wait3A_412 = tpu.memref_slice %arg8[%run_scoped3A_165, %dma_wait3A_411] : memref<16x128xi32, #tpu.memory_space<vmem>> -> memref<1x128xi32, #tpu.memory_space<vmem>>
        %dma_wait3A_413 = tpu.memref_squeeze %dma_wait3A_412 : memref<1x128xi32, #tpu.memory_space<vmem>> -> memref<128xi32, #tpu.memory_space<vmem>>
        %dma_wait3A_414 = arith.constant 0 : i32
        %dma_wait3A_415 = arith.constant 0 : i32
        %dma_wait3A_416 = tpu.memref_slice %arg11[%dma_wait3A_414, %dma_wait3A_415] : memref<10112x128xf32, #tpu.memory_space<vmem_shared>> -> memref<10112x128xf32, #tpu.memory_space<vmem_shared>>
        tpu.wait_indirect_dma semaphore(%run_scoped3A_404 : memref<!tpu.dma_semaphore, #tpu.memory_space<semaphore_mem>>) src(%arg10 : memref<128x128xf32, #tpu.memory_space<vmem>>) dst(%dma_wait3A_416 : memref<10112x128xf32, #tpu.memory_space<vmem_shared>>)
        tpu.yield
      }) : () -> ()
      %dma_wait3A_166 = arith.constant 4 : i32
      %dma_wait3A_167 = arith.constant 0 : i32
      %dma_wait3A_168 = tpu.memref_slice %arg7[%dma_wait3A_166, %dma_wait3A_167] : memref<16x128xi32, #tpu.memory_space<vmem>> -> memref<1x128xi32, #tpu.memory_space<vmem>>
      %dma_wait3A_169 = tpu.memref_squeeze %dma_wait3A_168 : memref<1x128xi32, #tpu.memory_space<vmem>> -> memref<128xi32, #tpu.memory_space<vmem>>
      %dma_wait3A_170 = arith.constant 0 : i32
      %dma_wait3A_171 = arith.constant 0 : i32
      %dma_wait3A_172 = tpu.memref_slice %arg2[%dma_wait3A_170, %dma_wait3A_171] : memref<10000x128xf32, #tpu.memory_space<hbm>> -> memref<10000x128xf32, #tpu.memory_space<hbm>>
      tpu.wait_indirect_dma semaphore(%arg12 : memref<!tpu.dma_semaphore, #tpu.memory_space<semaphore_mem>>) src(%dma_wait3A_172 : memref<10000x128xf32, #tpu.memory_space<hbm>>) dst(%arg9 : memref<128x128xf32, #tpu.memory_space<vmem>>)
      %dma_start3A_173 = arith.constant 5 : i32
      %dma_start3A_174 = arith.constant 0 : i32
      %dma_start3A_175 = tpu.memref_slice %arg7[%dma_start3A_173, %dma_start3A_174] : memref<16x128xi32, #tpu.memory_space<vmem>> -> memref<1x128xi32, #tpu.memory_space<vmem>>
      %dma_start3A_176 = tpu.memref_squeeze %dma_start3A_175 : memref<1x128xi32, #tpu.memory_space<vmem>> -> memref<128xi32, #tpu.memory_space<vmem>>
      %dma_start3A_177 = arith.constant 0 : i32
      %dma_start3A_178 = arith.constant 0 : i32
      %dma_start3A_179 = tpu.memref_slice %arg2[%dma_start3A_177, %dma_start3A_178] : memref<10000x128xf32, #tpu.memory_space<hbm>> -> memref<10000x128xf32, #tpu.memory_space<hbm>>
      tpu.enqueue_indirect_dma source(%dma_start3A_179 : memref<10000x128xf32, #tpu.memory_space<hbm>>) target(%arg10 : memref<128x128xf32, #tpu.memory_space<vmem>>) offsets(%dma_start3A_176 : memref<128xi32, #tpu.memory_space<vmem>>) semaphore(%arg13 : memref<!tpu.dma_semaphore, #tpu.memory_space<semaphore_mem>>)
      %run_scoped3A_180 = arith.constant 4 : i32
      "tpu.region"() ({
        %run_scoped3A_404 = tpu.sem_alloc : memref<!tpu.dma_semaphore, #tpu.memory_space<semaphore_mem>>
        %dma_start3A_405 = arith.constant 0 : i32
        %dma_start3A_406 = tpu.memref_slice %arg8[%run_scoped3A_180, %dma_start3A_405] : memref<16x128xi32, #tpu.memory_space<vmem>> -> memref<1x128xi32, #tpu.memory_space<vmem>>
        %dma_start3A_407 = tpu.memref_squeeze %dma_start3A_406 : memref<1x128xi32, #tpu.memory_space<vmem>> -> memref<128xi32, #tpu.memory_space<vmem>>
        %dma_start3A_408 = arith.constant 0 : i32
        %dma_start3A_409 = arith.constant 0 : i32
        %dma_start3A_410 = tpu.memref_slice %arg11[%dma_start3A_408, %dma_start3A_409] : memref<10112x128xf32, #tpu.memory_space<vmem_shared>> -> memref<10112x128xf32, #tpu.memory_space<vmem_shared>>
        tpu.enqueue_indirect_dma source(%arg9 : memref<128x128xf32, #tpu.memory_space<vmem>>) target(%dma_start3A_410 : memref<10112x128xf32, #tpu.memory_space<vmem_shared>>) offsets(%dma_start3A_407 : memref<128xi32, #tpu.memory_space<vmem>>) semaphore(%run_scoped3A_404 : memref<!tpu.dma_semaphore, #tpu.memory_space<semaphore_mem>>) {add = true}
        %dma_wait3A_411 = arith.constant 0 : i32
        %dma_wait3A_412 = tpu.memref_slice %arg8[%run_scoped3A_180, %dma_wait3A_411] : memref<16x128xi32, #tpu.memory_space<vmem>> -> memref<1x128xi32, #tpu.memory_space<vmem>>
        %dma_wait3A_413 = tpu.memref_squeeze %dma_wait3A_412 : memref<1x128xi32, #tpu.memory_space<vmem>> -> memref<128xi32, #tpu.memory_space<vmem>>
        %dma_wait3A_414 = arith.constant 0 : i32
        %dma_wait3A_415 = arith.constant 0 : i32
        %dma_wait3A_416 = tpu.memref_slice %arg11[%dma_wait3A_414, %dma_wait3A_415] : memref<10112x128xf32, #tpu.memory_space<vmem_shared>> -> memref<10112x128xf32, #tpu.memory_space<vmem_shared>>
        tpu.wait_indirect_dma semaphore(%run_scoped3A_404 : memref<!tpu.dma_semaphore, #tpu.memory_space<semaphore_mem>>) src(%arg9 : memref<128x128xf32, #tpu.memory_space<vmem>>) dst(%dma_wait3A_416 : memref<10112x128xf32, #tpu.memory_space<vmem_shared>>)
        tpu.yield
      }) : () -> ()
      %dma_wait3A_181 = arith.constant 5 : i32
      %dma_wait3A_182 = arith.constant 0 : i32
      %dma_wait3A_183 = tpu.memref_slice %arg7[%dma_wait3A_181, %dma_wait3A_182] : memref<16x128xi32, #tpu.memory_space<vmem>> -> memref<1x128xi32, #tpu.memory_space<vmem>>
      %dma_wait3A_184 = tpu.memref_squeeze %dma_wait3A_183 : memref<1x128xi32, #tpu.memory_space<vmem>> -> memref<128xi32, #tpu.memory_space<vmem>>
      %dma_wait3A_185 = arith.constant 0 : i32
      %dma_wait3A_186 = arith.constant 0 : i32
      %dma_wait3A_187 = tpu.memref_slice %arg2[%dma_wait3A_185, %dma_wait3A_186] : memref<10000x128xf32, #tpu.memory_space<hbm>> -> memref<10000x128xf32, #tpu.memory_space<hbm>>
      tpu.wait_indirect_dma semaphore(%arg13 : memref<!tpu.dma_semaphore, #tpu.memory_space<semaphore_mem>>) src(%dma_wait3A_187 : memref<10000x128xf32, #tpu.memory_space<hbm>>) dst(%arg10 : memref<128x128xf32, #tpu.memory_space<vmem>>)
      %dma_start3A_188 = arith.constant 6 : i32
      %dma_start3A_189 = arith.constant 0 : i32
      %dma_start3A_190 = tpu.memref_slice %arg7[%dma_start3A_188, %dma_start3A_189] : memref<16x128xi32, #tpu.memory_space<vmem>> -> memref<1x128xi32, #tpu.memory_space<vmem>>
      %dma_start3A_191 = tpu.memref_squeeze %dma_start3A_190 : memref<1x128xi32, #tpu.memory_space<vmem>> -> memref<128xi32, #tpu.memory_space<vmem>>
      %dma_start3A_192 = arith.constant 0 : i32
      %dma_start3A_193 = arith.constant 0 : i32
      %dma_start3A_194 = tpu.memref_slice %arg2[%dma_start3A_192, %dma_start3A_193] : memref<10000x128xf32, #tpu.memory_space<hbm>> -> memref<10000x128xf32, #tpu.memory_space<hbm>>
      tpu.enqueue_indirect_dma source(%dma_start3A_194 : memref<10000x128xf32, #tpu.memory_space<hbm>>) target(%arg9 : memref<128x128xf32, #tpu.memory_space<vmem>>) offsets(%dma_start3A_191 : memref<128xi32, #tpu.memory_space<vmem>>) semaphore(%arg12 : memref<!tpu.dma_semaphore, #tpu.memory_space<semaphore_mem>>)
      %run_scoped3A_195 = arith.constant 5 : i32
      "tpu.region"() ({
        %run_scoped3A_404 = tpu.sem_alloc : memref<!tpu.dma_semaphore, #tpu.memory_space<semaphore_mem>>
        %dma_start3A_405 = arith.constant 0 : i32
        %dma_start3A_406 = tpu.memref_slice %arg8[%run_scoped3A_195, %dma_start3A_405] : memref<16x128xi32, #tpu.memory_space<vmem>> -> memref<1x128xi32, #tpu.memory_space<vmem>>
        %dma_start3A_407 = tpu.memref_squeeze %dma_start3A_406 : memref<1x128xi32, #tpu.memory_space<vmem>> -> memref<128xi32, #tpu.memory_space<vmem>>
        %dma_start3A_408 = arith.constant 0 : i32
        %dma_start3A_409 = arith.constant 0 : i32
        %dma_start3A_410 = tpu.memref_slice %arg11[%dma_start3A_408, %dma_start3A_409] : memref<10112x128xf32, #tpu.memory_space<vmem_shared>> -> memref<10112x128xf32, #tpu.memory_space<vmem_shared>>
        tpu.enqueue_indirect_dma source(%arg10 : memref<128x128xf32, #tpu.memory_space<vmem>>) target(%dma_start3A_410 : memref<10112x128xf32, #tpu.memory_space<vmem_shared>>) offsets(%dma_start3A_407 : memref<128xi32, #tpu.memory_space<vmem>>) semaphore(%run_scoped3A_404 : memref<!tpu.dma_semaphore, #tpu.memory_space<semaphore_mem>>) {add = true}
        %dma_wait3A_411 = arith.constant 0 : i32
        %dma_wait3A_412 = tpu.memref_slice %arg8[%run_scoped3A_195, %dma_wait3A_411] : memref<16x128xi32, #tpu.memory_space<vmem>> -> memref<1x128xi32, #tpu.memory_space<vmem>>
        %dma_wait3A_413 = tpu.memref_squeeze %dma_wait3A_412 : memref<1x128xi32, #tpu.memory_space<vmem>> -> memref<128xi32, #tpu.memory_space<vmem>>
        %dma_wait3A_414 = arith.constant 0 : i32
        %dma_wait3A_415 = arith.constant 0 : i32
        %dma_wait3A_416 = tpu.memref_slice %arg11[%dma_wait3A_414, %dma_wait3A_415] : memref<10112x128xf32, #tpu.memory_space<vmem_shared>> -> memref<10112x128xf32, #tpu.memory_space<vmem_shared>>
        tpu.wait_indirect_dma semaphore(%run_scoped3A_404 : memref<!tpu.dma_semaphore, #tpu.memory_space<semaphore_mem>>) src(%arg10 : memref<128x128xf32, #tpu.memory_space<vmem>>) dst(%dma_wait3A_416 : memref<10112x128xf32, #tpu.memory_space<vmem_shared>>)
        tpu.yield
      }) : () -> ()
      %dma_wait3A_196 = arith.constant 6 : i32
      %dma_wait3A_197 = arith.constant 0 : i32
      %dma_wait3A_198 = tpu.memref_slice %arg7[%dma_wait3A_196, %dma_wait3A_197] : memref<16x128xi32, #tpu.memory_space<vmem>> -> memref<1x128xi32, #tpu.memory_space<vmem>>
      %dma_wait3A_199 = tpu.memref_squeeze %dma_wait3A_198 : memref<1x128xi32, #tpu.memory_space<vmem>> -> memref<128xi32, #tpu.memory_space<vmem>>
      %dma_wait3A_200 = arith.constant 0 : i32
      %dma_wait3A_201 = arith.constant 0 : i32
      %dma_wait3A_202 = tpu.memref_slice %arg2[%dma_wait3A_200, %dma_wait3A_201] : memref<10000x128xf32, #tpu.memory_space<hbm>> -> memref<10000x128xf32, #tpu.memory_space<hbm>>
      tpu.wait_indirect_dma semaphore(%arg12 : memref<!tpu.dma_semaphore, #tpu.memory_space<semaphore_mem>>) src(%dma_wait3A_202 : memref<10000x128xf32, #tpu.memory_space<hbm>>) dst(%arg9 : memref<128x128xf32, #tpu.memory_space<vmem>>)
      %dma_start3A_203 = arith.constant 7 : i32
      %dma_start3A_204 = arith.constant 0 : i32
      %dma_start3A_205 = tpu.memref_slice %arg7[%dma_start3A_203, %dma_start3A_204] : memref<16x128xi32, #tpu.memory_space<vmem>> -> memref<1x128xi32, #tpu.memory_space<vmem>>
      %dma_start3A_206 = tpu.memref_squeeze %dma_start3A_205 : memref<1x128xi32, #tpu.memory_space<vmem>> -> memref<128xi32, #tpu.memory_space<vmem>>
      %dma_start3A_207 = arith.constant 0 : i32
      %dma_start3A_208 = arith.constant 0 : i32
      %dma_start3A_209 = tpu.memref_slice %arg2[%dma_start3A_207, %dma_start3A_208] : memref<10000x128xf32, #tpu.memory_space<hbm>> -> memref<10000x128xf32, #tpu.memory_space<hbm>>
      tpu.enqueue_indirect_dma source(%dma_start3A_209 : memref<10000x128xf32, #tpu.memory_space<hbm>>) target(%arg10 : memref<128x128xf32, #tpu.memory_space<vmem>>) offsets(%dma_start3A_206 : memref<128xi32, #tpu.memory_space<vmem>>) semaphore(%arg13 : memref<!tpu.dma_semaphore, #tpu.memory_space<semaphore_mem>>)
      %run_scoped3A_210 = arith.constant 6 : i32
      "tpu.region"() ({
        %run_scoped3A_404 = tpu.sem_alloc : memref<!tpu.dma_semaphore, #tpu.memory_space<semaphore_mem>>
        %dma_start3A_405 = arith.constant 0 : i32
        %dma_start3A_406 = tpu.memref_slice %arg8[%run_scoped3A_210, %dma_start3A_405] : memref<16x128xi32, #tpu.memory_space<vmem>> -> memref<1x128xi32, #tpu.memory_space<vmem>>
        %dma_start3A_407 = tpu.memref_squeeze %dma_start3A_406 : memref<1x128xi32, #tpu.memory_space<vmem>> -> memref<128xi32, #tpu.memory_space<vmem>>
        %dma_start3A_408 = arith.constant 0 : i32
        %dma_start3A_409 = arith.constant 0 : i32
        %dma_start3A_410 = tpu.memref_slice %arg11[%dma_start3A_408, %dma_start3A_409] : memref<10112x128xf32, #tpu.memory_space<vmem_shared>> -> memref<10112x128xf32, #tpu.memory_space<vmem_shared>>
        tpu.enqueue_indirect_dma source(%arg9 : memref<128x128xf32, #tpu.memory_space<vmem>>) target(%dma_start3A_410 : memref<10112x128xf32, #tpu.memory_space<vmem_shared>>) offsets(%dma_start3A_407 : memref<128xi32, #tpu.memory_space<vmem>>) semaphore(%run_scoped3A_404 : memref<!tpu.dma_semaphore, #tpu.memory_space<semaphore_mem>>) {add = true}
        %dma_wait3A_411 = arith.constant 0 : i32
        %dma_wait3A_412 = tpu.memref_slice %arg8[%run_scoped3A_210, %dma_wait3A_411] : memref<16x128xi32, #tpu.memory_space<vmem>> -> memref<1x128xi32, #tpu.memory_space<vmem>>
        %dma_wait3A_413 = tpu.memref_squeeze %dma_wait3A_412 : memref<1x128xi32, #tpu.memory_space<vmem>> -> memref<128xi32, #tpu.memory_space<vmem>>
        %dma_wait3A_414 = arith.constant 0 : i32
        %dma_wait3A_415 = arith.constant 0 : i32
        %dma_wait3A_416 = tpu.memref_slice %arg11[%dma_wait3A_414, %dma_wait3A_415] : memref<10112x128xf32, #tpu.memory_space<vmem_shared>> -> memref<10112x128xf32, #tpu.memory_space<vmem_shared>>
        tpu.wait_indirect_dma semaphore(%run_scoped3A_404 : memref<!tpu.dma_semaphore, #tpu.memory_space<semaphore_mem>>) src(%arg9 : memref<128x128xf32, #tpu.memory_space<vmem>>) dst(%dma_wait3A_416 : memref<10112x128xf32, #tpu.memory_space<vmem_shared>>)
        tpu.yield
      }) : () -> ()
      %dma_wait3A_211 = arith.constant 7 : i32
      %dma_wait3A_212 = arith.constant 0 : i32
      %dma_wait3A_213 = tpu.memref_slice %arg7[%dma_wait3A_211, %dma_wait3A_212] : memref<16x128xi32, #tpu.memory_space<vmem>> -> memref<1x128xi32, #tpu.memory_space<vmem>>
      %dma_wait3A_214 = tpu.memref_squeeze %dma_wait3A_213 : memref<1x128xi32, #tpu.memory_space<vmem>> -> memref<128xi32, #tpu.memory_space<vmem>>
      %dma_wait3A_215 = arith.constant 0 : i32
      %dma_wait3A_216 = arith.constant 0 : i32
      %dma_wait3A_217 = tpu.memref_slice %arg2[%dma_wait3A_215, %dma_wait3A_216] : memref<10000x128xf32, #tpu.memory_space<hbm>> -> memref<10000x128xf32, #tpu.memory_space<hbm>>
      tpu.wait_indirect_dma semaphore(%arg13 : memref<!tpu.dma_semaphore, #tpu.memory_space<semaphore_mem>>) src(%dma_wait3A_217 : memref<10000x128xf32, #tpu.memory_space<hbm>>) dst(%arg10 : memref<128x128xf32, #tpu.memory_space<vmem>>)
      %dma_wait3A_218 = arith.constant 8 : i32
      %dma_wait3A_219 = arith.constant 0 : i32
      %dma_wait3A_220 = tpu.memref_slice %arg7[%dma_wait3A_218, %dma_wait3A_219] : memref<16x128xi32, #tpu.memory_space<vmem>> -> memref<8x128xi32, #tpu.memory_space<vmem>>
      %dma_wait3A_221 = arith.constant 0 : i32
      %dma_wait3A_222 = tpu.memref_slice %arg3[%mul3A_2, %dma_wait3A_221] : memref<2560x128xi32, #tpu.memory_space<hbm>> -> memref<8x128xi32, #tpu.memory_space<hbm>>
      %dma_wait3A_223 = arith.constant 8 : i32
      %dma_wait3A_224 = arith.constant 0 : i32
      %dma_wait3A_225 = tpu.memref_slice %arg7[%dma_wait3A_223, %dma_wait3A_224] : memref<16x128xi32, #tpu.memory_space<vmem>> -> memref<8x128xi32, #tpu.memory_space<vmem>>
      %dma_wait3A_226 = arith.constant 0 : i32
      %dma_wait3A_227 = tpu.memref_slice %arg3[%mul3A_2, %dma_wait3A_226] : memref<2560x128xi32, #tpu.memory_space<hbm>> -> memref<8x128xi32, #tpu.memory_space<hbm>>
      tpu.wait_dma2 semaphore(%arg14 : memref<!tpu.dma_semaphore, #tpu.memory_space<semaphore_mem>>) src(%dma_wait3A_227 : memref<8x128xi32, #tpu.memory_space<hbm>>) dst(%dma_wait3A_225 : memref<8x128xi32, #tpu.memory_space<vmem>>)
      %dma_start3A_228 = arith.constant 8 : i32
      %dma_start3A_229 = arith.constant 0 : i32
      %dma_start3A_230 = tpu.memref_slice %arg7[%dma_start3A_228, %dma_start3A_229] : memref<16x128xi32, #tpu.memory_space<vmem>> -> memref<1x128xi32, #tpu.memory_space<vmem>>
      %dma_start3A_231 = tpu.memref_squeeze %dma_start3A_230 : memref<1x128xi32, #tpu.memory_space<vmem>> -> memref<128xi32, #tpu.memory_space<vmem>>
      %dma_start3A_232 = arith.constant 0 : i32
      %dma_start3A_233 = arith.constant 0 : i32
      %dma_start3A_234 = tpu.memref_slice %arg2[%dma_start3A_232, %dma_start3A_233] : memref<10000x128xf32, #tpu.memory_space<hbm>> -> memref<10000x128xf32, #tpu.memory_space<hbm>>
      tpu.enqueue_indirect_dma source(%dma_start3A_234 : memref<10000x128xf32, #tpu.memory_space<hbm>>) target(%arg9 : memref<128x128xf32, #tpu.memory_space<vmem>>) offsets(%dma_start3A_231 : memref<128xi32, #tpu.memory_space<vmem>>) semaphore(%arg12 : memref<!tpu.dma_semaphore, #tpu.memory_space<semaphore_mem>>)
      %run_scoped3A_235 = arith.constant 7 : i32
      "tpu.region"() ({
        %run_scoped3A_404 = tpu.sem_alloc : memref<!tpu.dma_semaphore, #tpu.memory_space<semaphore_mem>>
        %dma_start3A_405 = arith.constant 0 : i32
        %dma_start3A_406 = tpu.memref_slice %arg8[%run_scoped3A_235, %dma_start3A_405] : memref<16x128xi32, #tpu.memory_space<vmem>> -> memref<1x128xi32, #tpu.memory_space<vmem>>
        %dma_start3A_407 = tpu.memref_squeeze %dma_start3A_406 : memref<1x128xi32, #tpu.memory_space<vmem>> -> memref<128xi32, #tpu.memory_space<vmem>>
        %dma_start3A_408 = arith.constant 0 : i32
        %dma_start3A_409 = arith.constant 0 : i32
        %dma_start3A_410 = tpu.memref_slice %arg11[%dma_start3A_408, %dma_start3A_409] : memref<10112x128xf32, #tpu.memory_space<vmem_shared>> -> memref<10112x128xf32, #tpu.memory_space<vmem_shared>>
        tpu.enqueue_indirect_dma source(%arg10 : memref<128x128xf32, #tpu.memory_space<vmem>>) target(%dma_start3A_410 : memref<10112x128xf32, #tpu.memory_space<vmem_shared>>) offsets(%dma_start3A_407 : memref<128xi32, #tpu.memory_space<vmem>>) semaphore(%run_scoped3A_404 : memref<!tpu.dma_semaphore, #tpu.memory_space<semaphore_mem>>) {add = true}
        %dma_wait3A_411 = arith.constant 0 : i32
        %dma_wait3A_412 = tpu.memref_slice %arg8[%run_scoped3A_235, %dma_wait3A_411] : memref<16x128xi32, #tpu.memory_space<vmem>> -> memref<1x128xi32, #tpu.memory_space<vmem>>
        %dma_wait3A_413 = tpu.memref_squeeze %dma_wait3A_412 : memref<1x128xi32, #tpu.memory_space<vmem>> -> memref<128xi32, #tpu.memory_space<vmem>>
        %dma_wait3A_414 = arith.constant 0 : i32
        %dma_wait3A_415 = arith.constant 0 : i32
        %dma_wait3A_416 = tpu.memref_slice %arg11[%dma_wait3A_414, %dma_wait3A_415] : memref<10112x128xf32, #tpu.memory_space<vmem_shared>> -> memref<10112x128xf32, #tpu.memory_space<vmem_shared>>
        tpu.wait_indirect_dma semaphore(%run_scoped3A_404 : memref<!tpu.dma_semaphore, #tpu.memory_space<semaphore_mem>>) src(%arg10 : memref<128x128xf32, #tpu.memory_space<vmem>>) dst(%dma_wait3A_416 : memref<10112x128xf32, #tpu.memory_space<vmem_shared>>)
        tpu.yield
      }) : () -> ()
      %dma_wait3A_236 = arith.constant 8 : i32
      %dma_wait3A_237 = arith.constant 0 : i32
      %dma_wait3A_238 = tpu.memref_slice %arg8[%dma_wait3A_236, %dma_wait3A_237] : memref<16x128xi32, #tpu.memory_space<vmem>> -> memref<8x128xi32, #tpu.memory_space<vmem>>
      %dma_wait3A_239 = arith.constant 0 : i32
      %dma_wait3A_240 = tpu.memref_slice %arg3[%mul3A_2, %dma_wait3A_239] : memref<2560x128xi32, #tpu.memory_space<hbm>> -> memref<8x128xi32, #tpu.memory_space<hbm>>
      %dma_wait3A_241 = arith.constant 8 : i32
      %dma_wait3A_242 = arith.constant 0 : i32
      %dma_wait3A_243 = tpu.memref_slice %arg8[%dma_wait3A_241, %dma_wait3A_242] : memref<16x128xi32, #tpu.memory_space<vmem>> -> memref<8x128xi32, #tpu.memory_space<vmem>>
      %dma_wait3A_244 = arith.constant 0 : i32
      %dma_wait3A_245 = tpu.memref_slice %arg3[%mul3A_2, %dma_wait3A_244] : memref<2560x128xi32, #tpu.memory_space<hbm>> -> memref<8x128xi32, #tpu.memory_space<hbm>>
      tpu.wait_dma2 semaphore(%arg15 : memref<!tpu.dma_semaphore, #tpu.memory_space<semaphore_mem>>) src(%dma_wait3A_245 : memref<8x128xi32, #tpu.memory_space<hbm>>) dst(%dma_wait3A_243 : memref<8x128xi32, #tpu.memory_space<vmem>>)
      %mul3A_246 = arith.constant 2 : i32
      %mul3A_247 = arith.muli %mul3A_246, %scan3A_69 : i32
      %add3A_248 = arith.constant 2 : i32
      %add3A_249 = arith.addi %mul3A_247, %add3A_248 : i32
      %rem3A = arith.constant 10 : i32
      %rem3A_250 = arith.remsi %add3A_249, %rem3A : i32
      %mul3A_251 = arith.constant 8 : i32
      %mul3A_252 = arith.muli %rem3A_250, %mul3A_251 : i32
      %add3A_253 = arith.addi %mul3A_2, %mul3A_252 : i32
      %dma_start3A_254 = arith.constant 0 : i32
      %dma_start3A_255 = arith.constant 0 : i32
      %dma_start3A_256 = tpu.memref_slice %arg7[%dma_start3A_254, %dma_start3A_255] : memref<16x128xi32, #tpu.memory_space<vmem>> -> memref<8x128xi32, #tpu.memory_space<vmem>>
      %dma_start3A_257 = arith.constant 0 : i32
      %dma_start3A_258 = tpu.memref_slice %arg3[%add3A_253, %dma_start3A_257] : memref<2560x128xi32, #tpu.memory_space<hbm>> -> memref<8x128xi32, #tpu.memory_space<hbm>>
      %dma_start3A_259 = arith.constant 0 : i32
      %dma_start3A_260 = arith.constant 0 : i32
      %dma_start3A_261 = tpu.memref_slice %arg7[%dma_start3A_259, %dma_start3A_260] : memref<16x128xi32, #tpu.memory_space<vmem>> -> memref<8x128xi32, #tpu.memory_space<vmem>>
      %dma_start3A_262 = arith.constant 0 : i32
      %dma_start3A_263 = tpu.memref_slice %arg3[%add3A_253, %dma_start3A_262] : memref<2560x128xi32, #tpu.memory_space<hbm>> -> memref<8x128xi32, #tpu.memory_space<hbm>>
      tpu.enqueue_dma source(%dma_start3A_263 : memref<8x128xi32, #tpu.memory_space<hbm>>) target(%dma_start3A_261 : memref<8x128xi32, #tpu.memory_space<vmem>>) target_semaphore(%arg14 : memref<!tpu.dma_semaphore, #tpu.memory_space<semaphore_mem>>)
      %dma_start3A_264 = arith.constant 0 : i32
      %dma_start3A_265 = arith.constant 0 : i32
      %dma_start3A_266 = tpu.memref_slice %arg8[%dma_start3A_264, %dma_start3A_265] : memref<16x128xi32, #tpu.memory_space<vmem>> -> memref<8x128xi32, #tpu.memory_space<vmem>>
      %dma_start3A_267 = arith.constant 0 : i32
      %dma_start3A_268 = tpu.memref_slice %arg4[%add3A_253, %dma_start3A_267] : memref<2560x128xi32, #tpu.memory_space<hbm>> -> memref<8x128xi32, #tpu.memory_space<hbm>>
      %dma_start3A_269 = arith.constant 0 : i32
      %dma_start3A_270 = arith.constant 0 : i32
      %dma_start3A_271 = tpu.memref_slice %arg8[%dma_start3A_269, %dma_start3A_270] : memref<16x128xi32, #tpu.memory_space<vmem>> -> memref<8x128xi32, #tpu.memory_space<vmem>>
      %dma_start3A_272 = arith.constant 0 : i32
      %dma_start3A_273 = tpu.memref_slice %arg4[%add3A_253, %dma_start3A_272] : memref<2560x128xi32, #tpu.memory_space<hbm>> -> memref<8x128xi32, #tpu.memory_space<hbm>>
      tpu.enqueue_dma source(%dma_start3A_273 : memref<8x128xi32, #tpu.memory_space<hbm>>) target(%dma_start3A_271 : memref<8x128xi32, #tpu.memory_space<vmem>>) target_semaphore(%arg15 : memref<!tpu.dma_semaphore, #tpu.memory_space<semaphore_mem>>)
      %dma_wait3A_274 = arith.constant 8 : i32
      %dma_wait3A_275 = arith.constant 0 : i32
      %dma_wait3A_276 = tpu.memref_slice %arg7[%dma_wait3A_274, %dma_wait3A_275] : memref<16x128xi32, #tpu.memory_space<vmem>> -> memref<1x128xi32, #tpu.memory_space<vmem>>
      %dma_wait3A_277 = tpu.memref_squeeze %dma_wait3A_276 : memref<1x128xi32, #tpu.memory_space<vmem>> -> memref<128xi32, #tpu.memory_space<vmem>>
      %dma_wait3A_278 = arith.constant 0 : i32
      %dma_wait3A_279 = arith.constant 0 : i32
      %dma_wait3A_280 = tpu.memref_slice %arg2[%dma_wait3A_278, %dma_wait3A_279] : memref<10000x128xf32, #tpu.memory_space<hbm>> -> memref<10000x128xf32, #tpu.memory_space<hbm>>
      tpu.wait_indirect_dma semaphore(%arg12 : memref<!tpu.dma_semaphore, #tpu.memory_space<semaphore_mem>>) src(%dma_wait3A_280 : memref<10000x128xf32, #tpu.memory_space<hbm>>) dst(%arg9 : memref<128x128xf32, #tpu.memory_space<vmem>>)
      %dma_start3A_281 = arith.constant 9 : i32
      %dma_start3A_282 = arith.constant 0 : i32
      %dma_start3A_283 = tpu.memref_slice %arg7[%dma_start3A_281, %dma_start3A_282] : memref<16x128xi32, #tpu.memory_space<vmem>> -> memref<1x128xi32, #tpu.memory_space<vmem>>
      %dma_start3A_284 = tpu.memref_squeeze %dma_start3A_283 : memref<1x128xi32, #tpu.memory_space<vmem>> -> memref<128xi32, #tpu.memory_space<vmem>>
      %dma_start3A_285 = arith.constant 0 : i32
      %dma_start3A_286 = arith.constant 0 : i32
      %dma_start3A_287 = tpu.memref_slice %arg2[%dma_start3A_285, %dma_start3A_286] : memref<10000x128xf32, #tpu.memory_space<hbm>> -> memref<10000x128xf32, #tpu.memory_space<hbm>>
      tpu.enqueue_indirect_dma source(%dma_start3A_287 : memref<10000x128xf32, #tpu.memory_space<hbm>>) target(%arg10 : memref<128x128xf32, #tpu.memory_space<vmem>>) offsets(%dma_start3A_284 : memref<128xi32, #tpu.memory_space<vmem>>) semaphore(%arg13 : memref<!tpu.dma_semaphore, #tpu.memory_space<semaphore_mem>>)
      %run_scoped3A_288 = arith.constant 8 : i32
      "tpu.region"() ({
        %run_scoped3A_404 = tpu.sem_alloc : memref<!tpu.dma_semaphore, #tpu.memory_space<semaphore_mem>>
        %dma_start3A_405 = arith.constant 0 : i32
        %dma_start3A_406 = tpu.memref_slice %arg8[%run_scoped3A_288, %dma_start3A_405] : memref<16x128xi32, #tpu.memory_space<vmem>> -> memref<1x128xi32, #tpu.memory_space<vmem>>
        %dma_start3A_407 = tpu.memref_squeeze %dma_start3A_406 : memref<1x128xi32, #tpu.memory_space<vmem>> -> memref<128xi32, #tpu.memory_space<vmem>>
        %dma_start3A_408 = arith.constant 0 : i32
        %dma_start3A_409 = arith.constant 0 : i32
        %dma_start3A_410 = tpu.memref_slice %arg11[%dma_start3A_408, %dma_start3A_409] : memref<10112x128xf32, #tpu.memory_space<vmem_shared>> -> memref<10112x128xf32, #tpu.memory_space<vmem_shared>>
        tpu.enqueue_indirect_dma source(%arg9 : memref<128x128xf32, #tpu.memory_space<vmem>>) target(%dma_start3A_410 : memref<10112x128xf32, #tpu.memory_space<vmem_shared>>) offsets(%dma_start3A_407 : memref<128xi32, #tpu.memory_space<vmem>>) semaphore(%run_scoped3A_404 : memref<!tpu.dma_semaphore, #tpu.memory_space<semaphore_mem>>) {add = true}
        %dma_wait3A_411 = arith.constant 0 : i32
        %dma_wait3A_412 = tpu.memref_slice %arg8[%run_scoped3A_288, %dma_wait3A_411] : memref<16x128xi32, #tpu.memory_space<vmem>> -> memref<1x128xi32, #tpu.memory_space<vmem>>
        %dma_wait3A_413 = tpu.memref_squeeze %dma_wait3A_412 : memref<1x128xi32, #tpu.memory_space<vmem>> -> memref<128xi32, #tpu.memory_space<vmem>>
        %dma_wait3A_414 = arith.constant 0 : i32
        %dma_wait3A_415 = arith.constant 0 : i32
        %dma_wait3A_416 = tpu.memref_slice %arg11[%dma_wait3A_414, %dma_wait3A_415] : memref<10112x128xf32, #tpu.memory_space<vmem_shared>> -> memref<10112x128xf32, #tpu.memory_space<vmem_shared>>
        tpu.wait_indirect_dma semaphore(%run_scoped3A_404 : memref<!tpu.dma_semaphore, #tpu.memory_space<semaphore_mem>>) src(%arg9 : memref<128x128xf32, #tpu.memory_space<vmem>>) dst(%dma_wait3A_416 : memref<10112x128xf32, #tpu.memory_space<vmem_shared>>)
        tpu.yield
      }) : () -> ()
      %dma_wait3A_289 = arith.constant 9 : i32
      %dma_wait3A_290 = arith.constant 0 : i32
      %dma_wait3A_291 = tpu.memref_slice %arg7[%dma_wait3A_289, %dma_wait3A_290] : memref<16x128xi32, #tpu.memory_space<vmem>> -> memref<1x128xi32, #tpu.memory_space<vmem>>
      %dma_wait3A_292 = tpu.memref_squeeze %dma_wait3A_291 : memref<1x128xi32, #tpu.memory_space<vmem>> -> memref<128xi32, #tpu.memory_space<vmem>>
      %dma_wait3A_293 = arith.constant 0 : i32
      %dma_wait3A_294 = arith.constant 0 : i32
      %dma_wait3A_295 = tpu.memref_slice %arg2[%dma_wait3A_293, %dma_wait3A_294] : memref<10000x128xf32, #tpu.memory_space<hbm>> -> memref<10000x128xf32, #tpu.memory_space<hbm>>
      tpu.wait_indirect_dma semaphore(%arg13 : memref<!tpu.dma_semaphore, #tpu.memory_space<semaphore_mem>>) src(%dma_wait3A_295 : memref<10000x128xf32, #tpu.memory_space<hbm>>) dst(%arg10 : memref<128x128xf32, #tpu.memory_space<vmem>>)
      %dma_start3A_296 = arith.constant 10 : i32
      %dma_start3A_297 = arith.constant 0 : i32
      %dma_start3A_298 = tpu.memref_slice %arg7[%dma_start3A_296, %dma_start3A_297] : memref<16x128xi32, #tpu.memory_space<vmem>> -> memref<1x128xi32, #tpu.memory_space<vmem>>
      %dma_start3A_299 = tpu.memref_squeeze %dma_start3A_298 : memref<1x128xi32, #tpu.memory_space<vmem>> -> memref<128xi32, #tpu.memory_space<vmem>>
      %dma_start3A_300 = arith.constant 0 : i32
      %dma_start3A_301 = arith.constant 0 : i32
      %dma_start3A_302 = tpu.memref_slice %arg2[%dma_start3A_300, %dma_start3A_301] : memref<10000x128xf32, #tpu.memory_space<hbm>> -> memref<10000x128xf32, #tpu.memory_space<hbm>>
      tpu.enqueue_indirect_dma source(%dma_start3A_302 : memref<10000x128xf32, #tpu.memory_space<hbm>>) target(%arg9 : memref<128x128xf32, #tpu.memory_space<vmem>>) offsets(%dma_start3A_299 : memref<128xi32, #tpu.memory_space<vmem>>) semaphore(%arg12 : memref<!tpu.dma_semaphore, #tpu.memory_space<semaphore_mem>>)
      %run_scoped3A_303 = arith.constant 9 : i32
      "tpu.region"() ({
        %run_scoped3A_404 = tpu.sem_alloc : memref<!tpu.dma_semaphore, #tpu.memory_space<semaphore_mem>>
        %dma_start3A_405 = arith.constant 0 : i32
        %dma_start3A_406 = tpu.memref_slice %arg8[%run_scoped3A_303, %dma_start3A_405] : memref<16x128xi32, #tpu.memory_space<vmem>> -> memref<1x128xi32, #tpu.memory_space<vmem>>
        %dma_start3A_407 = tpu.memref_squeeze %dma_start3A_406 : memref<1x128xi32, #tpu.memory_space<vmem>> -> memref<128xi32, #tpu.memory_space<vmem>>
        %dma_start3A_408 = arith.constant 0 : i32
        %dma_start3A_409 = arith.constant 0 : i32
        %dma_start3A_410 = tpu.memref_slice %arg11[%dma_start3A_408, %dma_start3A_409] : memref<10112x128xf32, #tpu.memory_space<vmem_shared>> -> memref<10112x128xf32, #tpu.memory_space<vmem_shared>>
        tpu.enqueue_indirect_dma source(%arg10 : memref<128x128xf32, #tpu.memory_space<vmem>>) target(%dma_start3A_410 : memref<10112x128xf32, #tpu.memory_space<vmem_shared>>) offsets(%dma_start3A_407 : memref<128xi32, #tpu.memory_space<vmem>>) semaphore(%run_scoped3A_404 : memref<!tpu.dma_semaphore, #tpu.memory_space<semaphore_mem>>) {add = true}
        %dma_wait3A_411 = arith.constant 0 : i32
        %dma_wait3A_412 = tpu.memref_slice %arg8[%run_scoped3A_303, %dma_wait3A_411] : memref<16x128xi32, #tpu.memory_space<vmem>> -> memref<1x128xi32, #tpu.memory_space<vmem>>
        %dma_wait3A_413 = tpu.memref_squeeze %dma_wait3A_412 : memref<1x128xi32, #tpu.memory_space<vmem>> -> memref<128xi32, #tpu.memory_space<vmem>>
        %dma_wait3A_414 = arith.constant 0 : i32
        %dma_wait3A_415 = arith.constant 0 : i32
        %dma_wait3A_416 = tpu.memref_slice %arg11[%dma_wait3A_414, %dma_wait3A_415] : memref<10112x128xf32, #tpu.memory_space<vmem_shared>> -> memref<10112x128xf32, #tpu.memory_space<vmem_shared>>
        tpu.wait_indirect_dma semaphore(%run_scoped3A_404 : memref<!tpu.dma_semaphore, #tpu.memory_space<semaphore_mem>>) src(%arg10 : memref<128x128xf32, #tpu.memory_space<vmem>>) dst(%dma_wait3A_416 : memref<10112x128xf32, #tpu.memory_space<vmem_shared>>)
        tpu.yield
      }) : () -> ()
      %dma_wait3A_304 = arith.constant 10 : i32
      %dma_wait3A_305 = arith.constant 0 : i32
      %dma_wait3A_306 = tpu.memref_slice %arg7[%dma_wait3A_304, %dma_wait3A_305] : memref<16x128xi32, #tpu.memory_space<vmem>> -> memref<1x128xi32, #tpu.memory_space<vmem>>
      %dma_wait3A_307 = tpu.memref_squeeze %dma_wait3A_306 : memref<1x128xi32, #tpu.memory_space<vmem>> -> memref<128xi32, #tpu.memory_space<vmem>>
      %dma_wait3A_308 = arith.constant 0 : i32
      %dma_wait3A_309 = arith.constant 0 : i32
      %dma_wait3A_310 = tpu.memref_slice %arg2[%dma_wait3A_308, %dma_wait3A_309] : memref<10000x128xf32, #tpu.memory_space<hbm>> -> memref<10000x128xf32, #tpu.memory_space<hbm>>
      tpu.wait_indirect_dma semaphore(%arg12 : memref<!tpu.dma_semaphore, #tpu.memory_space<semaphore_mem>>) src(%dma_wait3A_310 : memref<10000x128xf32, #tpu.memory_space<hbm>>) dst(%arg9 : memref<128x128xf32, #tpu.memory_space<vmem>>)
      %dma_start3A_311 = arith.constant 11 : i32
      %dma_start3A_312 = arith.constant 0 : i32
      %dma_start3A_313 = tpu.memref_slice %arg7[%dma_start3A_311, %dma_start3A_312] : memref<16x128xi32, #tpu.memory_space<vmem>> -> memref<1x128xi32, #tpu.memory_space<vmem>>
      %dma_start3A_314 = tpu.memref_squeeze %dma_start3A_313 : memref<1x128xi32, #tpu.memory_space<vmem>> -> memref<128xi32, #tpu.memory_space<vmem>>
      %dma_start3A_315 = arith.constant 0 : i32
      %dma_start3A_316 = arith.constant 0 : i32
      %dma_start3A_317 = tpu.memref_slice %arg2[%dma_start3A_315, %dma_start3A_316] : memref<10000x128xf32, #tpu.memory_space<hbm>> -> memref<10000x128xf32, #tpu.memory_space<hbm>>
      tpu.enqueue_indirect_dma source(%dma_start3A_317 : memref<10000x128xf32, #tpu.memory_space<hbm>>) target(%arg10 : memref<128x128xf32, #tpu.memory_space<vmem>>) offsets(%dma_start3A_314 : memref<128xi32, #tpu.memory_space<vmem>>) semaphore(%arg13 : memref<!tpu.dma_semaphore, #tpu.memory_space<semaphore_mem>>)
      %run_scoped3A_318 = arith.constant 10 : i32
      "tpu.region"() ({
        %run_scoped3A_404 = tpu.sem_alloc : memref<!tpu.dma_semaphore, #tpu.memory_space<semaphore_mem>>
        %dma_start3A_405 = arith.constant 0 : i32
        %dma_start3A_406 = tpu.memref_slice %arg8[%run_scoped3A_318, %dma_start3A_405] : memref<16x128xi32, #tpu.memory_space<vmem>> -> memref<1x128xi32, #tpu.memory_space<vmem>>
        %dma_start3A_407 = tpu.memref_squeeze %dma_start3A_406 : memref<1x128xi32, #tpu.memory_space<vmem>> -> memref<128xi32, #tpu.memory_space<vmem>>
        %dma_start3A_408 = arith.constant 0 : i32
        %dma_start3A_409 = arith.constant 0 : i32
        %dma_start3A_410 = tpu.memref_slice %arg11[%dma_start3A_408, %dma_start3A_409] : memref<10112x128xf32, #tpu.memory_space<vmem_shared>> -> memref<10112x128xf32, #tpu.memory_space<vmem_shared>>
        tpu.enqueue_indirect_dma source(%arg9 : memref<128x128xf32, #tpu.memory_space<vmem>>) target(%dma_start3A_410 : memref<10112x128xf32, #tpu.memory_space<vmem_shared>>) offsets(%dma_start3A_407 : memref<128xi32, #tpu.memory_space<vmem>>) semaphore(%run_scoped3A_404 : memref<!tpu.dma_semaphore, #tpu.memory_space<semaphore_mem>>) {add = true}
        %dma_wait3A_411 = arith.constant 0 : i32
        %dma_wait3A_412 = tpu.memref_slice %arg8[%run_scoped3A_318, %dma_wait3A_411] : memref<16x128xi32, #tpu.memory_space<vmem>> -> memref<1x128xi32, #tpu.memory_space<vmem>>
        %dma_wait3A_413 = tpu.memref_squeeze %dma_wait3A_412 : memref<1x128xi32, #tpu.memory_space<vmem>> -> memref<128xi32, #tpu.memory_space<vmem>>
        %dma_wait3A_414 = arith.constant 0 : i32
        %dma_wait3A_415 = arith.constant 0 : i32
        %dma_wait3A_416 = tpu.memref_slice %arg11[%dma_wait3A_414, %dma_wait3A_415] : memref<10112x128xf32, #tpu.memory_space<vmem_shared>> -> memref<10112x128xf32, #tpu.memory_space<vmem_shared>>
        tpu.wait_indirect_dma semaphore(%run_scoped3A_404 : memref<!tpu.dma_semaphore, #tpu.memory_space<semaphore_mem>>) src(%arg9 : memref<128x128xf32, #tpu.memory_space<vmem>>) dst(%dma_wait3A_416 : memref<10112x128xf32, #tpu.memory_space<vmem_shared>>)
        tpu.yield
      }) : () -> ()
      %dma_wait3A_319 = arith.constant 11 : i32
      %dma_wait3A_320 = arith.constant 0 : i32
      %dma_wait3A_321 = tpu.memref_slice %arg7[%dma_wait3A_319, %dma_wait3A_320] : memref<16x128xi32, #tpu.memory_space<vmem>> -> memref<1x128xi32, #tpu.memory_space<vmem>>
      %dma_wait3A_322 = tpu.memref_squeeze %dma_wait3A_321 : memref<1x128xi32, #tpu.memory_space<vmem>> -> memref<128xi32, #tpu.memory_space<vmem>>
      %dma_wait3A_323 = arith.constant 0 : i32
      %dma_wait3A_324 = arith.constant 0 : i32
      %dma_wait3A_325 = tpu.memref_slice %arg2[%dma_wait3A_323, %dma_wait3A_324] : memref<10000x128xf32, #tpu.memory_space<hbm>> -> memref<10000x128xf32, #tpu.memory_space<hbm>>
      tpu.wait_indirect_dma semaphore(%arg13 : memref<!tpu.dma_semaphore, #tpu.memory_space<semaphore_mem>>) src(%dma_wait3A_325 : memref<10000x128xf32, #tpu.memory_space<hbm>>) dst(%arg10 : memref<128x128xf32, #tpu.memory_space<vmem>>)
      %dma_start3A_326 = arith.constant 12 : i32
      %dma_start3A_327 = arith.constant 0 : i32
      %dma_start3A_328 = tpu.memref_slice %arg7[%dma_start3A_326, %dma_start3A_327] : memref<16x128xi32, #tpu.memory_space<vmem>> -> memref<1x128xi32, #tpu.memory_space<vmem>>
      %dma_start3A_329 = tpu.memref_squeeze %dma_start3A_328 : memref<1x128xi32, #tpu.memory_space<vmem>> -> memref<128xi32, #tpu.memory_space<vmem>>
      %dma_start3A_330 = arith.constant 0 : i32
      %dma_start3A_331 = arith.constant 0 : i32
      %dma_start3A_332 = tpu.memref_slice %arg2[%dma_start3A_330, %dma_start3A_331] : memref<10000x128xf32, #tpu.memory_space<hbm>> -> memref<10000x128xf32, #tpu.memory_space<hbm>>
      tpu.enqueue_indirect_dma source(%dma_start3A_332 : memref<10000x128xf32, #tpu.memory_space<hbm>>) target(%arg9 : memref<128x128xf32, #tpu.memory_space<vmem>>) offsets(%dma_start3A_329 : memref<128xi32, #tpu.memory_space<vmem>>) semaphore(%arg12 : memref<!tpu.dma_semaphore, #tpu.memory_space<semaphore_mem>>)
      %run_scoped3A_333 = arith.constant 11 : i32
      "tpu.region"() ({
        %run_scoped3A_404 = tpu.sem_alloc : memref<!tpu.dma_semaphore, #tpu.memory_space<semaphore_mem>>
        %dma_start3A_405 = arith.constant 0 : i32
        %dma_start3A_406 = tpu.memref_slice %arg8[%run_scoped3A_333, %dma_start3A_405] : memref<16x128xi32, #tpu.memory_space<vmem>> -> memref<1x128xi32, #tpu.memory_space<vmem>>
        %dma_start3A_407 = tpu.memref_squeeze %dma_start3A_406 : memref<1x128xi32, #tpu.memory_space<vmem>> -> memref<128xi32, #tpu.memory_space<vmem>>
        %dma_start3A_408 = arith.constant 0 : i32
        %dma_start3A_409 = arith.constant 0 : i32
        %dma_start3A_410 = tpu.memref_slice %arg11[%dma_start3A_408, %dma_start3A_409] : memref<10112x128xf32, #tpu.memory_space<vmem_shared>> -> memref<10112x128xf32, #tpu.memory_space<vmem_shared>>
        tpu.enqueue_indirect_dma source(%arg10 : memref<128x128xf32, #tpu.memory_space<vmem>>) target(%dma_start3A_410 : memref<10112x128xf32, #tpu.memory_space<vmem_shared>>) offsets(%dma_start3A_407 : memref<128xi32, #tpu.memory_space<vmem>>) semaphore(%run_scoped3A_404 : memref<!tpu.dma_semaphore, #tpu.memory_space<semaphore_mem>>) {add = true}
        %dma_wait3A_411 = arith.constant 0 : i32
        %dma_wait3A_412 = tpu.memref_slice %arg8[%run_scoped3A_333, %dma_wait3A_411] : memref<16x128xi32, #tpu.memory_space<vmem>> -> memref<1x128xi32, #tpu.memory_space<vmem>>
        %dma_wait3A_413 = tpu.memref_squeeze %dma_wait3A_412 : memref<1x128xi32, #tpu.memory_space<vmem>> -> memref<128xi32, #tpu.memory_space<vmem>>
        %dma_wait3A_414 = arith.constant 0 : i32
        %dma_wait3A_415 = arith.constant 0 : i32
        %dma_wait3A_416 = tpu.memref_slice %arg11[%dma_wait3A_414, %dma_wait3A_415] : memref<10112x128xf32, #tpu.memory_space<vmem_shared>> -> memref<10112x128xf32, #tpu.memory_space<vmem_shared>>
        tpu.wait_indirect_dma semaphore(%run_scoped3A_404 : memref<!tpu.dma_semaphore, #tpu.memory_space<semaphore_mem>>) src(%arg10 : memref<128x128xf32, #tpu.memory_space<vmem>>) dst(%dma_wait3A_416 : memref<10112x128xf32, #tpu.memory_space<vmem_shared>>)
        tpu.yield
      }) : () -> ()
      %dma_wait3A_334 = arith.constant 12 : i32
      %dma_wait3A_335 = arith.constant 0 : i32
      %dma_wait3A_336 = tpu.memref_slice %arg7[%dma_wait3A_334, %dma_wait3A_335] : memref<16x128xi32, #tpu.memory_space<vmem>> -> memref<1x128xi32, #tpu.memory_space<vmem>>
      %dma_wait3A_337 = tpu.memref_squeeze %dma_wait3A_336 : memref<1x128xi32, #tpu.memory_space<vmem>> -> memref<128xi32, #tpu.memory_space<vmem>>
      %dma_wait3A_338 = arith.constant 0 : i32
      %dma_wait3A_339 = arith.constant 0 : i32
      %dma_wait3A_340 = tpu.memref_slice %arg2[%dma_wait3A_338, %dma_wait3A_339] : memref<10000x128xf32, #tpu.memory_space<hbm>> -> memref<10000x128xf32, #tpu.memory_space<hbm>>
      tpu.wait_indirect_dma semaphore(%arg12 : memref<!tpu.dma_semaphore, #tpu.memory_space<semaphore_mem>>) src(%dma_wait3A_340 : memref<10000x128xf32, #tpu.memory_space<hbm>>) dst(%arg9 : memref<128x128xf32, #tpu.memory_space<vmem>>)
      %dma_start3A_341 = arith.constant 13 : i32
      %dma_start3A_342 = arith.constant 0 : i32
      %dma_start3A_343 = tpu.memref_slice %arg7[%dma_start3A_341, %dma_start3A_342] : memref<16x128xi32, #tpu.memory_space<vmem>> -> memref<1x128xi32, #tpu.memory_space<vmem>>
      %dma_start3A_344 = tpu.memref_squeeze %dma_start3A_343 : memref<1x128xi32, #tpu.memory_space<vmem>> -> memref<128xi32, #tpu.memory_space<vmem>>
      %dma_start3A_345 = arith.constant 0 : i32
      %dma_start3A_346 = arith.constant 0 : i32
      %dma_start3A_347 = tpu.memref_slice %arg2[%dma_start3A_345, %dma_start3A_346] : memref<10000x128xf32, #tpu.memory_space<hbm>> -> memref<10000x128xf32, #tpu.memory_space<hbm>>
      tpu.enqueue_indirect_dma source(%dma_start3A_347 : memref<10000x128xf32, #tpu.memory_space<hbm>>) target(%arg10 : memref<128x128xf32, #tpu.memory_space<vmem>>) offsets(%dma_start3A_344 : memref<128xi32, #tpu.memory_space<vmem>>) semaphore(%arg13 : memref<!tpu.dma_semaphore, #tpu.memory_space<semaphore_mem>>)
      %run_scoped3A_348 = arith.constant 12 : i32
      "tpu.region"() ({
        %run_scoped3A_404 = tpu.sem_alloc : memref<!tpu.dma_semaphore, #tpu.memory_space<semaphore_mem>>
        %dma_start3A_405 = arith.constant 0 : i32
        %dma_start3A_406 = tpu.memref_slice %arg8[%run_scoped3A_348, %dma_start3A_405] : memref<16x128xi32, #tpu.memory_space<vmem>> -> memref<1x128xi32, #tpu.memory_space<vmem>>
        %dma_start3A_407 = tpu.memref_squeeze %dma_start3A_406 : memref<1x128xi32, #tpu.memory_space<vmem>> -> memref<128xi32, #tpu.memory_space<vmem>>
        %dma_start3A_408 = arith.constant 0 : i32
        %dma_start3A_409 = arith.constant 0 : i32
        %dma_start3A_410 = tpu.memref_slice %arg11[%dma_start3A_408, %dma_start3A_409] : memref<10112x128xf32, #tpu.memory_space<vmem_shared>> -> memref<10112x128xf32, #tpu.memory_space<vmem_shared>>
        tpu.enqueue_indirect_dma source(%arg9 : memref<128x128xf32, #tpu.memory_space<vmem>>) target(%dma_start3A_410 : memref<10112x128xf32, #tpu.memory_space<vmem_shared>>) offsets(%dma_start3A_407 : memref<128xi32, #tpu.memory_space<vmem>>) semaphore(%run_scoped3A_404 : memref<!tpu.dma_semaphore, #tpu.memory_space<semaphore_mem>>) {add = true}
        %dma_wait3A_411 = arith.constant 0 : i32
        %dma_wait3A_412 = tpu.memref_slice %arg8[%run_scoped3A_348, %dma_wait3A_411] : memref<16x128xi32, #tpu.memory_space<vmem>> -> memref<1x128xi32, #tpu.memory_space<vmem>>
        %dma_wait3A_413 = tpu.memref_squeeze %dma_wait3A_412 : memref<1x128xi32, #tpu.memory_space<vmem>> -> memref<128xi32, #tpu.memory_space<vmem>>
        %dma_wait3A_414 = arith.constant 0 : i32
        %dma_wait3A_415 = arith.constant 0 : i32
        %dma_wait3A_416 = tpu.memref_slice %arg11[%dma_wait3A_414, %dma_wait3A_415] : memref<10112x128xf32, #tpu.memory_space<vmem_shared>> -> memref<10112x128xf32, #tpu.memory_space<vmem_shared>>
        tpu.wait_indirect_dma semaphore(%run_scoped3A_404 : memref<!tpu.dma_semaphore, #tpu.memory_space<semaphore_mem>>) src(%arg9 : memref<128x128xf32, #tpu.memory_space<vmem>>) dst(%dma_wait3A_416 : memref<10112x128xf32, #tpu.memory_space<vmem_shared>>)
        tpu.yield
      }) : () -> ()
      %dma_wait3A_349 = arith.constant 13 : i32
      %dma_wait3A_350 = arith.constant 0 : i32
      %dma_wait3A_351 = tpu.memref_slice %arg7[%dma_wait3A_349, %dma_wait3A_350] : memref<16x128xi32, #tpu.memory_space<vmem>> -> memref<1x128xi32, #tpu.memory_space<vmem>>
      %dma_wait3A_352 = tpu.memref_squeeze %dma_wait3A_351 : memref<1x128xi32, #tpu.memory_space<vmem>> -> memref<128xi32, #tpu.memory_space<vmem>>
      %dma_wait3A_353 = arith.constant 0 : i32
      %dma_wait3A_354 = arith.constant 0 : i32
      %dma_wait3A_355 = tpu.memref_slice %arg2[%dma_wait3A_353, %dma_wait3A_354] : memref<10000x128xf32, #tpu.memory_space<hbm>> -> memref<10000x128xf32, #tpu.memory_space<hbm>>
      tpu.wait_indirect_dma semaphore(%arg13 : memref<!tpu.dma_semaphore, #tpu.memory_space<semaphore_mem>>) src(%dma_wait3A_355 : memref<10000x128xf32, #tpu.memory_space<hbm>>) dst(%arg10 : memref<128x128xf32, #tpu.memory_space<vmem>>)
      %dma_start3A_356 = arith.constant 14 : i32
      %dma_start3A_357 = arith.constant 0 : i32
      %dma_start3A_358 = tpu.memref_slice %arg7[%dma_start3A_356, %dma_start3A_357] : memref<16x128xi32, #tpu.memory_space<vmem>> -> memref<1x128xi32, #tpu.memory_space<vmem>>
      %dma_start3A_359 = tpu.memref_squeeze %dma_start3A_358 : memref<1x128xi32, #tpu.memory_space<vmem>> -> memref<128xi32, #tpu.memory_space<vmem>>
      %dma_start3A_360 = arith.constant 0 : i32
      %dma_start3A_361 = arith.constant 0 : i32
      %dma_start3A_362 = tpu.memref_slice %arg2[%dma_start3A_360, %dma_start3A_361] : memref<10000x128xf32, #tpu.memory_space<hbm>> -> memref<10000x128xf32, #tpu.memory_space<hbm>>
      tpu.enqueue_indirect_dma source(%dma_start3A_362 : memref<10000x128xf32, #tpu.memory_space<hbm>>) target(%arg9 : memref<128x128xf32, #tpu.memory_space<vmem>>) offsets(%dma_start3A_359 : memref<128xi32, #tpu.memory_space<vmem>>) semaphore(%arg12 : memref<!tpu.dma_semaphore, #tpu.memory_space<semaphore_mem>>)
      %run_scoped3A_363 = arith.constant 13 : i32
      "tpu.region"() ({
        %run_scoped3A_404 = tpu.sem_alloc : memref<!tpu.dma_semaphore, #tpu.memory_space<semaphore_mem>>
        %dma_start3A_405 = arith.constant 0 : i32
        %dma_start3A_406 = tpu.memref_slice %arg8[%run_scoped3A_363, %dma_start3A_405] : memref<16x128xi32, #tpu.memory_space<vmem>> -> memref<1x128xi32, #tpu.memory_space<vmem>>
        %dma_start3A_407 = tpu.memref_squeeze %dma_start3A_406 : memref<1x128xi32, #tpu.memory_space<vmem>> -> memref<128xi32, #tpu.memory_space<vmem>>
        %dma_start3A_408 = arith.constant 0 : i32
        %dma_start3A_409 = arith.constant 0 : i32
        %dma_start3A_410 = tpu.memref_slice %arg11[%dma_start3A_408, %dma_start3A_409] : memref<10112x128xf32, #tpu.memory_space<vmem_shared>> -> memref<10112x128xf32, #tpu.memory_space<vmem_shared>>
        tpu.enqueue_indirect_dma source(%arg10 : memref<128x128xf32, #tpu.memory_space<vmem>>) target(%dma_start3A_410 : memref<10112x128xf32, #tpu.memory_space<vmem_shared>>) offsets(%dma_start3A_407 : memref<128xi32, #tpu.memory_space<vmem>>) semaphore(%run_scoped3A_404 : memref<!tpu.dma_semaphore, #tpu.memory_space<semaphore_mem>>) {add = true}
        %dma_wait3A_411 = arith.constant 0 : i32
        %dma_wait3A_412 = tpu.memref_slice %arg8[%run_scoped3A_363, %dma_wait3A_411] : memref<16x128xi32, #tpu.memory_space<vmem>> -> memref<1x128xi32, #tpu.memory_space<vmem>>
        %dma_wait3A_413 = tpu.memref_squeeze %dma_wait3A_412 : memref<1x128xi32, #tpu.memory_space<vmem>> -> memref<128xi32, #tpu.memory_space<vmem>>
        %dma_wait3A_414 = arith.constant 0 : i32
        %dma_wait3A_415 = arith.constant 0 : i32
        %dma_wait3A_416 = tpu.memref_slice %arg11[%dma_wait3A_414, %dma_wait3A_415] : memref<10112x128xf32, #tpu.memory_space<vmem_shared>> -> memref<10112x128xf32, #tpu.memory_space<vmem_shared>>
        tpu.wait_indirect_dma semaphore(%run_scoped3A_404 : memref<!tpu.dma_semaphore, #tpu.memory_space<semaphore_mem>>) src(%arg10 : memref<128x128xf32, #tpu.memory_space<vmem>>) dst(%dma_wait3A_416 : memref<10112x128xf32, #tpu.memory_space<vmem_shared>>)
        tpu.yield
      }) : () -> ()
      %dma_wait3A_364 = arith.constant 14 : i32
      %dma_wait3A_365 = arith.constant 0 : i32
      %dma_wait3A_366 = tpu.memref_slice %arg7[%dma_wait3A_364, %dma_wait3A_365] : memref<16x128xi32, #tpu.memory_space<vmem>> -> memref<1x128xi32, #tpu.memory_space<vmem>>
      %dma_wait3A_367 = tpu.memref_squeeze %dma_wait3A_366 : memref<1x128xi32, #tpu.memory_space<vmem>> -> memref<128xi32, #tpu.memory_space<vmem>>
      %dma_wait3A_368 = arith.constant 0 : i32
      %dma_wait3A_369 = arith.constant 0 : i32
      %dma_wait3A_370 = tpu.memref_slice %arg2[%dma_wait3A_368, %dma_wait3A_369] : memref<10000x128xf32, #tpu.memory_space<hbm>> -> memref<10000x128xf32, #tpu.memory_space<hbm>>
      tpu.wait_indirect_dma semaphore(%arg12 : memref<!tpu.dma_semaphore, #tpu.memory_space<semaphore_mem>>) src(%dma_wait3A_370 : memref<10000x128xf32, #tpu.memory_space<hbm>>) dst(%arg9 : memref<128x128xf32, #tpu.memory_space<vmem>>)
      %dma_start3A_371 = arith.constant 15 : i32
      %dma_start3A_372 = arith.constant 0 : i32
      %dma_start3A_373 = tpu.memref_slice %arg7[%dma_start3A_371, %dma_start3A_372] : memref<16x128xi32, #tpu.memory_space<vmem>> -> memref<1x128xi32, #tpu.memory_space<vmem>>
      %dma_start3A_374 = tpu.memref_squeeze %dma_start3A_373 : memref<1x128xi32, #tpu.memory_space<vmem>> -> memref<128xi32, #tpu.memory_space<vmem>>
      %dma_start3A_375 = arith.constant 0 : i32
      %dma_start3A_376 = arith.constant 0 : i32
      %dma_start3A_377 = tpu.memref_slice %arg2[%dma_start3A_375, %dma_start3A_376] : memref<10000x128xf32, #tpu.memory_space<hbm>> -> memref<10000x128xf32, #tpu.memory_space<hbm>>
      tpu.enqueue_indirect_dma source(%dma_start3A_377 : memref<10000x128xf32, #tpu.memory_space<hbm>>) target(%arg10 : memref<128x128xf32, #tpu.memory_space<vmem>>) offsets(%dma_start3A_374 : memref<128xi32, #tpu.memory_space<vmem>>) semaphore(%arg13 : memref<!tpu.dma_semaphore, #tpu.memory_space<semaphore_mem>>)
      %run_scoped3A_378 = arith.constant 14 : i32
      "tpu.region"() ({
        %run_scoped3A_404 = tpu.sem_alloc : memref<!tpu.dma_semaphore, #tpu.memory_space<semaphore_mem>>
        %dma_start3A_405 = arith.constant 0 : i32
        %dma_start3A_406 = tpu.memref_slice %arg8[%run_scoped3A_378, %dma_start3A_405] : memref<16x128xi32, #tpu.memory_space<vmem>> -> memref<1x128xi32, #tpu.memory_space<vmem>>
        %dma_start3A_407 = tpu.memref_squeeze %dma_start3A_406 : memref<1x128xi32, #tpu.memory_space<vmem>> -> memref<128xi32, #tpu.memory_space<vmem>>
        %dma_start3A_408 = arith.constant 0 : i32
        %dma_start3A_409 = arith.constant 0 : i32
        %dma_start3A_410 = tpu.memref_slice %arg11[%dma_start3A_408, %dma_start3A_409] : memref<10112x128xf32, #tpu.memory_space<vmem_shared>> -> memref<10112x128xf32, #tpu.memory_space<vmem_shared>>
        tpu.enqueue_indirect_dma source(%arg9 : memref<128x128xf32, #tpu.memory_space<vmem>>) target(%dma_start3A_410 : memref<10112x128xf32, #tpu.memory_space<vmem_shared>>) offsets(%dma_start3A_407 : memref<128xi32, #tpu.memory_space<vmem>>) semaphore(%run_scoped3A_404 : memref<!tpu.dma_semaphore, #tpu.memory_space<semaphore_mem>>) {add = true}
        %dma_wait3A_411 = arith.constant 0 : i32
        %dma_wait3A_412 = tpu.memref_slice %arg8[%run_scoped3A_378, %dma_wait3A_411] : memref<16x128xi32, #tpu.memory_space<vmem>> -> memref<1x128xi32, #tpu.memory_space<vmem>>
        %dma_wait3A_413 = tpu.memref_squeeze %dma_wait3A_412 : memref<1x128xi32, #tpu.memory_space<vmem>> -> memref<128xi32, #tpu.memory_space<vmem>>
        %dma_wait3A_414 = arith.constant 0 : i32
        %dma_wait3A_415 = arith.constant 0 : i32
        %dma_wait3A_416 = tpu.memref_slice %arg11[%dma_wait3A_414, %dma_wait3A_415] : memref<10112x128xf32, #tpu.memory_space<vmem_shared>> -> memref<10112x128xf32, #tpu.memory_space<vmem_shared>>
        tpu.wait_indirect_dma semaphore(%run_scoped3A_404 : memref<!tpu.dma_semaphore, #tpu.memory_space<semaphore_mem>>) src(%arg9 : memref<128x128xf32, #tpu.memory_space<vmem>>) dst(%dma_wait3A_416 : memref<10112x128xf32, #tpu.memory_space<vmem_shared>>)
        tpu.yield
      }) : () -> ()
      %dma_wait3A_379 = arith.constant 15 : i32
      %dma_wait3A_380 = arith.constant 0 : i32
      %dma_wait3A_381 = tpu.memref_slice %arg7[%dma_wait3A_379, %dma_wait3A_380] : memref<16x128xi32, #tpu.memory_space<vmem>> -> memref<1x128xi32, #tpu.memory_space<vmem>>
      %dma_wait3A_382 = tpu.memref_squeeze %dma_wait3A_381 : memref<1x128xi32, #tpu.memory_space<vmem>> -> memref<128xi32, #tpu.memory_space<vmem>>
      %dma_wait3A_383 = arith.constant 0 : i32
      %dma_wait3A_384 = arith.constant 0 : i32
      %dma_wait3A_385 = tpu.memref_slice %arg2[%dma_wait3A_383, %dma_wait3A_384] : memref<10000x128xf32, #tpu.memory_space<hbm>> -> memref<10000x128xf32, #tpu.memory_space<hbm>>
      tpu.wait_indirect_dma semaphore(%arg13 : memref<!tpu.dma_semaphore, #tpu.memory_space<semaphore_mem>>) src(%dma_wait3A_385 : memref<10000x128xf32, #tpu.memory_space<hbm>>) dst(%arg10 : memref<128x128xf32, #tpu.memory_space<vmem>>)
      %dma_wait3A_386 = arith.constant 0 : i32
      %dma_wait3A_387 = arith.constant 0 : i32
      %dma_wait3A_388 = tpu.memref_slice %arg7[%dma_wait3A_386, %dma_wait3A_387] : memref<16x128xi32, #tpu.memory_space<vmem>> -> memref<8x128xi32, #tpu.memory_space<vmem>>
      %dma_wait3A_389 = arith.constant 0 : i32
      %dma_wait3A_390 = tpu.memref_slice %arg3[%mul3A_2, %dma_wait3A_389] : memref<2560x128xi32, #tpu.memory_space<hbm>> -> memref<8x128xi32, #tpu.memory_space<hbm>>
      %dma_wait3A_391 = arith.constant 0 : i32
      %dma_wait3A_392 = arith.constant 0 : i32
      %dma_wait3A_393 = tpu.memref_slice %arg7[%dma_wait3A_391, %dma_wait3A_392] : memref<16x128xi32, #tpu.memory_space<vmem>> -> memref<8x128xi32, #tpu.memory_space<vmem>>
      %dma_wait3A_394 = arith.constant 0 : i32
      %dma_wait3A_395 = tpu.memref_slice %arg3[%mul3A_2, %dma_wait3A_394] : memref<2560x128xi32, #tpu.memory_space<hbm>> -> memref<8x128xi32, #tpu.memory_space<hbm>>
      tpu.wait_dma2 semaphore(%arg14 : memref<!tpu.dma_semaphore, #tpu.memory_space<semaphore_mem>>) src(%dma_wait3A_395 : memref<8x128xi32, #tpu.memory_space<hbm>>) dst(%dma_wait3A_393 : memref<8x128xi32, #tpu.memory_space<vmem>>)
      %dma_start3A_396 = arith.constant 0 : i32
      %dma_start3A_397 = arith.constant 0 : i32
      %dma_start3A_398 = tpu.memref_slice %arg7[%dma_start3A_396, %dma_start3A_397] : memref<16x128xi32, #tpu.memory_space<vmem>> -> memref<1x128xi32, #tpu.memory_space<vmem>>
      %dma_start3A_399 = tpu.memref_squeeze %dma_start3A_398 : memref<1x128xi32, #tpu.memory_space<vmem>> -> memref<128xi32, #tpu.memory_space<vmem>>
      %dma_start3A_400 = arith.constant 0 : i32
      %dma_start3A_401 = arith.constant 0 : i32
      %dma_start3A_402 = tpu.memref_slice %arg2[%dma_start3A_400, %dma_start3A_401] : memref<10000x128xf32, #tpu.memory_space<hbm>> -> memref<10000x128xf32, #tpu.memory_space<hbm>>
      tpu.enqueue_indirect_dma source(%dma_start3A_402 : memref<10000x128xf32, #tpu.memory_space<hbm>>) target(%arg9 : memref<128x128xf32, #tpu.memory_space<vmem>>) offsets(%dma_start3A_399 : memref<128xi32, #tpu.memory_space<vmem>>) semaphore(%arg12 : memref<!tpu.dma_semaphore, #tpu.memory_space<semaphore_mem>>)
      %run_scoped3A_403 = arith.constant 15 : i32
      "tpu.region"() ({
        %run_scoped3A_404 = tpu.sem_alloc : memref<!tpu.dma_semaphore, #tpu.memory_space<semaphore_mem>>
        %dma_start3A_405 = arith.constant 0 : i32
        %dma_start3A_406 = tpu.memref_slice %arg8[%run_scoped3A_403, %dma_start3A_405] : memref<16x128xi32, #tpu.memory_space<vmem>> -> memref<1x128xi32, #tpu.memory_space<vmem>>
        %dma_start3A_407 = tpu.memref_squeeze %dma_start3A_406 : memref<1x128xi32, #tpu.memory_space<vmem>> -> memref<128xi32, #tpu.memory_space<vmem>>
        %dma_start3A_408 = arith.constant 0 : i32
        %dma_start3A_409 = arith.constant 0 : i32
        %dma_start3A_410 = tpu.memref_slice %arg11[%dma_start3A_408, %dma_start3A_409] : memref<10112x128xf32, #tpu.memory_space<vmem_shared>> -> memref<10112x128xf32, #tpu.memory_space<vmem_shared>>
        tpu.enqueue_indirect_dma source(%arg10 : memref<128x128xf32, #tpu.memory_space<vmem>>) target(%dma_start3A_410 : memref<10112x128xf32, #tpu.memory_space<vmem_shared>>) offsets(%dma_start3A_407 : memref<128xi32, #tpu.memory_space<vmem>>) semaphore(%run_scoped3A_404 : memref<!tpu.dma_semaphore, #tpu.memory_space<semaphore_mem>>) {add = true}
        %dma_wait3A_411 = arith.constant 0 : i32
        %dma_wait3A_412 = tpu.memref_slice %arg8[%run_scoped3A_403, %dma_wait3A_411] : memref<16x128xi32, #tpu.memory_space<vmem>> -> memref<1x128xi32, #tpu.memory_space<vmem>>
        %dma_wait3A_413 = tpu.memref_squeeze %dma_wait3A_412 : memref<1x128xi32, #tpu.memory_space<vmem>> -> memref<128xi32, #tpu.memory_space<vmem>>
        %dma_wait3A_414 = arith.constant 0 : i32
        %dma_wait3A_415 = arith.constant 0 : i32
        %dma_wait3A_416 = tpu.memref_slice %arg11[%dma_wait3A_414, %dma_wait3A_415] : memref<10112x128xf32, #tpu.memory_space<vmem_shared>> -> memref<10112x128xf32, #tpu.memory_space<vmem_shared>>
        tpu.wait_indirect_dma semaphore(%run_scoped3A_404 : memref<!tpu.dma_semaphore, #tpu.memory_space<semaphore_mem>>) src(%arg10 : memref<128x128xf32, #tpu.memory_space<vmem>>) dst(%dma_wait3A_416 : memref<10112x128xf32, #tpu.memory_space<vmem_shared>>)
        tpu.yield
      }) : () -> ()
    }
    %scan3A_46 = arith.constant 5 : i32
    %dma_wait3A_47 = arith.constant 0 : i32
    %dma_wait3A_48 = arith.constant 0 : i32
    %dma_wait3A_49 = tpu.memref_slice %arg7[%dma_wait3A_47, %dma_wait3A_48] : memref<16x128xi32, #tpu.memory_space<vmem>> -> memref<1x128xi32, #tpu.memory_space<vmem>>
    %dma_wait3A_50 = tpu.memref_squeeze %dma_wait3A_49 : memref<1x128xi32, #tpu.memory_space<vmem>> -> memref<128xi32, #tpu.memory_space<vmem>>
    %dma_wait3A_51 = arith.constant 0 : i32
    %dma_wait3A_52 = arith.constant 0 : i32
    %dma_wait3A_53 = tpu.memref_slice %arg2[%dma_wait3A_51, %dma_wait3A_52] : memref<10000x128xf32, #tpu.memory_space<hbm>> -> memref<10000x128xf32, #tpu.memory_space<hbm>>
    tpu.wait_indirect_dma semaphore(%arg12 : memref<!tpu.dma_semaphore, #tpu.memory_space<semaphore_mem>>) src(%dma_wait3A_53 : memref<10000x128xf32, #tpu.memory_space<hbm>>) dst(%arg9 : memref<128x128xf32, #tpu.memory_space<vmem>>)
    %dma_wait3A_54 = arith.constant 0 : i32
    %dma_wait3A_55 = arith.constant 0 : i32
    %dma_wait3A_56 = tpu.memref_slice %arg8[%dma_wait3A_54, %dma_wait3A_55] : memref<16x128xi32, #tpu.memory_space<vmem>> -> memref<8x128xi32, #tpu.memory_space<vmem>>
    %dma_wait3A_57 = arith.constant 0 : i32
    %dma_wait3A_58 = tpu.memref_slice %arg3[%mul3A_2, %dma_wait3A_57] : memref<2560x128xi32, #tpu.memory_space<hbm>> -> memref<8x128xi32, #tpu.memory_space<hbm>>
    %dma_wait3A_59 = arith.constant 0 : i32
    %dma_wait3A_60 = arith.constant 0 : i32
    %dma_wait3A_61 = tpu.memref_slice %arg8[%dma_wait3A_59, %dma_wait3A_60] : memref<16x128xi32, #tpu.memory_space<vmem>> -> memref<8x128xi32, #tpu.memory_space<vmem>>
    %dma_wait3A_62 = arith.constant 0 : i32
    %dma_wait3A_63 = tpu.memref_slice %arg3[%mul3A_2, %dma_wait3A_62] : memref<2560x128xi32, #tpu.memory_space<hbm>> -> memref<8x128xi32, #tpu.memory_space<hbm>>
    tpu.wait_dma2 semaphore(%arg15 : memref<!tpu.dma_semaphore, #tpu.memory_space<semaphore_mem>>) src(%dma_wait3A_63 : memref<8x128xi32, #tpu.memory_space<hbm>>) dst(%dma_wait3A_61 : memref<8x128xi32, #tpu.memory_space<vmem>>)
    %barrier3A_64 = arith.constant 0 : index
    tpu.barrier barrier_id(%barrier3A_64)
    %mul3A_65 = arith.constant 632 : i32
    %mul3A_66 = arith.muli %arg1, %mul3A_65 : i32
    %mul3A_67 = arith.constant 632 : i32
    %mul3A_68 = arith.muli %arg1, %mul3A_67 : i32
    "tpu.region"() ({
      %run_scoped3A = tpu.sem_alloc : memref<!tpu.dma_semaphore, #tpu.memory_space<semaphore_mem>>
      %dma_start3A_69 = arith.constant 0 : i32
      %dma_start3A_70 = tpu.memref_slice %arg6[%arg0, %mul3A_68, %dma_start3A_69] : memref<2x10112x128xf32, #tpu.memory_space<hbm>> -> memref<1x632x128xf32, #tpu.memory_space<hbm>>
      %dma_start3A_71 = tpu.memref_squeeze %dma_start3A_70 : memref<1x632x128xf32, #tpu.memory_space<hbm>> -> memref<632x128xf32, #tpu.memory_space<hbm>>
      %dma_start3A_72 = arith.constant 0 : i32
      %dma_start3A_73 = tpu.memref_slice %arg11[%mul3A_66, %dma_start3A_72] : memref<10112x128xf32, #tpu.memory_space<vmem_shared>> -> memref<632x128xf32, #tpu.memory_space<vmem_shared>>
      tpu.enqueue_dma source(%dma_start3A_73 : memref<632x128xf32, #tpu.memory_space<vmem_shared>>) target(%dma_start3A_71 : memref<632x128xf32, #tpu.memory_space<hbm>>) target_semaphore(%run_scoped3A : memref<!tpu.dma_semaphore, #tpu.memory_space<semaphore_mem>>)
      %dma_wait3A_74 = arith.constant 0 : i32
      %dma_wait3A_75 = tpu.memref_slice %arg6[%arg0, %mul3A_68, %dma_wait3A_74] : memref<2x10112x128xf32, #tpu.memory_space<hbm>> -> memref<1x632x128xf32, #tpu.memory_space<hbm>>
      %dma_wait3A_76 = tpu.memref_squeeze %dma_wait3A_75 : memref<1x632x128xf32, #tpu.memory_space<hbm>> -> memref<632x128xf32, #tpu.memory_space<hbm>>
      %dma_wait3A_77 = arith.constant 0 : i32
      %dma_wait3A_78 = tpu.memref_slice %arg11[%mul3A_66, %dma_wait3A_77] : memref<10112x128xf32, #tpu.memory_space<vmem_shared>> -> memref<632x128xf32, #tpu.memory_space<vmem_shared>>
      tpu.wait_dma2 semaphore(%run_scoped3A : memref<!tpu.dma_semaphore, #tpu.memory_space<semaphore_mem>>) src(%dma_wait3A_78 : memref<632x128xf32, #tpu.memory_space<vmem_shared>>) dst(%dma_wait3A_76 : memref<632x128xf32, #tpu.memory_space<hbm>>)
      tpu.yield
    }) : () -> ()
    return
  }
}

#map = affine_map<(d0, d1) -> (0, 0)>
#map1 = affine_map<(d0, d1) -> (0, 0, 0)>
module attributes {stable_mosaic.version = 14 : i64} {
  func.func @_sc_agg_body(%arg0: i32, %arg1: i32, %arg2: memref<10000x128xf32, #tpu.memory_space<hbm>>, %arg3: memref<2560x128xi32, #tpu.memory_space<hbm>>, %arg4: memref<2560x128xi32, #tpu.memory_space<hbm>>, %arg5: memref<632x128xf32, #tpu.memory_space<hbm>>, %arg6: memref<2x10112x128xf32, #tpu.memory_space<hbm>>, %arg7: memref<16x128xi32, #tpu.memory_space<vmem>>, %arg8: memref<16x128xi32, #tpu.memory_space<vmem>>, %arg9: memref<128x128xf32, #tpu.memory_space<vmem>>, %arg10: memref<128x128xf32, #tpu.memory_space<vmem>>, %arg11: memref<10112x128xf32, #tpu.memory_space<vmem_shared>>, %arg12: memref<!tpu.dma_semaphore, #tpu.memory_space<semaphore_mem>>, %arg13: memref<!tpu.dma_semaphore, #tpu.memory_space<semaphore_mem>>, %arg14: memref<!tpu.dma_semaphore, #tpu.memory_space<semaphore_mem>>, %arg15: memref<!tpu.dma_semaphore, #tpu.memory_space<semaphore_mem>>) attributes {dimension_semantics = [#tpu.dimension_semantics<core_parallel>, #tpu.dimension_semantics<subcore_parallel>], iteration_bounds = array<i64: 2, 16>, scalar_prefetch = 0 : i64, scratch_operands = 9 : i64, tpu.core_type = #tpu.core_type<sc_vector_subcore>, window_params = [{transform_indices = #map}, {transform_indices = #map}, {transform_indices = #map}, {transform_indices = #map}, {transform_indices = #map1}]} {
    %mul3A = arith.constant 16 : i32
    %mul3A_0 = arith.muli %arg0, %mul3A : i32
    %add3A = arith.addi %mul3A_0, %arg1 : i32
    %mul3A_1 = arith.constant 80 : i32
    %mul3A_2 = arith.muli %add3A, %mul3A_1 : i32
    %mul3A_3 = arith.constant 632 : i32
    %mul3A_4 = arith.muli %arg1, %mul3A_3 : i32
    "tpu.region"() ({
      %run_scoped3A = tpu.sem_alloc : memref<!tpu.dma_semaphore, #tpu.memory_space<semaphore_mem>>
      %dma_start3A_69 = arith.constant 0 : i32
      %dma_start3A_70 = tpu.memref_slice %arg11[%mul3A_4, %dma_start3A_69] : memref<10112x128xf32, #tpu.memory_space<vmem_shared>> -> memref<632x128xf32, #tpu.memory_space<vmem_shared>>
      tpu.enqueue_dma source(%arg5 : memref<632x128xf32, #tpu.memory_space<hbm>>) target(%dma_start3A_70 : memref<632x128xf32, #tpu.memory_space<vmem_shared>>) target_semaphore(%run_scoped3A : memref<!tpu.dma_semaphore, #tpu.memory_space<semaphore_mem>>)
      %dma_wait3A_71 = arith.constant 0 : i32
      %dma_wait3A_72 = tpu.memref_slice %arg11[%mul3A_4, %dma_wait3A_71] : memref<10112x128xf32, #tpu.memory_space<vmem_shared>> -> memref<632x128xf32, #tpu.memory_space<vmem_shared>>
      tpu.wait_dma2 semaphore(%run_scoped3A : memref<!tpu.dma_semaphore, #tpu.memory_space<semaphore_mem>>) src(%arg5 : memref<632x128xf32, #tpu.memory_space<hbm>>) dst(%dma_wait3A_72 : memref<632x128xf32, #tpu.memory_space<vmem_shared>>)
      tpu.yield
    }) : () -> ()
    %add3A_5 = arith.constant 0 : i32
    %add3A_6 = arith.addi %mul3A_2, %add3A_5 : i32
    %dma_start3A = arith.constant 0 : i32
    %dma_start3A_7 = arith.constant 0 : i32
    %dma_start3A_8 = tpu.memref_slice %arg7[%dma_start3A, %dma_start3A_7] : memref<16x128xi32, #tpu.memory_space<vmem>> -> memref<8x128xi32, #tpu.memory_space<vmem>>
    %dma_start3A_9 = arith.constant 0 : i32
    %dma_start3A_10 = tpu.memref_slice %arg3[%add3A_6, %dma_start3A_9] : memref<2560x128xi32, #tpu.memory_space<hbm>> -> memref<8x128xi32, #tpu.memory_space<hbm>>
    %dma_start3A_11 = arith.constant 0 : i32
    %dma_start3A_12 = arith.constant 0 : i32
    %dma_start3A_13 = tpu.memref_slice %arg7[%dma_start3A_11, %dma_start3A_12] : memref<16x128xi32, #tpu.memory_space<vmem>> -> memref<8x128xi32, #tpu.memory_space<vmem>>
    %dma_start3A_14 = arith.constant 0 : i32
    %dma_start3A_15 = tpu.memref_slice %arg3[%add3A_6, %dma_start3A_14] : memref<2560x128xi32, #tpu.memory_space<hbm>> -> memref<8x128xi32, #tpu.memory_space<hbm>>
    tpu.enqueue_dma source(%dma_start3A_15 : memref<8x128xi32, #tpu.memory_space<hbm>>) target(%dma_start3A_13 : memref<8x128xi32, #tpu.memory_space<vmem>>) target_semaphore(%arg14 : memref<!tpu.dma_semaphore, #tpu.memory_space<semaphore_mem>>)
    %dma_start3A_16 = arith.constant 0 : i32
    %dma_start3A_17 = arith.constant 0 : i32
    %dma_start3A_18 = tpu.memref_slice %arg8[%dma_start3A_16, %dma_start3A_17] : memref<16x128xi32, #tpu.memory_space<vmem>> -> memref<8x128xi32, #tpu.memory_space<vmem>>
    %dma_start3A_19 = arith.constant 0 : i32
    %dma_start3A_20 = tpu.memref_slice %arg4[%add3A_6, %dma_start3A_19] : memref<2560x128xi32, #tpu.memory_space<hbm>> -> memref<8x128xi32, #tpu.memory_space<hbm>>
    %dma_start3A_21 = arith.constant 0 : i32
    %dma_start3A_22 = arith.constant 0 : i32
    %dma_start3A_23 = tpu.memref_slice %arg8[%dma_start3A_21, %dma_start3A_22] : memref<16x128xi32, #tpu.memory_space<vmem>> -> memref<8x128xi32, #tpu.memory_space<vmem>>
    %dma_start3A_24 = arith.constant 0 : i32
    %dma_start3A_25 = tpu.memref_slice %arg4[%add3A_6, %dma_start3A_24] : memref<2560x128xi32, #tpu.memory_space<hbm>> -> memref<8x128xi32, #tpu.memory_space<hbm>>
    tpu.enqueue_dma source(%dma_start3A_25 : memref<8x128xi32, #tpu.memory_space<hbm>>) target(%dma_start3A_23 : memref<8x128xi32, #tpu.memory_space<vmem>>) target_semaphore(%arg15 : memref<!tpu.dma_semaphore, #tpu.memory_space<semaphore_mem>>)
    %dma_wait3A = arith.constant 0 : i32
    %dma_wait3A_26 = arith.constant 0 : i32
    %dma_wait3A_27 = tpu.memref_slice %arg7[%dma_wait3A, %dma_wait3A_26] : memref<16x128xi32, #tpu.memory_space<vmem>> -> memref<8x128xi32, #tpu.memory_space<vmem>>
    %dma_wait3A_28 = arith.constant 0 : i32
    %dma_wait3A_29 = tpu.memref_slice %arg3[%mul3A_2, %dma_wait3A_28] : memref<2560x128xi32, #tpu.memory_space<hbm>> -> memref<8x128xi32, #tpu.memory_space<hbm>>
    %dma_wait3A_30 = arith.constant 0 : i32
    %dma_wait3A_31 = arith.constant 0 : i32
    %dma_wait3A_32 = tpu.memref_slice %arg7[%dma_wait3A_30, %dma_wait3A_31] : memref<16x128xi32, #tpu.memory_space<vmem>> -> memref<8x128xi32, #tpu.memory_space<vmem>>
    %dma_wait3A_33 = arith.constant 0 : i32
    %dma_wait3A_34 = tpu.memref_slice %arg3[%mul3A_2, %dma_wait3A_33] : memref<2560x128xi32, #tpu.memory_space<hbm>> -> memref<8x128xi32, #tpu.memory_space<hbm>>
    tpu.wait_dma2 semaphore(%arg14 : memref<!tpu.dma_semaphore, #tpu.memory_space<semaphore_mem>>) src(%dma_wait3A_34 : memref<8x128xi32, #tpu.memory_space<hbm>>) dst(%dma_wait3A_32 : memref<8x128xi32, #tpu.memory_space<vmem>>)
    %dma_start3A_35 = arith.constant 0 : i32
    %dma_start3A_36 = arith.constant 0 : i32
    %dma_start3A_37 = tpu.memref_slice %arg7[%dma_start3A_35, %dma_start3A_36] : memref<16x128xi32, #tpu.memory_space<vmem>> -> memref<1x128xi32, #tpu.memory_space<vmem>>
    %dma_start3A_38 = tpu.memref_squeeze %dma_start3A_37 : memref<1x128xi32, #tpu.memory_space<vmem>> -> memref<128xi32, #tpu.memory_space<vmem>>
    %dma_start3A_39 = arith.constant 0 : i32
    %dma_start3A_40 = arith.constant 0 : i32
    %dma_start3A_41 = tpu.memref_slice %arg2[%dma_start3A_39, %dma_start3A_40] : memref<10000x128xf32, #tpu.memory_space<hbm>> -> memref<10000x128xf32, #tpu.memory_space<hbm>>
    tpu.enqueue_indirect_dma source(%dma_start3A_41 : memref<10000x128xf32, #tpu.memory_space<hbm>>) target(%arg9 : memref<128x128xf32, #tpu.memory_space<vmem>>) offsets(%dma_start3A_38 : memref<128xi32, #tpu.memory_space<vmem>>) semaphore(%arg12 : memref<!tpu.dma_semaphore, #tpu.memory_space<semaphore_mem>>)
    %barrier3A = arith.constant 0 : index
    tpu.barrier barrier_id(%barrier3A)
    %scan3A = arith.constant 0 : i32
    %scan3A_42 = arith.constant 0 : i32
    %scan3A_43 = arith.constant 5 : i32
    %scan3A_44 = arith.addi %scan3A_42, %scan3A_43 : i32
    %scan3A_45 = arith.constant 1 : i32
    scf.for %scan3A_69 = %scan3A_42 to %scan3A_44 step %scan3A_45  : i32 {
      %dma_wait3A_70 = arith.constant 0 : i32
      %dma_wait3A_71 = arith.constant 0 : i32
      %dma_wait3A_72 = tpu.memref_slice %arg8[%dma_wait3A_70, %dma_wait3A_71] : memref<16x128xi32, #tpu.memory_space<vmem>> -> memref<8x128xi32, #tpu.memory_space<vmem>>
      %dma_wait3A_73 = arith.constant 0 : i32
      %dma_wait3A_74 = tpu.memref_slice %arg3[%mul3A_2, %dma_wait3A_73] : memref<2560x128xi32, #tpu.memory_space<hbm>> -> memref<8x128xi32, #tpu.memory_space<hbm>>
      %dma_wait3A_75 = arith.constant 0 : i32
      %dma_wait3A_76 = arith.constant 0 : i32
      %dma_wait3A_77 = tpu.memref_slice %arg8[%dma_wait3A_75, %dma_wait3A_76] : memref<16x128xi32, #tpu.memory_space<vmem>> -> memref<8x128xi32, #tpu.memory_space<vmem>>
      %dma_wait3A_78 = arith.constant 0 : i32
      %dma_wait3A_79 = tpu.memref_slice %arg3[%mul3A_2, %dma_wait3A_78] : memref<2560x128xi32, #tpu.memory_space<hbm>> -> memref<8x128xi32, #tpu.memory_space<hbm>>
      tpu.wait_dma2 semaphore(%arg15 : memref<!tpu.dma_semaphore, #tpu.memory_space<semaphore_mem>>) src(%dma_wait3A_79 : memref<8x128xi32, #tpu.memory_space<hbm>>) dst(%dma_wait3A_77 : memref<8x128xi32, #tpu.memory_space<vmem>>)
      %mul3A_80 = arith.constant 2 : i32
      %mul3A_81 = arith.muli %mul3A_80, %scan3A_69 : i32
      %add3A_82 = arith.constant 1 : i32
      %add3A_83 = arith.addi %mul3A_81, %add3A_82 : i32
      %mul3A_84 = arith.constant 8 : i32
      %mul3A_85 = arith.muli %add3A_83, %mul3A_84 : i32
      %add3A_86 = arith.addi %mul3A_2, %mul3A_85 : i32
      %dma_start3A_87 = arith.constant 8 : i32
      %dma_start3A_88 = arith.constant 0 : i32
      %dma_start3A_89 = tpu.memref_slice %arg7[%dma_start3A_87, %dma_start3A_88] : memref<16x128xi32, #tpu.memory_space<vmem>> -> memref<8x128xi32, #tpu.memory_space<vmem>>
      %dma_start3A_90 = arith.constant 0 : i32
      %dma_start3A_91 = tpu.memref_slice %arg3[%add3A_86, %dma_start3A_90] : memref<2560x128xi32, #tpu.memory_space<hbm>> -> memref<8x128xi32, #tpu.memory_space<hbm>>
      %dma_start3A_92 = arith.constant 8 : i32
      %dma_start3A_93 = arith.constant 0 : i32
      %dma_start3A_94 = tpu.memref_slice %arg7[%dma_start3A_92, %dma_start3A_93] : memref<16x128xi32, #tpu.memory_space<vmem>> -> memref<8x128xi32, #tpu.memory_space<vmem>>
      %dma_start3A_95 = arith.constant 0 : i32
      %dma_start3A_96 = tpu.memref_slice %arg3[%add3A_86, %dma_start3A_95] : memref<2560x128xi32, #tpu.memory_space<hbm>> -> memref<8x128xi32, #tpu.memory_space<hbm>>
      tpu.enqueue_dma source(%dma_start3A_96 : memref<8x128xi32, #tpu.memory_space<hbm>>) target(%dma_start3A_94 : memref<8x128xi32, #tpu.memory_space<vmem>>) target_semaphore(%arg14 : memref<!tpu.dma_semaphore, #tpu.memory_space<semaphore_mem>>)
      %dma_start3A_97 = arith.constant 8 : i32
      %dma_start3A_98 = arith.constant 0 : i32
      %dma_start3A_99 = tpu.memref_slice %arg8[%dma_start3A_97, %dma_start3A_98] : memref<16x128xi32, #tpu.memory_space<vmem>> -> memref<8x128xi32, #tpu.memory_space<vmem>>
      %dma_start3A_100 = arith.constant 0 : i32
      %dma_start3A_101 = tpu.memref_slice %arg4[%add3A_86, %dma_start3A_100] : memref<2560x128xi32, #tpu.memory_space<hbm>> -> memref<8x128xi32, #tpu.memory_space<hbm>>
      %dma_start3A_102 = arith.constant 8 : i32
      %dma_start3A_103 = arith.constant 0 : i32
      %dma_start3A_104 = tpu.memref_slice %arg8[%dma_start3A_102, %dma_start3A_103] : memref<16x128xi32, #tpu.memory_space<vmem>> -> memref<8x128xi32, #tpu.memory_space<vmem>>
      %dma_start3A_105 = arith.constant 0 : i32
      %dma_start3A_106 = tpu.memref_slice %arg4[%add3A_86, %dma_start3A_105] : memref<2560x128xi32, #tpu.memory_space<hbm>> -> memref<8x128xi32, #tpu.memory_space<hbm>>
      tpu.enqueue_dma source(%dma_start3A_106 : memref<8x128xi32, #tpu.memory_space<hbm>>) target(%dma_start3A_104 : memref<8x128xi32, #tpu.memory_space<vmem>>) target_semaphore(%arg15 : memref<!tpu.dma_semaphore, #tpu.memory_space<semaphore_mem>>)
      %dma_wait3A_107 = arith.constant 0 : i32
      %dma_wait3A_108 = arith.constant 0 : i32
      %dma_wait3A_109 = tpu.memref_slice %arg7[%dma_wait3A_107, %dma_wait3A_108] : memref<16x128xi32, #tpu.memory_space<vmem>> -> memref<1x128xi32, #tpu.memory_space<vmem>>
      %dma_wait3A_110 = tpu.memref_squeeze %dma_wait3A_109 : memref<1x128xi32, #tpu.memory_space<vmem>> -> memref<128xi32, #tpu.memory_space<vmem>>
      %dma_wait3A_111 = arith.constant 0 : i32
      %dma_wait3A_112 = arith.constant 0 : i32
      %dma_wait3A_113 = tpu.memref_slice %arg2[%dma_wait3A_111, %dma_wait3A_112] : memref<10000x128xf32, #tpu.memory_space<hbm>> -> memref<10000x128xf32, #tpu.memory_space<hbm>>
      tpu.wait_indirect_dma semaphore(%arg12 : memref<!tpu.dma_semaphore, #tpu.memory_space<semaphore_mem>>) src(%dma_wait3A_113 : memref<10000x128xf32, #tpu.memory_space<hbm>>) dst(%arg9 : memref<128x128xf32, #tpu.memory_space<vmem>>)
      %dma_start3A_114 = arith.constant 1 : i32
      %dma_start3A_115 = arith.constant 0 : i32
      %dma_start3A_116 = tpu.memref_slice %arg7[%dma_start3A_114, %dma_start3A_115] : memref<16x128xi32, #tpu.memory_space<vmem>> -> memref<1x128xi32, #tpu.memory_space<vmem>>
      %dma_start3A_117 = tpu.memref_squeeze %dma_start3A_116 : memref<1x128xi32, #tpu.memory_space<vmem>> -> memref<128xi32, #tpu.memory_space<vmem>>
      %dma_start3A_118 = arith.constant 0 : i32
      %dma_start3A_119 = arith.constant 0 : i32
      %dma_start3A_120 = tpu.memref_slice %arg2[%dma_start3A_118, %dma_start3A_119] : memref<10000x128xf32, #tpu.memory_space<hbm>> -> memref<10000x128xf32, #tpu.memory_space<hbm>>
      tpu.enqueue_indirect_dma source(%dma_start3A_120 : memref<10000x128xf32, #tpu.memory_space<hbm>>) target(%arg10 : memref<128x128xf32, #tpu.memory_space<vmem>>) offsets(%dma_start3A_117 : memref<128xi32, #tpu.memory_space<vmem>>) semaphore(%arg13 : memref<!tpu.dma_semaphore, #tpu.memory_space<semaphore_mem>>)
      %run_scoped3A = arith.constant 0 : i32
      "tpu.region"() ({
        %run_scoped3A_404 = tpu.sem_alloc : memref<!tpu.dma_semaphore, #tpu.memory_space<semaphore_mem>>
        %dma_start3A_405 = arith.constant 0 : i32
        %dma_start3A_406 = tpu.memref_slice %arg8[%run_scoped3A, %dma_start3A_405] : memref<16x128xi32, #tpu.memory_space<vmem>> -> memref<1x128xi32, #tpu.memory_space<vmem>>
        %dma_start3A_407 = tpu.memref_squeeze %dma_start3A_406 : memref<1x128xi32, #tpu.memory_space<vmem>> -> memref<128xi32, #tpu.memory_space<vmem>>
        %dma_start3A_408 = arith.constant 0 : i32
        %dma_start3A_409 = arith.constant 0 : i32
        %dma_start3A_410 = tpu.memref_slice %arg11[%dma_start3A_408, %dma_start3A_409] : memref<10112x128xf32, #tpu.memory_space<vmem_shared>> -> memref<10112x128xf32, #tpu.memory_space<vmem_shared>>
        tpu.enqueue_indirect_dma source(%arg9 : memref<128x128xf32, #tpu.memory_space<vmem>>) target(%dma_start3A_410 : memref<10112x128xf32, #tpu.memory_space<vmem_shared>>) offsets(%dma_start3A_407 : memref<128xi32, #tpu.memory_space<vmem>>) semaphore(%run_scoped3A_404 : memref<!tpu.dma_semaphore, #tpu.memory_space<semaphore_mem>>) {add = true}
        %dma_wait3A_411 = arith.constant 0 : i32
        %dma_wait3A_412 = tpu.memref_slice %arg8[%run_scoped3A, %dma_wait3A_411] : memref<16x128xi32, #tpu.memory_space<vmem>> -> memref<1x128xi32, #tpu.memory_space<vmem>>
        %dma_wait3A_413 = tpu.memref_squeeze %dma_wait3A_412 : memref<1x128xi32, #tpu.memory_space<vmem>> -> memref<128xi32, #tpu.memory_space<vmem>>
        %dma_wait3A_414 = arith.constant 0 : i32
        %dma_wait3A_415 = arith.constant 0 : i32
        %dma_wait3A_416 = tpu.memref_slice %arg11[%dma_wait3A_414, %dma_wait3A_415] : memref<10112x128xf32, #tpu.memory_space<vmem_shared>> -> memref<10112x128xf32, #tpu.memory_space<vmem_shared>>
        tpu.wait_indirect_dma semaphore(%run_scoped3A_404 : memref<!tpu.dma_semaphore, #tpu.memory_space<semaphore_mem>>) src(%arg9 : memref<128x128xf32, #tpu.memory_space<vmem>>) dst(%dma_wait3A_416 : memref<10112x128xf32, #tpu.memory_space<vmem_shared>>)
        tpu.yield
      }) : () -> ()
      %dma_wait3A_121 = arith.constant 1 : i32
      %dma_wait3A_122 = arith.constant 0 : i32
      %dma_wait3A_123 = tpu.memref_slice %arg7[%dma_wait3A_121, %dma_wait3A_122] : memref<16x128xi32, #tpu.memory_space<vmem>> -> memref<1x128xi32, #tpu.memory_space<vmem>>
      %dma_wait3A_124 = tpu.memref_squeeze %dma_wait3A_123 : memref<1x128xi32, #tpu.memory_space<vmem>> -> memref<128xi32, #tpu.memory_space<vmem>>
      %dma_wait3A_125 = arith.constant 0 : i32
      %dma_wait3A_126 = arith.constant 0 : i32
      %dma_wait3A_127 = tpu.memref_slice %arg2[%dma_wait3A_125, %dma_wait3A_126] : memref<10000x128xf32, #tpu.memory_space<hbm>> -> memref<10000x128xf32, #tpu.memory_space<hbm>>
      tpu.wait_indirect_dma semaphore(%arg13 : memref<!tpu.dma_semaphore, #tpu.memory_space<semaphore_mem>>) src(%dma_wait3A_127 : memref<10000x128xf32, #tpu.memory_space<hbm>>) dst(%arg10 : memref<128x128xf32, #tpu.memory_space<vmem>>)
      %dma_start3A_128 = arith.constant 2 : i32
      %dma_start3A_129 = arith.constant 0 : i32
      %dma_start3A_130 = tpu.memref_slice %arg7[%dma_start3A_128, %dma_start3A_129] : memref<16x128xi32, #tpu.memory_space<vmem>> -> memref<1x128xi32, #tpu.memory_space<vmem>>
      %dma_start3A_131 = tpu.memref_squeeze %dma_start3A_130 : memref<1x128xi32, #tpu.memory_space<vmem>> -> memref<128xi32, #tpu.memory_space<vmem>>
      %dma_start3A_132 = arith.constant 0 : i32
      %dma_start3A_133 = arith.constant 0 : i32
      %dma_start3A_134 = tpu.memref_slice %arg2[%dma_start3A_132, %dma_start3A_133] : memref<10000x128xf32, #tpu.memory_space<hbm>> -> memref<10000x128xf32, #tpu.memory_space<hbm>>
      tpu.enqueue_indirect_dma source(%dma_start3A_134 : memref<10000x128xf32, #tpu.memory_space<hbm>>) target(%arg9 : memref<128x128xf32, #tpu.memory_space<vmem>>) offsets(%dma_start3A_131 : memref<128xi32, #tpu.memory_space<vmem>>) semaphore(%arg12 : memref<!tpu.dma_semaphore, #tpu.memory_space<semaphore_mem>>)
      %run_scoped3A_135 = arith.constant 1 : i32
      "tpu.region"() ({
        %run_scoped3A_404 = tpu.sem_alloc : memref<!tpu.dma_semaphore, #tpu.memory_space<semaphore_mem>>
        %dma_start3A_405 = arith.constant 0 : i32
        %dma_start3A_406 = tpu.memref_slice %arg8[%run_scoped3A_135, %dma_start3A_405] : memref<16x128xi32, #tpu.memory_space<vmem>> -> memref<1x128xi32, #tpu.memory_space<vmem>>
        %dma_start3A_407 = tpu.memref_squeeze %dma_start3A_406 : memref<1x128xi32, #tpu.memory_space<vmem>> -> memref<128xi32, #tpu.memory_space<vmem>>
        %dma_start3A_408 = arith.constant 0 : i32
        %dma_start3A_409 = arith.constant 0 : i32
        %dma_start3A_410 = tpu.memref_slice %arg11[%dma_start3A_408, %dma_start3A_409] : memref<10112x128xf32, #tpu.memory_space<vmem_shared>> -> memref<10112x128xf32, #tpu.memory_space<vmem_shared>>
        tpu.enqueue_indirect_dma source(%arg10 : memref<128x128xf32, #tpu.memory_space<vmem>>) target(%dma_start3A_410 : memref<10112x128xf32, #tpu.memory_space<vmem_shared>>) offsets(%dma_start3A_407 : memref<128xi32, #tpu.memory_space<vmem>>) semaphore(%run_scoped3A_404 : memref<!tpu.dma_semaphore, #tpu.memory_space<semaphore_mem>>) {add = true}
        %dma_wait3A_411 = arith.constant 0 : i32
        %dma_wait3A_412 = tpu.memref_slice %arg8[%run_scoped3A_135, %dma_wait3A_411] : memref<16x128xi32, #tpu.memory_space<vmem>> -> memref<1x128xi32, #tpu.memory_space<vmem>>
        %dma_wait3A_413 = tpu.memref_squeeze %dma_wait3A_412 : memref<1x128xi32, #tpu.memory_space<vmem>> -> memref<128xi32, #tpu.memory_space<vmem>>
        %dma_wait3A_414 = arith.constant 0 : i32
        %dma_wait3A_415 = arith.constant 0 : i32
        %dma_wait3A_416 = tpu.memref_slice %arg11[%dma_wait3A_414, %dma_wait3A_415] : memref<10112x128xf32, #tpu.memory_space<vmem_shared>> -> memref<10112x128xf32, #tpu.memory_space<vmem_shared>>
        tpu.wait_indirect_dma semaphore(%run_scoped3A_404 : memref<!tpu.dma_semaphore, #tpu.memory_space<semaphore_mem>>) src(%arg10 : memref<128x128xf32, #tpu.memory_space<vmem>>) dst(%dma_wait3A_416 : memref<10112x128xf32, #tpu.memory_space<vmem_shared>>)
        tpu.yield
      }) : () -> ()
      %dma_wait3A_136 = arith.constant 2 : i32
      %dma_wait3A_137 = arith.constant 0 : i32
      %dma_wait3A_138 = tpu.memref_slice %arg7[%dma_wait3A_136, %dma_wait3A_137] : memref<16x128xi32, #tpu.memory_space<vmem>> -> memref<1x128xi32, #tpu.memory_space<vmem>>
      %dma_wait3A_139 = tpu.memref_squeeze %dma_wait3A_138 : memref<1x128xi32, #tpu.memory_space<vmem>> -> memref<128xi32, #tpu.memory_space<vmem>>
      %dma_wait3A_140 = arith.constant 0 : i32
      %dma_wait3A_141 = arith.constant 0 : i32
      %dma_wait3A_142 = tpu.memref_slice %arg2[%dma_wait3A_140, %dma_wait3A_141] : memref<10000x128xf32, #tpu.memory_space<hbm>> -> memref<10000x128xf32, #tpu.memory_space<hbm>>
      tpu.wait_indirect_dma semaphore(%arg12 : memref<!tpu.dma_semaphore, #tpu.memory_space<semaphore_mem>>) src(%dma_wait3A_142 : memref<10000x128xf32, #tpu.memory_space<hbm>>) dst(%arg9 : memref<128x128xf32, #tpu.memory_space<vmem>>)
      %dma_start3A_143 = arith.constant 3 : i32
      %dma_start3A_144 = arith.constant 0 : i32
      %dma_start3A_145 = tpu.memref_slice %arg7[%dma_start3A_143, %dma_start3A_144] : memref<16x128xi32, #tpu.memory_space<vmem>> -> memref<1x128xi32, #tpu.memory_space<vmem>>
      %dma_start3A_146 = tpu.memref_squeeze %dma_start3A_145 : memref<1x128xi32, #tpu.memory_space<vmem>> -> memref<128xi32, #tpu.memory_space<vmem>>
      %dma_start3A_147 = arith.constant 0 : i32
      %dma_start3A_148 = arith.constant 0 : i32
      %dma_start3A_149 = tpu.memref_slice %arg2[%dma_start3A_147, %dma_start3A_148] : memref<10000x128xf32, #tpu.memory_space<hbm>> -> memref<10000x128xf32, #tpu.memory_space<hbm>>
      tpu.enqueue_indirect_dma source(%dma_start3A_149 : memref<10000x128xf32, #tpu.memory_space<hbm>>) target(%arg10 : memref<128x128xf32, #tpu.memory_space<vmem>>) offsets(%dma_start3A_146 : memref<128xi32, #tpu.memory_space<vmem>>) semaphore(%arg13 : memref<!tpu.dma_semaphore, #tpu.memory_space<semaphore_mem>>)
      %run_scoped3A_150 = arith.constant 2 : i32
      "tpu.region"() ({
        %run_scoped3A_404 = tpu.sem_alloc : memref<!tpu.dma_semaphore, #tpu.memory_space<semaphore_mem>>
        %dma_start3A_405 = arith.constant 0 : i32
        %dma_start3A_406 = tpu.memref_slice %arg8[%run_scoped3A_150, %dma_start3A_405] : memref<16x128xi32, #tpu.memory_space<vmem>> -> memref<1x128xi32, #tpu.memory_space<vmem>>
        %dma_start3A_407 = tpu.memref_squeeze %dma_start3A_406 : memref<1x128xi32, #tpu.memory_space<vmem>> -> memref<128xi32, #tpu.memory_space<vmem>>
        %dma_start3A_408 = arith.constant 0 : i32
        %dma_start3A_409 = arith.constant 0 : i32
        %dma_start3A_410 = tpu.memref_slice %arg11[%dma_start3A_408, %dma_start3A_409] : memref<10112x128xf32, #tpu.memory_space<vmem_shared>> -> memref<10112x128xf32, #tpu.memory_space<vmem_shared>>
        tpu.enqueue_indirect_dma source(%arg9 : memref<128x128xf32, #tpu.memory_space<vmem>>) target(%dma_start3A_410 : memref<10112x128xf32, #tpu.memory_space<vmem_shared>>) offsets(%dma_start3A_407 : memref<128xi32, #tpu.memory_space<vmem>>) semaphore(%run_scoped3A_404 : memref<!tpu.dma_semaphore, #tpu.memory_space<semaphore_mem>>) {add = true}
        %dma_wait3A_411 = arith.constant 0 : i32
        %dma_wait3A_412 = tpu.memref_slice %arg8[%run_scoped3A_150, %dma_wait3A_411] : memref<16x128xi32, #tpu.memory_space<vmem>> -> memref<1x128xi32, #tpu.memory_space<vmem>>
        %dma_wait3A_413 = tpu.memref_squeeze %dma_wait3A_412 : memref<1x128xi32, #tpu.memory_space<vmem>> -> memref<128xi32, #tpu.memory_space<vmem>>
        %dma_wait3A_414 = arith.constant 0 : i32
        %dma_wait3A_415 = arith.constant 0 : i32
        %dma_wait3A_416 = tpu.memref_slice %arg11[%dma_wait3A_414, %dma_wait3A_415] : memref<10112x128xf32, #tpu.memory_space<vmem_shared>> -> memref<10112x128xf32, #tpu.memory_space<vmem_shared>>
        tpu.wait_indirect_dma semaphore(%run_scoped3A_404 : memref<!tpu.dma_semaphore, #tpu.memory_space<semaphore_mem>>) src(%arg9 : memref<128x128xf32, #tpu.memory_space<vmem>>) dst(%dma_wait3A_416 : memref<10112x128xf32, #tpu.memory_space<vmem_shared>>)
        tpu.yield
      }) : () -> ()
      %dma_wait3A_151 = arith.constant 3 : i32
      %dma_wait3A_152 = arith.constant 0 : i32
      %dma_wait3A_153 = tpu.memref_slice %arg7[%dma_wait3A_151, %dma_wait3A_152] : memref<16x128xi32, #tpu.memory_space<vmem>> -> memref<1x128xi32, #tpu.memory_space<vmem>>
      %dma_wait3A_154 = tpu.memref_squeeze %dma_wait3A_153 : memref<1x128xi32, #tpu.memory_space<vmem>> -> memref<128xi32, #tpu.memory_space<vmem>>
      %dma_wait3A_155 = arith.constant 0 : i32
      %dma_wait3A_156 = arith.constant 0 : i32
      %dma_wait3A_157 = tpu.memref_slice %arg2[%dma_wait3A_155, %dma_wait3A_156] : memref<10000x128xf32, #tpu.memory_space<hbm>> -> memref<10000x128xf32, #tpu.memory_space<hbm>>
      tpu.wait_indirect_dma semaphore(%arg13 : memref<!tpu.dma_semaphore, #tpu.memory_space<semaphore_mem>>) src(%dma_wait3A_157 : memref<10000x128xf32, #tpu.memory_space<hbm>>) dst(%arg10 : memref<128x128xf32, #tpu.memory_space<vmem>>)
      %dma_start3A_158 = arith.constant 4 : i32
      %dma_start3A_159 = arith.constant 0 : i32
      %dma_start3A_160 = tpu.memref_slice %arg7[%dma_start3A_158, %dma_start3A_159] : memref<16x128xi32, #tpu.memory_space<vmem>> -> memref<1x128xi32, #tpu.memory_space<vmem>>
      %dma_start3A_161 = tpu.memref_squeeze %dma_start3A_160 : memref<1x128xi32, #tpu.memory_space<vmem>> -> memref<128xi32, #tpu.memory_space<vmem>>
      %dma_start3A_162 = arith.constant 0 : i32
      %dma_start3A_163 = arith.constant 0 : i32
      %dma_start3A_164 = tpu.memref_slice %arg2[%dma_start3A_162, %dma_start3A_163] : memref<10000x128xf32, #tpu.memory_space<hbm>> -> memref<10000x128xf32, #tpu.memory_space<hbm>>
      tpu.enqueue_indirect_dma source(%dma_start3A_164 : memref<10000x128xf32, #tpu.memory_space<hbm>>) target(%arg9 : memref<128x128xf32, #tpu.memory_space<vmem>>) offsets(%dma_start3A_161 : memref<128xi32, #tpu.memory_space<vmem>>) semaphore(%arg12 : memref<!tpu.dma_semaphore, #tpu.memory_space<semaphore_mem>>)
      %run_scoped3A_165 = arith.constant 3 : i32
      "tpu.region"() ({
        %run_scoped3A_404 = tpu.sem_alloc : memref<!tpu.dma_semaphore, #tpu.memory_space<semaphore_mem>>
        %dma_start3A_405 = arith.constant 0 : i32
        %dma_start3A_406 = tpu.memref_slice %arg8[%run_scoped3A_165, %dma_start3A_405] : memref<16x128xi32, #tpu.memory_space<vmem>> -> memref<1x128xi32, #tpu.memory_space<vmem>>
        %dma_start3A_407 = tpu.memref_squeeze %dma_start3A_406 : memref<1x128xi32, #tpu.memory_space<vmem>> -> memref<128xi32, #tpu.memory_space<vmem>>
        %dma_start3A_408 = arith.constant 0 : i32
        %dma_start3A_409 = arith.constant 0 : i32
        %dma_start3A_410 = tpu.memref_slice %arg11[%dma_start3A_408, %dma_start3A_409] : memref<10112x128xf32, #tpu.memory_space<vmem_shared>> -> memref<10112x128xf32, #tpu.memory_space<vmem_shared>>
        tpu.enqueue_indirect_dma source(%arg10 : memref<128x128xf32, #tpu.memory_space<vmem>>) target(%dma_start3A_410 : memref<10112x128xf32, #tpu.memory_space<vmem_shared>>) offsets(%dma_start3A_407 : memref<128xi32, #tpu.memory_space<vmem>>) semaphore(%run_scoped3A_404 : memref<!tpu.dma_semaphore, #tpu.memory_space<semaphore_mem>>) {add = true}
        %dma_wait3A_411 = arith.constant 0 : i32
        %dma_wait3A_412 = tpu.memref_slice %arg8[%run_scoped3A_165, %dma_wait3A_411] : memref<16x128xi32, #tpu.memory_space<vmem>> -> memref<1x128xi32, #tpu.memory_space<vmem>>
        %dma_wait3A_413 = tpu.memref_squeeze %dma_wait3A_412 : memref<1x128xi32, #tpu.memory_space<vmem>> -> memref<128xi32, #tpu.memory_space<vmem>>
        %dma_wait3A_414 = arith.constant 0 : i32
        %dma_wait3A_415 = arith.constant 0 : i32
        %dma_wait3A_416 = tpu.memref_slice %arg11[%dma_wait3A_414, %dma_wait3A_415] : memref<10112x128xf32, #tpu.memory_space<vmem_shared>> -> memref<10112x128xf32, #tpu.memory_space<vmem_shared>>
        tpu.wait_indirect_dma semaphore(%run_scoped3A_404 : memref<!tpu.dma_semaphore, #tpu.memory_space<semaphore_mem>>) src(%arg10 : memref<128x128xf32, #tpu.memory_space<vmem>>) dst(%dma_wait3A_416 : memref<10112x128xf32, #tpu.memory_space<vmem_shared>>)
        tpu.yield
      }) : () -> ()
      %dma_wait3A_166 = arith.constant 4 : i32
      %dma_wait3A_167 = arith.constant 0 : i32
      %dma_wait3A_168 = tpu.memref_slice %arg7[%dma_wait3A_166, %dma_wait3A_167] : memref<16x128xi32, #tpu.memory_space<vmem>> -> memref<1x128xi32, #tpu.memory_space<vmem>>
      %dma_wait3A_169 = tpu.memref_squeeze %dma_wait3A_168 : memref<1x128xi32, #tpu.memory_space<vmem>> -> memref<128xi32, #tpu.memory_space<vmem>>
      %dma_wait3A_170 = arith.constant 0 : i32
      %dma_wait3A_171 = arith.constant 0 : i32
      %dma_wait3A_172 = tpu.memref_slice %arg2[%dma_wait3A_170, %dma_wait3A_171] : memref<10000x128xf32, #tpu.memory_space<hbm>> -> memref<10000x128xf32, #tpu.memory_space<hbm>>
      tpu.wait_indirect_dma semaphore(%arg12 : memref<!tpu.dma_semaphore, #tpu.memory_space<semaphore_mem>>) src(%dma_wait3A_172 : memref<10000x128xf32, #tpu.memory_space<hbm>>) dst(%arg9 : memref<128x128xf32, #tpu.memory_space<vmem>>)
      %dma_start3A_173 = arith.constant 5 : i32
      %dma_start3A_174 = arith.constant 0 : i32
      %dma_start3A_175 = tpu.memref_slice %arg7[%dma_start3A_173, %dma_start3A_174] : memref<16x128xi32, #tpu.memory_space<vmem>> -> memref<1x128xi32, #tpu.memory_space<vmem>>
      %dma_start3A_176 = tpu.memref_squeeze %dma_start3A_175 : memref<1x128xi32, #tpu.memory_space<vmem>> -> memref<128xi32, #tpu.memory_space<vmem>>
      %dma_start3A_177 = arith.constant 0 : i32
      %dma_start3A_178 = arith.constant 0 : i32
      %dma_start3A_179 = tpu.memref_slice %arg2[%dma_start3A_177, %dma_start3A_178] : memref<10000x128xf32, #tpu.memory_space<hbm>> -> memref<10000x128xf32, #tpu.memory_space<hbm>>
      tpu.enqueue_indirect_dma source(%dma_start3A_179 : memref<10000x128xf32, #tpu.memory_space<hbm>>) target(%arg10 : memref<128x128xf32, #tpu.memory_space<vmem>>) offsets(%dma_start3A_176 : memref<128xi32, #tpu.memory_space<vmem>>) semaphore(%arg13 : memref<!tpu.dma_semaphore, #tpu.memory_space<semaphore_mem>>)
      %run_scoped3A_180 = arith.constant 4 : i32
      "tpu.region"() ({
        %run_scoped3A_404 = tpu.sem_alloc : memref<!tpu.dma_semaphore, #tpu.memory_space<semaphore_mem>>
        %dma_start3A_405 = arith.constant 0 : i32
        %dma_start3A_406 = tpu.memref_slice %arg8[%run_scoped3A_180, %dma_start3A_405] : memref<16x128xi32, #tpu.memory_space<vmem>> -> memref<1x128xi32, #tpu.memory_space<vmem>>
        %dma_start3A_407 = tpu.memref_squeeze %dma_start3A_406 : memref<1x128xi32, #tpu.memory_space<vmem>> -> memref<128xi32, #tpu.memory_space<vmem>>
        %dma_start3A_408 = arith.constant 0 : i32
        %dma_start3A_409 = arith.constant 0 : i32
        %dma_start3A_410 = tpu.memref_slice %arg11[%dma_start3A_408, %dma_start3A_409] : memref<10112x128xf32, #tpu.memory_space<vmem_shared>> -> memref<10112x128xf32, #tpu.memory_space<vmem_shared>>
        tpu.enqueue_indirect_dma source(%arg9 : memref<128x128xf32, #tpu.memory_space<vmem>>) target(%dma_start3A_410 : memref<10112x128xf32, #tpu.memory_space<vmem_shared>>) offsets(%dma_start3A_407 : memref<128xi32, #tpu.memory_space<vmem>>) semaphore(%run_scoped3A_404 : memref<!tpu.dma_semaphore, #tpu.memory_space<semaphore_mem>>) {add = true}
        %dma_wait3A_411 = arith.constant 0 : i32
        %dma_wait3A_412 = tpu.memref_slice %arg8[%run_scoped3A_180, %dma_wait3A_411] : memref<16x128xi32, #tpu.memory_space<vmem>> -> memref<1x128xi32, #tpu.memory_space<vmem>>
        %dma_wait3A_413 = tpu.memref_squeeze %dma_wait3A_412 : memref<1x128xi32, #tpu.memory_space<vmem>> -> memref<128xi32, #tpu.memory_space<vmem>>
        %dma_wait3A_414 = arith.constant 0 : i32
        %dma_wait3A_415 = arith.constant 0 : i32
        %dma_wait3A_416 = tpu.memref_slice %arg11[%dma_wait3A_414, %dma_wait3A_415] : memref<10112x128xf32, #tpu.memory_space<vmem_shared>> -> memref<10112x128xf32, #tpu.memory_space<vmem_shared>>
        tpu.wait_indirect_dma semaphore(%run_scoped3A_404 : memref<!tpu.dma_semaphore, #tpu.memory_space<semaphore_mem>>) src(%arg9 : memref<128x128xf32, #tpu.memory_space<vmem>>) dst(%dma_wait3A_416 : memref<10112x128xf32, #tpu.memory_space<vmem_shared>>)
        tpu.yield
      }) : () -> ()
      %dma_wait3A_181 = arith.constant 5 : i32
      %dma_wait3A_182 = arith.constant 0 : i32
      %dma_wait3A_183 = tpu.memref_slice %arg7[%dma_wait3A_181, %dma_wait3A_182] : memref<16x128xi32, #tpu.memory_space<vmem>> -> memref<1x128xi32, #tpu.memory_space<vmem>>
      %dma_wait3A_184 = tpu.memref_squeeze %dma_wait3A_183 : memref<1x128xi32, #tpu.memory_space<vmem>> -> memref<128xi32, #tpu.memory_space<vmem>>
      %dma_wait3A_185 = arith.constant 0 : i32
      %dma_wait3A_186 = arith.constant 0 : i32
      %dma_wait3A_187 = tpu.memref_slice %arg2[%dma_wait3A_185, %dma_wait3A_186] : memref<10000x128xf32, #tpu.memory_space<hbm>> -> memref<10000x128xf32, #tpu.memory_space<hbm>>
      tpu.wait_indirect_dma semaphore(%arg13 : memref<!tpu.dma_semaphore, #tpu.memory_space<semaphore_mem>>) src(%dma_wait3A_187 : memref<10000x128xf32, #tpu.memory_space<hbm>>) dst(%arg10 : memref<128x128xf32, #tpu.memory_space<vmem>>)
      %dma_start3A_188 = arith.constant 6 : i32
      %dma_start3A_189 = arith.constant 0 : i32
      %dma_start3A_190 = tpu.memref_slice %arg7[%dma_start3A_188, %dma_start3A_189] : memref<16x128xi32, #tpu.memory_space<vmem>> -> memref<1x128xi32, #tpu.memory_space<vmem>>
      %dma_start3A_191 = tpu.memref_squeeze %dma_start3A_190 : memref<1x128xi32, #tpu.memory_space<vmem>> -> memref<128xi32, #tpu.memory_space<vmem>>
      %dma_start3A_192 = arith.constant 0 : i32
      %dma_start3A_193 = arith.constant 0 : i32
      %dma_start3A_194 = tpu.memref_slice %arg2[%dma_start3A_192, %dma_start3A_193] : memref<10000x128xf32, #tpu.memory_space<hbm>> -> memref<10000x128xf32, #tpu.memory_space<hbm>>
      tpu.enqueue_indirect_dma source(%dma_start3A_194 : memref<10000x128xf32, #tpu.memory_space<hbm>>) target(%arg9 : memref<128x128xf32, #tpu.memory_space<vmem>>) offsets(%dma_start3A_191 : memref<128xi32, #tpu.memory_space<vmem>>) semaphore(%arg12 : memref<!tpu.dma_semaphore, #tpu.memory_space<semaphore_mem>>)
      %run_scoped3A_195 = arith.constant 5 : i32
      "tpu.region"() ({
        %run_scoped3A_404 = tpu.sem_alloc : memref<!tpu.dma_semaphore, #tpu.memory_space<semaphore_mem>>
        %dma_start3A_405 = arith.constant 0 : i32
        %dma_start3A_406 = tpu.memref_slice %arg8[%run_scoped3A_195, %dma_start3A_405] : memref<16x128xi32, #tpu.memory_space<vmem>> -> memref<1x128xi32, #tpu.memory_space<vmem>>
        %dma_start3A_407 = tpu.memref_squeeze %dma_start3A_406 : memref<1x128xi32, #tpu.memory_space<vmem>> -> memref<128xi32, #tpu.memory_space<vmem>>
        %dma_start3A_408 = arith.constant 0 : i32
        %dma_start3A_409 = arith.constant 0 : i32
        %dma_start3A_410 = tpu.memref_slice %arg11[%dma_start3A_408, %dma_start3A_409] : memref<10112x128xf32, #tpu.memory_space<vmem_shared>> -> memref<10112x128xf32, #tpu.memory_space<vmem_shared>>
        tpu.enqueue_indirect_dma source(%arg10 : memref<128x128xf32, #tpu.memory_space<vmem>>) target(%dma_start3A_410 : memref<10112x128xf32, #tpu.memory_space<vmem_shared>>) offsets(%dma_start3A_407 : memref<128xi32, #tpu.memory_space<vmem>>) semaphore(%run_scoped3A_404 : memref<!tpu.dma_semaphore, #tpu.memory_space<semaphore_mem>>) {add = true}
        %dma_wait3A_411 = arith.constant 0 : i32
        %dma_wait3A_412 = tpu.memref_slice %arg8[%run_scoped3A_195, %dma_wait3A_411] : memref<16x128xi32, #tpu.memory_space<vmem>> -> memref<1x128xi32, #tpu.memory_space<vmem>>
        %dma_wait3A_413 = tpu.memref_squeeze %dma_wait3A_412 : memref<1x128xi32, #tpu.memory_space<vmem>> -> memref<128xi32, #tpu.memory_space<vmem>>
        %dma_wait3A_414 = arith.constant 0 : i32
        %dma_wait3A_415 = arith.constant 0 : i32
        %dma_wait3A_416 = tpu.memref_slice %arg11[%dma_wait3A_414, %dma_wait3A_415] : memref<10112x128xf32, #tpu.memory_space<vmem_shared>> -> memref<10112x128xf32, #tpu.memory_space<vmem_shared>>
        tpu.wait_indirect_dma semaphore(%run_scoped3A_404 : memref<!tpu.dma_semaphore, #tpu.memory_space<semaphore_mem>>) src(%arg10 : memref<128x128xf32, #tpu.memory_space<vmem>>) dst(%dma_wait3A_416 : memref<10112x128xf32, #tpu.memory_space<vmem_shared>>)
        tpu.yield
      }) : () -> ()
      %dma_wait3A_196 = arith.constant 6 : i32
      %dma_wait3A_197 = arith.constant 0 : i32
      %dma_wait3A_198 = tpu.memref_slice %arg7[%dma_wait3A_196, %dma_wait3A_197] : memref<16x128xi32, #tpu.memory_space<vmem>> -> memref<1x128xi32, #tpu.memory_space<vmem>>
      %dma_wait3A_199 = tpu.memref_squeeze %dma_wait3A_198 : memref<1x128xi32, #tpu.memory_space<vmem>> -> memref<128xi32, #tpu.memory_space<vmem>>
      %dma_wait3A_200 = arith.constant 0 : i32
      %dma_wait3A_201 = arith.constant 0 : i32
      %dma_wait3A_202 = tpu.memref_slice %arg2[%dma_wait3A_200, %dma_wait3A_201] : memref<10000x128xf32, #tpu.memory_space<hbm>> -> memref<10000x128xf32, #tpu.memory_space<hbm>>
      tpu.wait_indirect_dma semaphore(%arg12 : memref<!tpu.dma_semaphore, #tpu.memory_space<semaphore_mem>>) src(%dma_wait3A_202 : memref<10000x128xf32, #tpu.memory_space<hbm>>) dst(%arg9 : memref<128x128xf32, #tpu.memory_space<vmem>>)
      %dma_start3A_203 = arith.constant 7 : i32
      %dma_start3A_204 = arith.constant 0 : i32
      %dma_start3A_205 = tpu.memref_slice %arg7[%dma_start3A_203, %dma_start3A_204] : memref<16x128xi32, #tpu.memory_space<vmem>> -> memref<1x128xi32, #tpu.memory_space<vmem>>
      %dma_start3A_206 = tpu.memref_squeeze %dma_start3A_205 : memref<1x128xi32, #tpu.memory_space<vmem>> -> memref<128xi32, #tpu.memory_space<vmem>>
      %dma_start3A_207 = arith.constant 0 : i32
      %dma_start3A_208 = arith.constant 0 : i32
      %dma_start3A_209 = tpu.memref_slice %arg2[%dma_start3A_207, %dma_start3A_208] : memref<10000x128xf32, #tpu.memory_space<hbm>> -> memref<10000x128xf32, #tpu.memory_space<hbm>>
      tpu.enqueue_indirect_dma source(%dma_start3A_209 : memref<10000x128xf32, #tpu.memory_space<hbm>>) target(%arg10 : memref<128x128xf32, #tpu.memory_space<vmem>>) offsets(%dma_start3A_206 : memref<128xi32, #tpu.memory_space<vmem>>) semaphore(%arg13 : memref<!tpu.dma_semaphore, #tpu.memory_space<semaphore_mem>>)
      %run_scoped3A_210 = arith.constant 6 : i32
      "tpu.region"() ({
        %run_scoped3A_404 = tpu.sem_alloc : memref<!tpu.dma_semaphore, #tpu.memory_space<semaphore_mem>>
        %dma_start3A_405 = arith.constant 0 : i32
        %dma_start3A_406 = tpu.memref_slice %arg8[%run_scoped3A_210, %dma_start3A_405] : memref<16x128xi32, #tpu.memory_space<vmem>> -> memref<1x128xi32, #tpu.memory_space<vmem>>
        %dma_start3A_407 = tpu.memref_squeeze %dma_start3A_406 : memref<1x128xi32, #tpu.memory_space<vmem>> -> memref<128xi32, #tpu.memory_space<vmem>>
        %dma_start3A_408 = arith.constant 0 : i32
        %dma_start3A_409 = arith.constant 0 : i32
        %dma_start3A_410 = tpu.memref_slice %arg11[%dma_start3A_408, %dma_start3A_409] : memref<10112x128xf32, #tpu.memory_space<vmem_shared>> -> memref<10112x128xf32, #tpu.memory_space<vmem_shared>>
        tpu.enqueue_indirect_dma source(%arg9 : memref<128x128xf32, #tpu.memory_space<vmem>>) target(%dma_start3A_410 : memref<10112x128xf32, #tpu.memory_space<vmem_shared>>) offsets(%dma_start3A_407 : memref<128xi32, #tpu.memory_space<vmem>>) semaphore(%run_scoped3A_404 : memref<!tpu.dma_semaphore, #tpu.memory_space<semaphore_mem>>) {add = true}
        %dma_wait3A_411 = arith.constant 0 : i32
        %dma_wait3A_412 = tpu.memref_slice %arg8[%run_scoped3A_210, %dma_wait3A_411] : memref<16x128xi32, #tpu.memory_space<vmem>> -> memref<1x128xi32, #tpu.memory_space<vmem>>
        %dma_wait3A_413 = tpu.memref_squeeze %dma_wait3A_412 : memref<1x128xi32, #tpu.memory_space<vmem>> -> memref<128xi32, #tpu.memory_space<vmem>>
        %dma_wait3A_414 = arith.constant 0 : i32
        %dma_wait3A_415 = arith.constant 0 : i32
        %dma_wait3A_416 = tpu.memref_slice %arg11[%dma_wait3A_414, %dma_wait3A_415] : memref<10112x128xf32, #tpu.memory_space<vmem_shared>> -> memref<10112x128xf32, #tpu.memory_space<vmem_shared>>
        tpu.wait_indirect_dma semaphore(%run_scoped3A_404 : memref<!tpu.dma_semaphore, #tpu.memory_space<semaphore_mem>>) src(%arg9 : memref<128x128xf32, #tpu.memory_space<vmem>>) dst(%dma_wait3A_416 : memref<10112x128xf32, #tpu.memory_space<vmem_shared>>)
        tpu.yield
      }) : () -> ()
      %dma_wait3A_211 = arith.constant 7 : i32
      %dma_wait3A_212 = arith.constant 0 : i32
      %dma_wait3A_213 = tpu.memref_slice %arg7[%dma_wait3A_211, %dma_wait3A_212] : memref<16x128xi32, #tpu.memory_space<vmem>> -> memref<1x128xi32, #tpu.memory_space<vmem>>
      %dma_wait3A_214 = tpu.memref_squeeze %dma_wait3A_213 : memref<1x128xi32, #tpu.memory_space<vmem>> -> memref<128xi32, #tpu.memory_space<vmem>>
      %dma_wait3A_215 = arith.constant 0 : i32
      %dma_wait3A_216 = arith.constant 0 : i32
      %dma_wait3A_217 = tpu.memref_slice %arg2[%dma_wait3A_215, %dma_wait3A_216] : memref<10000x128xf32, #tpu.memory_space<hbm>> -> memref<10000x128xf32, #tpu.memory_space<hbm>>
      tpu.wait_indirect_dma semaphore(%arg13 : memref<!tpu.dma_semaphore, #tpu.memory_space<semaphore_mem>>) src(%dma_wait3A_217 : memref<10000x128xf32, #tpu.memory_space<hbm>>) dst(%arg10 : memref<128x128xf32, #tpu.memory_space<vmem>>)
      %dma_wait3A_218 = arith.constant 8 : i32
      %dma_wait3A_219 = arith.constant 0 : i32
      %dma_wait3A_220 = tpu.memref_slice %arg7[%dma_wait3A_218, %dma_wait3A_219] : memref<16x128xi32, #tpu.memory_space<vmem>> -> memref<8x128xi32, #tpu.memory_space<vmem>>
      %dma_wait3A_221 = arith.constant 0 : i32
      %dma_wait3A_222 = tpu.memref_slice %arg3[%mul3A_2, %dma_wait3A_221] : memref<2560x128xi32, #tpu.memory_space<hbm>> -> memref<8x128xi32, #tpu.memory_space<hbm>>
      %dma_wait3A_223 = arith.constant 8 : i32
      %dma_wait3A_224 = arith.constant 0 : i32
      %dma_wait3A_225 = tpu.memref_slice %arg7[%dma_wait3A_223, %dma_wait3A_224] : memref<16x128xi32, #tpu.memory_space<vmem>> -> memref<8x128xi32, #tpu.memory_space<vmem>>
      %dma_wait3A_226 = arith.constant 0 : i32
      %dma_wait3A_227 = tpu.memref_slice %arg3[%mul3A_2, %dma_wait3A_226] : memref<2560x128xi32, #tpu.memory_space<hbm>> -> memref<8x128xi32, #tpu.memory_space<hbm>>
      tpu.wait_dma2 semaphore(%arg14 : memref<!tpu.dma_semaphore, #tpu.memory_space<semaphore_mem>>) src(%dma_wait3A_227 : memref<8x128xi32, #tpu.memory_space<hbm>>) dst(%dma_wait3A_225 : memref<8x128xi32, #tpu.memory_space<vmem>>)
      %dma_start3A_228 = arith.constant 8 : i32
      %dma_start3A_229 = arith.constant 0 : i32
      %dma_start3A_230 = tpu.memref_slice %arg7[%dma_start3A_228, %dma_start3A_229] : memref<16x128xi32, #tpu.memory_space<vmem>> -> memref<1x128xi32, #tpu.memory_space<vmem>>
      %dma_start3A_231 = tpu.memref_squeeze %dma_start3A_230 : memref<1x128xi32, #tpu.memory_space<vmem>> -> memref<128xi32, #tpu.memory_space<vmem>>
      %dma_start3A_232 = arith.constant 0 : i32
      %dma_start3A_233 = arith.constant 0 : i32
      %dma_start3A_234 = tpu.memref_slice %arg2[%dma_start3A_232, %dma_start3A_233] : memref<10000x128xf32, #tpu.memory_space<hbm>> -> memref<10000x128xf32, #tpu.memory_space<hbm>>
      tpu.enqueue_indirect_dma source(%dma_start3A_234 : memref<10000x128xf32, #tpu.memory_space<hbm>>) target(%arg9 : memref<128x128xf32, #tpu.memory_space<vmem>>) offsets(%dma_start3A_231 : memref<128xi32, #tpu.memory_space<vmem>>) semaphore(%arg12 : memref<!tpu.dma_semaphore, #tpu.memory_space<semaphore_mem>>)
      %run_scoped3A_235 = arith.constant 7 : i32
      "tpu.region"() ({
        %run_scoped3A_404 = tpu.sem_alloc : memref<!tpu.dma_semaphore, #tpu.memory_space<semaphore_mem>>
        %dma_start3A_405 = arith.constant 0 : i32
        %dma_start3A_406 = tpu.memref_slice %arg8[%run_scoped3A_235, %dma_start3A_405] : memref<16x128xi32, #tpu.memory_space<vmem>> -> memref<1x128xi32, #tpu.memory_space<vmem>>
        %dma_start3A_407 = tpu.memref_squeeze %dma_start3A_406 : memref<1x128xi32, #tpu.memory_space<vmem>> -> memref<128xi32, #tpu.memory_space<vmem>>
        %dma_start3A_408 = arith.constant 0 : i32
        %dma_start3A_409 = arith.constant 0 : i32
        %dma_start3A_410 = tpu.memref_slice %arg11[%dma_start3A_408, %dma_start3A_409] : memref<10112x128xf32, #tpu.memory_space<vmem_shared>> -> memref<10112x128xf32, #tpu.memory_space<vmem_shared>>
        tpu.enqueue_indirect_dma source(%arg10 : memref<128x128xf32, #tpu.memory_space<vmem>>) target(%dma_start3A_410 : memref<10112x128xf32, #tpu.memory_space<vmem_shared>>) offsets(%dma_start3A_407 : memref<128xi32, #tpu.memory_space<vmem>>) semaphore(%run_scoped3A_404 : memref<!tpu.dma_semaphore, #tpu.memory_space<semaphore_mem>>) {add = true}
        %dma_wait3A_411 = arith.constant 0 : i32
        %dma_wait3A_412 = tpu.memref_slice %arg8[%run_scoped3A_235, %dma_wait3A_411] : memref<16x128xi32, #tpu.memory_space<vmem>> -> memref<1x128xi32, #tpu.memory_space<vmem>>
        %dma_wait3A_413 = tpu.memref_squeeze %dma_wait3A_412 : memref<1x128xi32, #tpu.memory_space<vmem>> -> memref<128xi32, #tpu.memory_space<vmem>>
        %dma_wait3A_414 = arith.constant 0 : i32
        %dma_wait3A_415 = arith.constant 0 : i32
        %dma_wait3A_416 = tpu.memref_slice %arg11[%dma_wait3A_414, %dma_wait3A_415] : memref<10112x128xf32, #tpu.memory_space<vmem_shared>> -> memref<10112x128xf32, #tpu.memory_space<vmem_shared>>
        tpu.wait_indirect_dma semaphore(%run_scoped3A_404 : memref<!tpu.dma_semaphore, #tpu.memory_space<semaphore_mem>>) src(%arg10 : memref<128x128xf32, #tpu.memory_space<vmem>>) dst(%dma_wait3A_416 : memref<10112x128xf32, #tpu.memory_space<vmem_shared>>)
        tpu.yield
      }) : () -> ()
      %dma_wait3A_236 = arith.constant 8 : i32
      %dma_wait3A_237 = arith.constant 0 : i32
      %dma_wait3A_238 = tpu.memref_slice %arg8[%dma_wait3A_236, %dma_wait3A_237] : memref<16x128xi32, #tpu.memory_space<vmem>> -> memref<8x128xi32, #tpu.memory_space<vmem>>
      %dma_wait3A_239 = arith.constant 0 : i32
      %dma_wait3A_240 = tpu.memref_slice %arg3[%mul3A_2, %dma_wait3A_239] : memref<2560x128xi32, #tpu.memory_space<hbm>> -> memref<8x128xi32, #tpu.memory_space<hbm>>
      %dma_wait3A_241 = arith.constant 8 : i32
      %dma_wait3A_242 = arith.constant 0 : i32
      %dma_wait3A_243 = tpu.memref_slice %arg8[%dma_wait3A_241, %dma_wait3A_242] : memref<16x128xi32, #tpu.memory_space<vmem>> -> memref<8x128xi32, #tpu.memory_space<vmem>>
      %dma_wait3A_244 = arith.constant 0 : i32
      %dma_wait3A_245 = tpu.memref_slice %arg3[%mul3A_2, %dma_wait3A_244] : memref<2560x128xi32, #tpu.memory_space<hbm>> -> memref<8x128xi32, #tpu.memory_space<hbm>>
      tpu.wait_dma2 semaphore(%arg15 : memref<!tpu.dma_semaphore, #tpu.memory_space<semaphore_mem>>) src(%dma_wait3A_245 : memref<8x128xi32, #tpu.memory_space<hbm>>) dst(%dma_wait3A_243 : memref<8x128xi32, #tpu.memory_space<vmem>>)
      %mul3A_246 = arith.constant 2 : i32
      %mul3A_247 = arith.muli %mul3A_246, %scan3A_69 : i32
      %add3A_248 = arith.constant 2 : i32
      %add3A_249 = arith.addi %mul3A_247, %add3A_248 : i32
      %rem3A = arith.constant 10 : i32
      %rem3A_250 = arith.remsi %add3A_249, %rem3A : i32
      %mul3A_251 = arith.constant 8 : i32
      %mul3A_252 = arith.muli %rem3A_250, %mul3A_251 : i32
      %add3A_253 = arith.addi %mul3A_2, %mul3A_252 : i32
      %dma_start3A_254 = arith.constant 0 : i32
      %dma_start3A_255 = arith.constant 0 : i32
      %dma_start3A_256 = tpu.memref_slice %arg7[%dma_start3A_254, %dma_start3A_255] : memref<16x128xi32, #tpu.memory_space<vmem>> -> memref<8x128xi32, #tpu.memory_space<vmem>>
      %dma_start3A_257 = arith.constant 0 : i32
      %dma_start3A_258 = tpu.memref_slice %arg3[%add3A_253, %dma_start3A_257] : memref<2560x128xi32, #tpu.memory_space<hbm>> -> memref<8x128xi32, #tpu.memory_space<hbm>>
      %dma_start3A_259 = arith.constant 0 : i32
      %dma_start3A_260 = arith.constant 0 : i32
      %dma_start3A_261 = tpu.memref_slice %arg7[%dma_start3A_259, %dma_start3A_260] : memref<16x128xi32, #tpu.memory_space<vmem>> -> memref<8x128xi32, #tpu.memory_space<vmem>>
      %dma_start3A_262 = arith.constant 0 : i32
      %dma_start3A_263 = tpu.memref_slice %arg3[%add3A_253, %dma_start3A_262] : memref<2560x128xi32, #tpu.memory_space<hbm>> -> memref<8x128xi32, #tpu.memory_space<hbm>>
      tpu.enqueue_dma source(%dma_start3A_263 : memref<8x128xi32, #tpu.memory_space<hbm>>) target(%dma_start3A_261 : memref<8x128xi32, #tpu.memory_space<vmem>>) target_semaphore(%arg14 : memref<!tpu.dma_semaphore, #tpu.memory_space<semaphore_mem>>)
      %dma_start3A_264 = arith.constant 0 : i32
      %dma_start3A_265 = arith.constant 0 : i32
      %dma_start3A_266 = tpu.memref_slice %arg8[%dma_start3A_264, %dma_start3A_265] : memref<16x128xi32, #tpu.memory_space<vmem>> -> memref<8x128xi32, #tpu.memory_space<vmem>>
      %dma_start3A_267 = arith.constant 0 : i32
      %dma_start3A_268 = tpu.memref_slice %arg4[%add3A_253, %dma_start3A_267] : memref<2560x128xi32, #tpu.memory_space<hbm>> -> memref<8x128xi32, #tpu.memory_space<hbm>>
      %dma_start3A_269 = arith.constant 0 : i32
      %dma_start3A_270 = arith.constant 0 : i32
      %dma_start3A_271 = tpu.memref_slice %arg8[%dma_start3A_269, %dma_start3A_270] : memref<16x128xi32, #tpu.memory_space<vmem>> -> memref<8x128xi32, #tpu.memory_space<vmem>>
      %dma_start3A_272 = arith.constant 0 : i32
      %dma_start3A_273 = tpu.memref_slice %arg4[%add3A_253, %dma_start3A_272] : memref<2560x128xi32, #tpu.memory_space<hbm>> -> memref<8x128xi32, #tpu.memory_space<hbm>>
      tpu.enqueue_dma source(%dma_start3A_273 : memref<8x128xi32, #tpu.memory_space<hbm>>) target(%dma_start3A_271 : memref<8x128xi32, #tpu.memory_space<vmem>>) target_semaphore(%arg15 : memref<!tpu.dma_semaphore, #tpu.memory_space<semaphore_mem>>)
      %dma_wait3A_274 = arith.constant 8 : i32
      %dma_wait3A_275 = arith.constant 0 : i32
      %dma_wait3A_276 = tpu.memref_slice %arg7[%dma_wait3A_274, %dma_wait3A_275] : memref<16x128xi32, #tpu.memory_space<vmem>> -> memref<1x128xi32, #tpu.memory_space<vmem>>
      %dma_wait3A_277 = tpu.memref_squeeze %dma_wait3A_276 : memref<1x128xi32, #tpu.memory_space<vmem>> -> memref<128xi32, #tpu.memory_space<vmem>>
      %dma_wait3A_278 = arith.constant 0 : i32
      %dma_wait3A_279 = arith.constant 0 : i32
      %dma_wait3A_280 = tpu.memref_slice %arg2[%dma_wait3A_278, %dma_wait3A_279] : memref<10000x128xf32, #tpu.memory_space<hbm>> -> memref<10000x128xf32, #tpu.memory_space<hbm>>
      tpu.wait_indirect_dma semaphore(%arg12 : memref<!tpu.dma_semaphore, #tpu.memory_space<semaphore_mem>>) src(%dma_wait3A_280 : memref<10000x128xf32, #tpu.memory_space<hbm>>) dst(%arg9 : memref<128x128xf32, #tpu.memory_space<vmem>>)
      %dma_start3A_281 = arith.constant 9 : i32
      %dma_start3A_282 = arith.constant 0 : i32
      %dma_start3A_283 = tpu.memref_slice %arg7[%dma_start3A_281, %dma_start3A_282] : memref<16x128xi32, #tpu.memory_space<vmem>> -> memref<1x128xi32, #tpu.memory_space<vmem>>
      %dma_start3A_284 = tpu.memref_squeeze %dma_start3A_283 : memref<1x128xi32, #tpu.memory_space<vmem>> -> memref<128xi32, #tpu.memory_space<vmem>>
      %dma_start3A_285 = arith.constant 0 : i32
      %dma_start3A_286 = arith.constant 0 : i32
      %dma_start3A_287 = tpu.memref_slice %arg2[%dma_start3A_285, %dma_start3A_286] : memref<10000x128xf32, #tpu.memory_space<hbm>> -> memref<10000x128xf32, #tpu.memory_space<hbm>>
      tpu.enqueue_indirect_dma source(%dma_start3A_287 : memref<10000x128xf32, #tpu.memory_space<hbm>>) target(%arg10 : memref<128x128xf32, #tpu.memory_space<vmem>>) offsets(%dma_start3A_284 : memref<128xi32, #tpu.memory_space<vmem>>) semaphore(%arg13 : memref<!tpu.dma_semaphore, #tpu.memory_space<semaphore_mem>>)
      %run_scoped3A_288 = arith.constant 8 : i32
      "tpu.region"() ({
        %run_scoped3A_404 = tpu.sem_alloc : memref<!tpu.dma_semaphore, #tpu.memory_space<semaphore_mem>>
        %dma_start3A_405 = arith.constant 0 : i32
        %dma_start3A_406 = tpu.memref_slice %arg8[%run_scoped3A_288, %dma_start3A_405] : memref<16x128xi32, #tpu.memory_space<vmem>> -> memref<1x128xi32, #tpu.memory_space<vmem>>
        %dma_start3A_407 = tpu.memref_squeeze %dma_start3A_406 : memref<1x128xi32, #tpu.memory_space<vmem>> -> memref<128xi32, #tpu.memory_space<vmem>>
        %dma_start3A_408 = arith.constant 0 : i32
        %dma_start3A_409 = arith.constant 0 : i32
        %dma_start3A_410 = tpu.memref_slice %arg11[%dma_start3A_408, %dma_start3A_409] : memref<10112x128xf32, #tpu.memory_space<vmem_shared>> -> memref<10112x128xf32, #tpu.memory_space<vmem_shared>>
        tpu.enqueue_indirect_dma source(%arg9 : memref<128x128xf32, #tpu.memory_space<vmem>>) target(%dma_start3A_410 : memref<10112x128xf32, #tpu.memory_space<vmem_shared>>) offsets(%dma_start3A_407 : memref<128xi32, #tpu.memory_space<vmem>>) semaphore(%run_scoped3A_404 : memref<!tpu.dma_semaphore, #tpu.memory_space<semaphore_mem>>) {add = true}
        %dma_wait3A_411 = arith.constant 0 : i32
        %dma_wait3A_412 = tpu.memref_slice %arg8[%run_scoped3A_288, %dma_wait3A_411] : memref<16x128xi32, #tpu.memory_space<vmem>> -> memref<1x128xi32, #tpu.memory_space<vmem>>
        %dma_wait3A_413 = tpu.memref_squeeze %dma_wait3A_412 : memref<1x128xi32, #tpu.memory_space<vmem>> -> memref<128xi32, #tpu.memory_space<vmem>>
        %dma_wait3A_414 = arith.constant 0 : i32
        %dma_wait3A_415 = arith.constant 0 : i32
        %dma_wait3A_416 = tpu.memref_slice %arg11[%dma_wait3A_414, %dma_wait3A_415] : memref<10112x128xf32, #tpu.memory_space<vmem_shared>> -> memref<10112x128xf32, #tpu.memory_space<vmem_shared>>
        tpu.wait_indirect_dma semaphore(%run_scoped3A_404 : memref<!tpu.dma_semaphore, #tpu.memory_space<semaphore_mem>>) src(%arg9 : memref<128x128xf32, #tpu.memory_space<vmem>>) dst(%dma_wait3A_416 : memref<10112x128xf32, #tpu.memory_space<vmem_shared>>)
        tpu.yield
      }) : () -> ()
      %dma_wait3A_289 = arith.constant 9 : i32
      %dma_wait3A_290 = arith.constant 0 : i32
      %dma_wait3A_291 = tpu.memref_slice %arg7[%dma_wait3A_289, %dma_wait3A_290] : memref<16x128xi32, #tpu.memory_space<vmem>> -> memref<1x128xi32, #tpu.memory_space<vmem>>
      %dma_wait3A_292 = tpu.memref_squeeze %dma_wait3A_291 : memref<1x128xi32, #tpu.memory_space<vmem>> -> memref<128xi32, #tpu.memory_space<vmem>>
      %dma_wait3A_293 = arith.constant 0 : i32
      %dma_wait3A_294 = arith.constant 0 : i32
      %dma_wait3A_295 = tpu.memref_slice %arg2[%dma_wait3A_293, %dma_wait3A_294] : memref<10000x128xf32, #tpu.memory_space<hbm>> -> memref<10000x128xf32, #tpu.memory_space<hbm>>
      tpu.wait_indirect_dma semaphore(%arg13 : memref<!tpu.dma_semaphore, #tpu.memory_space<semaphore_mem>>) src(%dma_wait3A_295 : memref<10000x128xf32, #tpu.memory_space<hbm>>) dst(%arg10 : memref<128x128xf32, #tpu.memory_space<vmem>>)
      %dma_start3A_296 = arith.constant 10 : i32
      %dma_start3A_297 = arith.constant 0 : i32
      %dma_start3A_298 = tpu.memref_slice %arg7[%dma_start3A_296, %dma_start3A_297] : memref<16x128xi32, #tpu.memory_space<vmem>> -> memref<1x128xi32, #tpu.memory_space<vmem>>
      %dma_start3A_299 = tpu.memref_squeeze %dma_start3A_298 : memref<1x128xi32, #tpu.memory_space<vmem>> -> memref<128xi32, #tpu.memory_space<vmem>>
      %dma_start3A_300 = arith.constant 0 : i32
      %dma_start3A_301 = arith.constant 0 : i32
      %dma_start3A_302 = tpu.memref_slice %arg2[%dma_start3A_300, %dma_start3A_301] : memref<10000x128xf32, #tpu.memory_space<hbm>> -> memref<10000x128xf32, #tpu.memory_space<hbm>>
      tpu.enqueue_indirect_dma source(%dma_start3A_302 : memref<10000x128xf32, #tpu.memory_space<hbm>>) target(%arg9 : memref<128x128xf32, #tpu.memory_space<vmem>>) offsets(%dma_start3A_299 : memref<128xi32, #tpu.memory_space<vmem>>) semaphore(%arg12 : memref<!tpu.dma_semaphore, #tpu.memory_space<semaphore_mem>>)
      %run_scoped3A_303 = arith.constant 9 : i32
      "tpu.region"() ({
        %run_scoped3A_404 = tpu.sem_alloc : memref<!tpu.dma_semaphore, #tpu.memory_space<semaphore_mem>>
        %dma_start3A_405 = arith.constant 0 : i32
        %dma_start3A_406 = tpu.memref_slice %arg8[%run_scoped3A_303, %dma_start3A_405] : memref<16x128xi32, #tpu.memory_space<vmem>> -> memref<1x128xi32, #tpu.memory_space<vmem>>
        %dma_start3A_407 = tpu.memref_squeeze %dma_start3A_406 : memref<1x128xi32, #tpu.memory_space<vmem>> -> memref<128xi32, #tpu.memory_space<vmem>>
        %dma_start3A_408 = arith.constant 0 : i32
        %dma_start3A_409 = arith.constant 0 : i32
        %dma_start3A_410 = tpu.memref_slice %arg11[%dma_start3A_408, %dma_start3A_409] : memref<10112x128xf32, #tpu.memory_space<vmem_shared>> -> memref<10112x128xf32, #tpu.memory_space<vmem_shared>>
        tpu.enqueue_indirect_dma source(%arg10 : memref<128x128xf32, #tpu.memory_space<vmem>>) target(%dma_start3A_410 : memref<10112x128xf32, #tpu.memory_space<vmem_shared>>) offsets(%dma_start3A_407 : memref<128xi32, #tpu.memory_space<vmem>>) semaphore(%run_scoped3A_404 : memref<!tpu.dma_semaphore, #tpu.memory_space<semaphore_mem>>) {add = true}
        %dma_wait3A_411 = arith.constant 0 : i32
        %dma_wait3A_412 = tpu.memref_slice %arg8[%run_scoped3A_303, %dma_wait3A_411] : memref<16x128xi32, #tpu.memory_space<vmem>> -> memref<1x128xi32, #tpu.memory_space<vmem>>
        %dma_wait3A_413 = tpu.memref_squeeze %dma_wait3A_412 : memref<1x128xi32, #tpu.memory_space<vmem>> -> memref<128xi32, #tpu.memory_space<vmem>>
        %dma_wait3A_414 = arith.constant 0 : i32
        %dma_wait3A_415 = arith.constant 0 : i32
        %dma_wait3A_416 = tpu.memref_slice %arg11[%dma_wait3A_414, %dma_wait3A_415] : memref<10112x128xf32, #tpu.memory_space<vmem_shared>> -> memref<10112x128xf32, #tpu.memory_space<vmem_shared>>
        tpu.wait_indirect_dma semaphore(%run_scoped3A_404 : memref<!tpu.dma_semaphore, #tpu.memory_space<semaphore_mem>>) src(%arg10 : memref<128x128xf32, #tpu.memory_space<vmem>>) dst(%dma_wait3A_416 : memref<10112x128xf32, #tpu.memory_space<vmem_shared>>)
        tpu.yield
      }) : () -> ()
      %dma_wait3A_304 = arith.constant 10 : i32
      %dma_wait3A_305 = arith.constant 0 : i32
      %dma_wait3A_306 = tpu.memref_slice %arg7[%dma_wait3A_304, %dma_wait3A_305] : memref<16x128xi32, #tpu.memory_space<vmem>> -> memref<1x128xi32, #tpu.memory_space<vmem>>
      %dma_wait3A_307 = tpu.memref_squeeze %dma_wait3A_306 : memref<1x128xi32, #tpu.memory_space<vmem>> -> memref<128xi32, #tpu.memory_space<vmem>>
      %dma_wait3A_308 = arith.constant 0 : i32
      %dma_wait3A_309 = arith.constant 0 : i32
      %dma_wait3A_310 = tpu.memref_slice %arg2[%dma_wait3A_308, %dma_wait3A_309] : memref<10000x128xf32, #tpu.memory_space<hbm>> -> memref<10000x128xf32, #tpu.memory_space<hbm>>
      tpu.wait_indirect_dma semaphore(%arg12 : memref<!tpu.dma_semaphore, #tpu.memory_space<semaphore_mem>>) src(%dma_wait3A_310 : memref<10000x128xf32, #tpu.memory_space<hbm>>) dst(%arg9 : memref<128x128xf32, #tpu.memory_space<vmem>>)
      %dma_start3A_311 = arith.constant 11 : i32
      %dma_start3A_312 = arith.constant 0 : i32
      %dma_start3A_313 = tpu.memref_slice %arg7[%dma_start3A_311, %dma_start3A_312] : memref<16x128xi32, #tpu.memory_space<vmem>> -> memref<1x128xi32, #tpu.memory_space<vmem>>
      %dma_start3A_314 = tpu.memref_squeeze %dma_start3A_313 : memref<1x128xi32, #tpu.memory_space<vmem>> -> memref<128xi32, #tpu.memory_space<vmem>>
      %dma_start3A_315 = arith.constant 0 : i32
      %dma_start3A_316 = arith.constant 0 : i32
      %dma_start3A_317 = tpu.memref_slice %arg2[%dma_start3A_315, %dma_start3A_316] : memref<10000x128xf32, #tpu.memory_space<hbm>> -> memref<10000x128xf32, #tpu.memory_space<hbm>>
      tpu.enqueue_indirect_dma source(%dma_start3A_317 : memref<10000x128xf32, #tpu.memory_space<hbm>>) target(%arg10 : memref<128x128xf32, #tpu.memory_space<vmem>>) offsets(%dma_start3A_314 : memref<128xi32, #tpu.memory_space<vmem>>) semaphore(%arg13 : memref<!tpu.dma_semaphore, #tpu.memory_space<semaphore_mem>>)
      %run_scoped3A_318 = arith.constant 10 : i32
      "tpu.region"() ({
        %run_scoped3A_404 = tpu.sem_alloc : memref<!tpu.dma_semaphore, #tpu.memory_space<semaphore_mem>>
        %dma_start3A_405 = arith.constant 0 : i32
        %dma_start3A_406 = tpu.memref_slice %arg8[%run_scoped3A_318, %dma_start3A_405] : memref<16x128xi32, #tpu.memory_space<vmem>> -> memref<1x128xi32, #tpu.memory_space<vmem>>
        %dma_start3A_407 = tpu.memref_squeeze %dma_start3A_406 : memref<1x128xi32, #tpu.memory_space<vmem>> -> memref<128xi32, #tpu.memory_space<vmem>>
        %dma_start3A_408 = arith.constant 0 : i32
        %dma_start3A_409 = arith.constant 0 : i32
        %dma_start3A_410 = tpu.memref_slice %arg11[%dma_start3A_408, %dma_start3A_409] : memref<10112x128xf32, #tpu.memory_space<vmem_shared>> -> memref<10112x128xf32, #tpu.memory_space<vmem_shared>>
        tpu.enqueue_indirect_dma source(%arg9 : memref<128x128xf32, #tpu.memory_space<vmem>>) target(%dma_start3A_410 : memref<10112x128xf32, #tpu.memory_space<vmem_shared>>) offsets(%dma_start3A_407 : memref<128xi32, #tpu.memory_space<vmem>>) semaphore(%run_scoped3A_404 : memref<!tpu.dma_semaphore, #tpu.memory_space<semaphore_mem>>) {add = true}
        %dma_wait3A_411 = arith.constant 0 : i32
        %dma_wait3A_412 = tpu.memref_slice %arg8[%run_scoped3A_318, %dma_wait3A_411] : memref<16x128xi32, #tpu.memory_space<vmem>> -> memref<1x128xi32, #tpu.memory_space<vmem>>
        %dma_wait3A_413 = tpu.memref_squeeze %dma_wait3A_412 : memref<1x128xi32, #tpu.memory_space<vmem>> -> memref<128xi32, #tpu.memory_space<vmem>>
        %dma_wait3A_414 = arith.constant 0 : i32
        %dma_wait3A_415 = arith.constant 0 : i32
        %dma_wait3A_416 = tpu.memref_slice %arg11[%dma_wait3A_414, %dma_wait3A_415] : memref<10112x128xf32, #tpu.memory_space<vmem_shared>> -> memref<10112x128xf32, #tpu.memory_space<vmem_shared>>
        tpu.wait_indirect_dma semaphore(%run_scoped3A_404 : memref<!tpu.dma_semaphore, #tpu.memory_space<semaphore_mem>>) src(%arg9 : memref<128x128xf32, #tpu.memory_space<vmem>>) dst(%dma_wait3A_416 : memref<10112x128xf32, #tpu.memory_space<vmem_shared>>)
        tpu.yield
      }) : () -> ()
      %dma_wait3A_319 = arith.constant 11 : i32
      %dma_wait3A_320 = arith.constant 0 : i32
      %dma_wait3A_321 = tpu.memref_slice %arg7[%dma_wait3A_319, %dma_wait3A_320] : memref<16x128xi32, #tpu.memory_space<vmem>> -> memref<1x128xi32, #tpu.memory_space<vmem>>
      %dma_wait3A_322 = tpu.memref_squeeze %dma_wait3A_321 : memref<1x128xi32, #tpu.memory_space<vmem>> -> memref<128xi32, #tpu.memory_space<vmem>>
      %dma_wait3A_323 = arith.constant 0 : i32
      %dma_wait3A_324 = arith.constant 0 : i32
      %dma_wait3A_325 = tpu.memref_slice %arg2[%dma_wait3A_323, %dma_wait3A_324] : memref<10000x128xf32, #tpu.memory_space<hbm>> -> memref<10000x128xf32, #tpu.memory_space<hbm>>
      tpu.wait_indirect_dma semaphore(%arg13 : memref<!tpu.dma_semaphore, #tpu.memory_space<semaphore_mem>>) src(%dma_wait3A_325 : memref<10000x128xf32, #tpu.memory_space<hbm>>) dst(%arg10 : memref<128x128xf32, #tpu.memory_space<vmem>>)
      %dma_start3A_326 = arith.constant 12 : i32
      %dma_start3A_327 = arith.constant 0 : i32
      %dma_start3A_328 = tpu.memref_slice %arg7[%dma_start3A_326, %dma_start3A_327] : memref<16x128xi32, #tpu.memory_space<vmem>> -> memref<1x128xi32, #tpu.memory_space<vmem>>
      %dma_start3A_329 = tpu.memref_squeeze %dma_start3A_328 : memref<1x128xi32, #tpu.memory_space<vmem>> -> memref<128xi32, #tpu.memory_space<vmem>>
      %dma_start3A_330 = arith.constant 0 : i32
      %dma_start3A_331 = arith.constant 0 : i32
      %dma_start3A_332 = tpu.memref_slice %arg2[%dma_start3A_330, %dma_start3A_331] : memref<10000x128xf32, #tpu.memory_space<hbm>> -> memref<10000x128xf32, #tpu.memory_space<hbm>>
      tpu.enqueue_indirect_dma source(%dma_start3A_332 : memref<10000x128xf32, #tpu.memory_space<hbm>>) target(%arg9 : memref<128x128xf32, #tpu.memory_space<vmem>>) offsets(%dma_start3A_329 : memref<128xi32, #tpu.memory_space<vmem>>) semaphore(%arg12 : memref<!tpu.dma_semaphore, #tpu.memory_space<semaphore_mem>>)
      %run_scoped3A_333 = arith.constant 11 : i32
      "tpu.region"() ({
        %run_scoped3A_404 = tpu.sem_alloc : memref<!tpu.dma_semaphore, #tpu.memory_space<semaphore_mem>>
        %dma_start3A_405 = arith.constant 0 : i32
        %dma_start3A_406 = tpu.memref_slice %arg8[%run_scoped3A_333, %dma_start3A_405] : memref<16x128xi32, #tpu.memory_space<vmem>> -> memref<1x128xi32, #tpu.memory_space<vmem>>
        %dma_start3A_407 = tpu.memref_squeeze %dma_start3A_406 : memref<1x128xi32, #tpu.memory_space<vmem>> -> memref<128xi32, #tpu.memory_space<vmem>>
        %dma_start3A_408 = arith.constant 0 : i32
        %dma_start3A_409 = arith.constant 0 : i32
        %dma_start3A_410 = tpu.memref_slice %arg11[%dma_start3A_408, %dma_start3A_409] : memref<10112x128xf32, #tpu.memory_space<vmem_shared>> -> memref<10112x128xf32, #tpu.memory_space<vmem_shared>>
        tpu.enqueue_indirect_dma source(%arg10 : memref<128x128xf32, #tpu.memory_space<vmem>>) target(%dma_start3A_410 : memref<10112x128xf32, #tpu.memory_space<vmem_shared>>) offsets(%dma_start3A_407 : memref<128xi32, #tpu.memory_space<vmem>>) semaphore(%run_scoped3A_404 : memref<!tpu.dma_semaphore, #tpu.memory_space<semaphore_mem>>) {add = true}
        %dma_wait3A_411 = arith.constant 0 : i32
        %dma_wait3A_412 = tpu.memref_slice %arg8[%run_scoped3A_333, %dma_wait3A_411] : memref<16x128xi32, #tpu.memory_space<vmem>> -> memref<1x128xi32, #tpu.memory_space<vmem>>
        %dma_wait3A_413 = tpu.memref_squeeze %dma_wait3A_412 : memref<1x128xi32, #tpu.memory_space<vmem>> -> memref<128xi32, #tpu.memory_space<vmem>>
        %dma_wait3A_414 = arith.constant 0 : i32
        %dma_wait3A_415 = arith.constant 0 : i32
        %dma_wait3A_416 = tpu.memref_slice %arg11[%dma_wait3A_414, %dma_wait3A_415] : memref<10112x128xf32, #tpu.memory_space<vmem_shared>> -> memref<10112x128xf32, #tpu.memory_space<vmem_shared>>
        tpu.wait_indirect_dma semaphore(%run_scoped3A_404 : memref<!tpu.dma_semaphore, #tpu.memory_space<semaphore_mem>>) src(%arg10 : memref<128x128xf32, #tpu.memory_space<vmem>>) dst(%dma_wait3A_416 : memref<10112x128xf32, #tpu.memory_space<vmem_shared>>)
        tpu.yield
      }) : () -> ()
      %dma_wait3A_334 = arith.constant 12 : i32
      %dma_wait3A_335 = arith.constant 0 : i32
      %dma_wait3A_336 = tpu.memref_slice %arg7[%dma_wait3A_334, %dma_wait3A_335] : memref<16x128xi32, #tpu.memory_space<vmem>> -> memref<1x128xi32, #tpu.memory_space<vmem>>
      %dma_wait3A_337 = tpu.memref_squeeze %dma_wait3A_336 : memref<1x128xi32, #tpu.memory_space<vmem>> -> memref<128xi32, #tpu.memory_space<vmem>>
      %dma_wait3A_338 = arith.constant 0 : i32
      %dma_wait3A_339 = arith.constant 0 : i32
      %dma_wait3A_340 = tpu.memref_slice %arg2[%dma_wait3A_338, %dma_wait3A_339] : memref<10000x128xf32, #tpu.memory_space<hbm>> -> memref<10000x128xf32, #tpu.memory_space<hbm>>
      tpu.wait_indirect_dma semaphore(%arg12 : memref<!tpu.dma_semaphore, #tpu.memory_space<semaphore_mem>>) src(%dma_wait3A_340 : memref<10000x128xf32, #tpu.memory_space<hbm>>) dst(%arg9 : memref<128x128xf32, #tpu.memory_space<vmem>>)
      %dma_start3A_341 = arith.constant 13 : i32
      %dma_start3A_342 = arith.constant 0 : i32
      %dma_start3A_343 = tpu.memref_slice %arg7[%dma_start3A_341, %dma_start3A_342] : memref<16x128xi32, #tpu.memory_space<vmem>> -> memref<1x128xi32, #tpu.memory_space<vmem>>
      %dma_start3A_344 = tpu.memref_squeeze %dma_start3A_343 : memref<1x128xi32, #tpu.memory_space<vmem>> -> memref<128xi32, #tpu.memory_space<vmem>>
      %dma_start3A_345 = arith.constant 0 : i32
      %dma_start3A_346 = arith.constant 0 : i32
      %dma_start3A_347 = tpu.memref_slice %arg2[%dma_start3A_345, %dma_start3A_346] : memref<10000x128xf32, #tpu.memory_space<hbm>> -> memref<10000x128xf32, #tpu.memory_space<hbm>>
      tpu.enqueue_indirect_dma source(%dma_start3A_347 : memref<10000x128xf32, #tpu.memory_space<hbm>>) target(%arg10 : memref<128x128xf32, #tpu.memory_space<vmem>>) offsets(%dma_start3A_344 : memref<128xi32, #tpu.memory_space<vmem>>) semaphore(%arg13 : memref<!tpu.dma_semaphore, #tpu.memory_space<semaphore_mem>>)
      %run_scoped3A_348 = arith.constant 12 : i32
      "tpu.region"() ({
        %run_scoped3A_404 = tpu.sem_alloc : memref<!tpu.dma_semaphore, #tpu.memory_space<semaphore_mem>>
        %dma_start3A_405 = arith.constant 0 : i32
        %dma_start3A_406 = tpu.memref_slice %arg8[%run_scoped3A_348, %dma_start3A_405] : memref<16x128xi32, #tpu.memory_space<vmem>> -> memref<1x128xi32, #tpu.memory_space<vmem>>
        %dma_start3A_407 = tpu.memref_squeeze %dma_start3A_406 : memref<1x128xi32, #tpu.memory_space<vmem>> -> memref<128xi32, #tpu.memory_space<vmem>>
        %dma_start3A_408 = arith.constant 0 : i32
        %dma_start3A_409 = arith.constant 0 : i32
        %dma_start3A_410 = tpu.memref_slice %arg11[%dma_start3A_408, %dma_start3A_409] : memref<10112x128xf32, #tpu.memory_space<vmem_shared>> -> memref<10112x128xf32, #tpu.memory_space<vmem_shared>>
        tpu.enqueue_indirect_dma source(%arg9 : memref<128x128xf32, #tpu.memory_space<vmem>>) target(%dma_start3A_410 : memref<10112x128xf32, #tpu.memory_space<vmem_shared>>) offsets(%dma_start3A_407 : memref<128xi32, #tpu.memory_space<vmem>>) semaphore(%run_scoped3A_404 : memref<!tpu.dma_semaphore, #tpu.memory_space<semaphore_mem>>) {add = true}
        %dma_wait3A_411 = arith.constant 0 : i32
        %dma_wait3A_412 = tpu.memref_slice %arg8[%run_scoped3A_348, %dma_wait3A_411] : memref<16x128xi32, #tpu.memory_space<vmem>> -> memref<1x128xi32, #tpu.memory_space<vmem>>
        %dma_wait3A_413 = tpu.memref_squeeze %dma_wait3A_412 : memref<1x128xi32, #tpu.memory_space<vmem>> -> memref<128xi32, #tpu.memory_space<vmem>>
        %dma_wait3A_414 = arith.constant 0 : i32
        %dma_wait3A_415 = arith.constant 0 : i32
        %dma_wait3A_416 = tpu.memref_slice %arg11[%dma_wait3A_414, %dma_wait3A_415] : memref<10112x128xf32, #tpu.memory_space<vmem_shared>> -> memref<10112x128xf32, #tpu.memory_space<vmem_shared>>
        tpu.wait_indirect_dma semaphore(%run_scoped3A_404 : memref<!tpu.dma_semaphore, #tpu.memory_space<semaphore_mem>>) src(%arg9 : memref<128x128xf32, #tpu.memory_space<vmem>>) dst(%dma_wait3A_416 : memref<10112x128xf32, #tpu.memory_space<vmem_shared>>)
        tpu.yield
      }) : () -> ()
      %dma_wait3A_349 = arith.constant 13 : i32
      %dma_wait3A_350 = arith.constant 0 : i32
      %dma_wait3A_351 = tpu.memref_slice %arg7[%dma_wait3A_349, %dma_wait3A_350] : memref<16x128xi32, #tpu.memory_space<vmem>> -> memref<1x128xi32, #tpu.memory_space<vmem>>
      %dma_wait3A_352 = tpu.memref_squeeze %dma_wait3A_351 : memref<1x128xi32, #tpu.memory_space<vmem>> -> memref<128xi32, #tpu.memory_space<vmem>>
      %dma_wait3A_353 = arith.constant 0 : i32
      %dma_wait3A_354 = arith.constant 0 : i32
      %dma_wait3A_355 = tpu.memref_slice %arg2[%dma_wait3A_353, %dma_wait3A_354] : memref<10000x128xf32, #tpu.memory_space<hbm>> -> memref<10000x128xf32, #tpu.memory_space<hbm>>
      tpu.wait_indirect_dma semaphore(%arg13 : memref<!tpu.dma_semaphore, #tpu.memory_space<semaphore_mem>>) src(%dma_wait3A_355 : memref<10000x128xf32, #tpu.memory_space<hbm>>) dst(%arg10 : memref<128x128xf32, #tpu.memory_space<vmem>>)
      %dma_start3A_356 = arith.constant 14 : i32
      %dma_start3A_357 = arith.constant 0 : i32
      %dma_start3A_358 = tpu.memref_slice %arg7[%dma_start3A_356, %dma_start3A_357] : memref<16x128xi32, #tpu.memory_space<vmem>> -> memref<1x128xi32, #tpu.memory_space<vmem>>
      %dma_start3A_359 = tpu.memref_squeeze %dma_start3A_358 : memref<1x128xi32, #tpu.memory_space<vmem>> -> memref<128xi32, #tpu.memory_space<vmem>>
      %dma_start3A_360 = arith.constant 0 : i32
      %dma_start3A_361 = arith.constant 0 : i32
      %dma_start3A_362 = tpu.memref_slice %arg2[%dma_start3A_360, %dma_start3A_361] : memref<10000x128xf32, #tpu.memory_space<hbm>> -> memref<10000x128xf32, #tpu.memory_space<hbm>>
      tpu.enqueue_indirect_dma source(%dma_start3A_362 : memref<10000x128xf32, #tpu.memory_space<hbm>>) target(%arg9 : memref<128x128xf32, #tpu.memory_space<vmem>>) offsets(%dma_start3A_359 : memref<128xi32, #tpu.memory_space<vmem>>) semaphore(%arg12 : memref<!tpu.dma_semaphore, #tpu.memory_space<semaphore_mem>>)
      %run_scoped3A_363 = arith.constant 13 : i32
      "tpu.region"() ({
        %run_scoped3A_404 = tpu.sem_alloc : memref<!tpu.dma_semaphore, #tpu.memory_space<semaphore_mem>>
        %dma_start3A_405 = arith.constant 0 : i32
        %dma_start3A_406 = tpu.memref_slice %arg8[%run_scoped3A_363, %dma_start3A_405] : memref<16x128xi32, #tpu.memory_space<vmem>> -> memref<1x128xi32, #tpu.memory_space<vmem>>
        %dma_start3A_407 = tpu.memref_squeeze %dma_start3A_406 : memref<1x128xi32, #tpu.memory_space<vmem>> -> memref<128xi32, #tpu.memory_space<vmem>>
        %dma_start3A_408 = arith.constant 0 : i32
        %dma_start3A_409 = arith.constant 0 : i32
        %dma_start3A_410 = tpu.memref_slice %arg11[%dma_start3A_408, %dma_start3A_409] : memref<10112x128xf32, #tpu.memory_space<vmem_shared>> -> memref<10112x128xf32, #tpu.memory_space<vmem_shared>>
        tpu.enqueue_indirect_dma source(%arg10 : memref<128x128xf32, #tpu.memory_space<vmem>>) target(%dma_start3A_410 : memref<10112x128xf32, #tpu.memory_space<vmem_shared>>) offsets(%dma_start3A_407 : memref<128xi32, #tpu.memory_space<vmem>>) semaphore(%run_scoped3A_404 : memref<!tpu.dma_semaphore, #tpu.memory_space<semaphore_mem>>) {add = true}
        %dma_wait3A_411 = arith.constant 0 : i32
        %dma_wait3A_412 = tpu.memref_slice %arg8[%run_scoped3A_363, %dma_wait3A_411] : memref<16x128xi32, #tpu.memory_space<vmem>> -> memref<1x128xi32, #tpu.memory_space<vmem>>
        %dma_wait3A_413 = tpu.memref_squeeze %dma_wait3A_412 : memref<1x128xi32, #tpu.memory_space<vmem>> -> memref<128xi32, #tpu.memory_space<vmem>>
        %dma_wait3A_414 = arith.constant 0 : i32
        %dma_wait3A_415 = arith.constant 0 : i32
        %dma_wait3A_416 = tpu.memref_slice %arg11[%dma_wait3A_414, %dma_wait3A_415] : memref<10112x128xf32, #tpu.memory_space<vmem_shared>> -> memref<10112x128xf32, #tpu.memory_space<vmem_shared>>
        tpu.wait_indirect_dma semaphore(%run_scoped3A_404 : memref<!tpu.dma_semaphore, #tpu.memory_space<semaphore_mem>>) src(%arg10 : memref<128x128xf32, #tpu.memory_space<vmem>>) dst(%dma_wait3A_416 : memref<10112x128xf32, #tpu.memory_space<vmem_shared>>)
        tpu.yield
      }) : () -> ()
      %dma_wait3A_364 = arith.constant 14 : i32
      %dma_wait3A_365 = arith.constant 0 : i32
      %dma_wait3A_366 = tpu.memref_slice %arg7[%dma_wait3A_364, %dma_wait3A_365] : memref<16x128xi32, #tpu.memory_space<vmem>> -> memref<1x128xi32, #tpu.memory_space<vmem>>
      %dma_wait3A_367 = tpu.memref_squeeze %dma_wait3A_366 : memref<1x128xi32, #tpu.memory_space<vmem>> -> memref<128xi32, #tpu.memory_space<vmem>>
      %dma_wait3A_368 = arith.constant 0 : i32
      %dma_wait3A_369 = arith.constant 0 : i32
      %dma_wait3A_370 = tpu.memref_slice %arg2[%dma_wait3A_368, %dma_wait3A_369] : memref<10000x128xf32, #tpu.memory_space<hbm>> -> memref<10000x128xf32, #tpu.memory_space<hbm>>
      tpu.wait_indirect_dma semaphore(%arg12 : memref<!tpu.dma_semaphore, #tpu.memory_space<semaphore_mem>>) src(%dma_wait3A_370 : memref<10000x128xf32, #tpu.memory_space<hbm>>) dst(%arg9 : memref<128x128xf32, #tpu.memory_space<vmem>>)
      %dma_start3A_371 = arith.constant 15 : i32
      %dma_start3A_372 = arith.constant 0 : i32
      %dma_start3A_373 = tpu.memref_slice %arg7[%dma_start3A_371, %dma_start3A_372] : memref<16x128xi32, #tpu.memory_space<vmem>> -> memref<1x128xi32, #tpu.memory_space<vmem>>
      %dma_start3A_374 = tpu.memref_squeeze %dma_start3A_373 : memref<1x128xi32, #tpu.memory_space<vmem>> -> memref<128xi32, #tpu.memory_space<vmem>>
      %dma_start3A_375 = arith.constant 0 : i32
      %dma_start3A_376 = arith.constant 0 : i32
      %dma_start3A_377 = tpu.memref_slice %arg2[%dma_start3A_375, %dma_start3A_376] : memref<10000x128xf32, #tpu.memory_space<hbm>> -> memref<10000x128xf32, #tpu.memory_space<hbm>>
      tpu.enqueue_indirect_dma source(%dma_start3A_377 : memref<10000x128xf32, #tpu.memory_space<hbm>>) target(%arg10 : memref<128x128xf32, #tpu.memory_space<vmem>>) offsets(%dma_start3A_374 : memref<128xi32, #tpu.memory_space<vmem>>) semaphore(%arg13 : memref<!tpu.dma_semaphore, #tpu.memory_space<semaphore_mem>>)
      %run_scoped3A_378 = arith.constant 14 : i32
      "tpu.region"() ({
        %run_scoped3A_404 = tpu.sem_alloc : memref<!tpu.dma_semaphore, #tpu.memory_space<semaphore_mem>>
        %dma_start3A_405 = arith.constant 0 : i32
        %dma_start3A_406 = tpu.memref_slice %arg8[%run_scoped3A_378, %dma_start3A_405] : memref<16x128xi32, #tpu.memory_space<vmem>> -> memref<1x128xi32, #tpu.memory_space<vmem>>
        %dma_start3A_407 = tpu.memref_squeeze %dma_start3A_406 : memref<1x128xi32, #tpu.memory_space<vmem>> -> memref<128xi32, #tpu.memory_space<vmem>>
        %dma_start3A_408 = arith.constant 0 : i32
        %dma_start3A_409 = arith.constant 0 : i32
        %dma_start3A_410 = tpu.memref_slice %arg11[%dma_start3A_408, %dma_start3A_409] : memref<10112x128xf32, #tpu.memory_space<vmem_shared>> -> memref<10112x128xf32, #tpu.memory_space<vmem_shared>>
        tpu.enqueue_indirect_dma source(%arg9 : memref<128x128xf32, #tpu.memory_space<vmem>>) target(%dma_start3A_410 : memref<10112x128xf32, #tpu.memory_space<vmem_shared>>) offsets(%dma_start3A_407 : memref<128xi32, #tpu.memory_space<vmem>>) semaphore(%run_scoped3A_404 : memref<!tpu.dma_semaphore, #tpu.memory_space<semaphore_mem>>) {add = true}
        %dma_wait3A_411 = arith.constant 0 : i32
        %dma_wait3A_412 = tpu.memref_slice %arg8[%run_scoped3A_378, %dma_wait3A_411] : memref<16x128xi32, #tpu.memory_space<vmem>> -> memref<1x128xi32, #tpu.memory_space<vmem>>
        %dma_wait3A_413 = tpu.memref_squeeze %dma_wait3A_412 : memref<1x128xi32, #tpu.memory_space<vmem>> -> memref<128xi32, #tpu.memory_space<vmem>>
        %dma_wait3A_414 = arith.constant 0 : i32
        %dma_wait3A_415 = arith.constant 0 : i32
        %dma_wait3A_416 = tpu.memref_slice %arg11[%dma_wait3A_414, %dma_wait3A_415] : memref<10112x128xf32, #tpu.memory_space<vmem_shared>> -> memref<10112x128xf32, #tpu.memory_space<vmem_shared>>
        tpu.wait_indirect_dma semaphore(%run_scoped3A_404 : memref<!tpu.dma_semaphore, #tpu.memory_space<semaphore_mem>>) src(%arg9 : memref<128x128xf32, #tpu.memory_space<vmem>>) dst(%dma_wait3A_416 : memref<10112x128xf32, #tpu.memory_space<vmem_shared>>)
        tpu.yield
      }) : () -> ()
      %dma_wait3A_379 = arith.constant 15 : i32
      %dma_wait3A_380 = arith.constant 0 : i32
      %dma_wait3A_381 = tpu.memref_slice %arg7[%dma_wait3A_379, %dma_wait3A_380] : memref<16x128xi32, #tpu.memory_space<vmem>> -> memref<1x128xi32, #tpu.memory_space<vmem>>
      %dma_wait3A_382 = tpu.memref_squeeze %dma_wait3A_381 : memref<1x128xi32, #tpu.memory_space<vmem>> -> memref<128xi32, #tpu.memory_space<vmem>>
      %dma_wait3A_383 = arith.constant 0 : i32
      %dma_wait3A_384 = arith.constant 0 : i32
      %dma_wait3A_385 = tpu.memref_slice %arg2[%dma_wait3A_383, %dma_wait3A_384] : memref<10000x128xf32, #tpu.memory_space<hbm>> -> memref<10000x128xf32, #tpu.memory_space<hbm>>
      tpu.wait_indirect_dma semaphore(%arg13 : memref<!tpu.dma_semaphore, #tpu.memory_space<semaphore_mem>>) src(%dma_wait3A_385 : memref<10000x128xf32, #tpu.memory_space<hbm>>) dst(%arg10 : memref<128x128xf32, #tpu.memory_space<vmem>>)
      %dma_wait3A_386 = arith.constant 0 : i32
      %dma_wait3A_387 = arith.constant 0 : i32
      %dma_wait3A_388 = tpu.memref_slice %arg7[%dma_wait3A_386, %dma_wait3A_387] : memref<16x128xi32, #tpu.memory_space<vmem>> -> memref<8x128xi32, #tpu.memory_space<vmem>>
      %dma_wait3A_389 = arith.constant 0 : i32
      %dma_wait3A_390 = tpu.memref_slice %arg3[%mul3A_2, %dma_wait3A_389] : memref<2560x128xi32, #tpu.memory_space<hbm>> -> memref<8x128xi32, #tpu.memory_space<hbm>>
      %dma_wait3A_391 = arith.constant 0 : i32
      %dma_wait3A_392 = arith.constant 0 : i32
      %dma_wait3A_393 = tpu.memref_slice %arg7[%dma_wait3A_391, %dma_wait3A_392] : memref<16x128xi32, #tpu.memory_space<vmem>> -> memref<8x128xi32, #tpu.memory_space<vmem>>
      %dma_wait3A_394 = arith.constant 0 : i32
      %dma_wait3A_395 = tpu.memref_slice %arg3[%mul3A_2, %dma_wait3A_394] : memref<2560x128xi32, #tpu.memory_space<hbm>> -> memref<8x128xi32, #tpu.memory_space<hbm>>
      tpu.wait_dma2 semaphore(%arg14 : memref<!tpu.dma_semaphore, #tpu.memory_space<semaphore_mem>>) src(%dma_wait3A_395 : memref<8x128xi32, #tpu.memory_space<hbm>>) dst(%dma_wait3A_393 : memref<8x128xi32, #tpu.memory_space<vmem>>)
      %dma_start3A_396 = arith.constant 0 : i32
      %dma_start3A_397 = arith.constant 0 : i32
      %dma_start3A_398 = tpu.memref_slice %arg7[%dma_start3A_396, %dma_start3A_397] : memref<16x128xi32, #tpu.memory_space<vmem>> -> memref<1x128xi32, #tpu.memory_space<vmem>>
      %dma_start3A_399 = tpu.memref_squeeze %dma_start3A_398 : memref<1x128xi32, #tpu.memory_space<vmem>> -> memref<128xi32, #tpu.memory_space<vmem>>
      %dma_start3A_400 = arith.constant 0 : i32
      %dma_start3A_401 = arith.constant 0 : i32
      %dma_start3A_402 = tpu.memref_slice %arg2[%dma_start3A_400, %dma_start3A_401] : memref<10000x128xf32, #tpu.memory_space<hbm>> -> memref<10000x128xf32, #tpu.memory_space<hbm>>
      tpu.enqueue_indirect_dma source(%dma_start3A_402 : memref<10000x128xf32, #tpu.memory_space<hbm>>) target(%arg9 : memref<128x128xf32, #tpu.memory_space<vmem>>) offsets(%dma_start3A_399 : memref<128xi32, #tpu.memory_space<vmem>>) semaphore(%arg12 : memref<!tpu.dma_semaphore, #tpu.memory_space<semaphore_mem>>)
      %run_scoped3A_403 = arith.constant 15 : i32
      "tpu.region"() ({
        %run_scoped3A_404 = tpu.sem_alloc : memref<!tpu.dma_semaphore, #tpu.memory_space<semaphore_mem>>
        %dma_start3A_405 = arith.constant 0 : i32
        %dma_start3A_406 = tpu.memref_slice %arg8[%run_scoped3A_403, %dma_start3A_405] : memref<16x128xi32, #tpu.memory_space<vmem>> -> memref<1x128xi32, #tpu.memory_space<vmem>>
        %dma_start3A_407 = tpu.memref_squeeze %dma_start3A_406 : memref<1x128xi32, #tpu.memory_space<vmem>> -> memref<128xi32, #tpu.memory_space<vmem>>
        %dma_start3A_408 = arith.constant 0 : i32
        %dma_start3A_409 = arith.constant 0 : i32
        %dma_start3A_410 = tpu.memref_slice %arg11[%dma_start3A_408, %dma_start3A_409] : memref<10112x128xf32, #tpu.memory_space<vmem_shared>> -> memref<10112x128xf32, #tpu.memory_space<vmem_shared>>
        tpu.enqueue_indirect_dma source(%arg10 : memref<128x128xf32, #tpu.memory_space<vmem>>) target(%dma_start3A_410 : memref<10112x128xf32, #tpu.memory_space<vmem_shared>>) offsets(%dma_start3A_407 : memref<128xi32, #tpu.memory_space<vmem>>) semaphore(%run_scoped3A_404 : memref<!tpu.dma_semaphore, #tpu.memory_space<semaphore_mem>>) {add = true}
        %dma_wait3A_411 = arith.constant 0 : i32
        %dma_wait3A_412 = tpu.memref_slice %arg8[%run_scoped3A_403, %dma_wait3A_411] : memref<16x128xi32, #tpu.memory_space<vmem>> -> memref<1x128xi32, #tpu.memory_space<vmem>>
        %dma_wait3A_413 = tpu.memref_squeeze %dma_wait3A_412 : memref<1x128xi32, #tpu.memory_space<vmem>> -> memref<128xi32, #tpu.memory_space<vmem>>
        %dma_wait3A_414 = arith.constant 0 : i32
        %dma_wait3A_415 = arith.constant 0 : i32
        %dma_wait3A_416 = tpu.memref_slice %arg11[%dma_wait3A_414, %dma_wait3A_415] : memref<10112x128xf32, #tpu.memory_space<vmem_shared>> -> memref<10112x128xf32, #tpu.memory_space<vmem_shared>>
        tpu.wait_indirect_dma semaphore(%run_scoped3A_404 : memref<!tpu.dma_semaphore, #tpu.memory_space<semaphore_mem>>) src(%arg10 : memref<128x128xf32, #tpu.memory_space<vmem>>) dst(%dma_wait3A_416 : memref<10112x128xf32, #tpu.memory_space<vmem_shared>>)
        tpu.yield
      }) : () -> ()
    }
    %scan3A_46 = arith.constant 5 : i32
    %dma_wait3A_47 = arith.constant 0 : i32
    %dma_wait3A_48 = arith.constant 0 : i32
    %dma_wait3A_49 = tpu.memref_slice %arg7[%dma_wait3A_47, %dma_wait3A_48] : memref<16x128xi32, #tpu.memory_space<vmem>> -> memref<1x128xi32, #tpu.memory_space<vmem>>
    %dma_wait3A_50 = tpu.memref_squeeze %dma_wait3A_49 : memref<1x128xi32, #tpu.memory_space<vmem>> -> memref<128xi32, #tpu.memory_space<vmem>>
    %dma_wait3A_51 = arith.constant 0 : i32
    %dma_wait3A_52 = arith.constant 0 : i32
    %dma_wait3A_53 = tpu.memref_slice %arg2[%dma_wait3A_51, %dma_wait3A_52] : memref<10000x128xf32, #tpu.memory_space<hbm>> -> memref<10000x128xf32, #tpu.memory_space<hbm>>
    tpu.wait_indirect_dma semaphore(%arg12 : memref<!tpu.dma_semaphore, #tpu.memory_space<semaphore_mem>>) src(%dma_wait3A_53 : memref<10000x128xf32, #tpu.memory_space<hbm>>) dst(%arg9 : memref<128x128xf32, #tpu.memory_space<vmem>>)
    %dma_wait3A_54 = arith.constant 0 : i32
    %dma_wait3A_55 = arith.constant 0 : i32
    %dma_wait3A_56 = tpu.memref_slice %arg8[%dma_wait3A_54, %dma_wait3A_55] : memref<16x128xi32, #tpu.memory_space<vmem>> -> memref<8x128xi32, #tpu.memory_space<vmem>>
    %dma_wait3A_57 = arith.constant 0 : i32
    %dma_wait3A_58 = tpu.memref_slice %arg3[%mul3A_2, %dma_wait3A_57] : memref<2560x128xi32, #tpu.memory_space<hbm>> -> memref<8x128xi32, #tpu.memory_space<hbm>>
    %dma_wait3A_59 = arith.constant 0 : i32
    %dma_wait3A_60 = arith.constant 0 : i32
    %dma_wait3A_61 = tpu.memref_slice %arg8[%dma_wait3A_59, %dma_wait3A_60] : memref<16x128xi32, #tpu.memory_space<vmem>> -> memref<8x128xi32, #tpu.memory_space<vmem>>
    %dma_wait3A_62 = arith.constant 0 : i32
    %dma_wait3A_63 = tpu.memref_slice %arg3[%mul3A_2, %dma_wait3A_62] : memref<2560x128xi32, #tpu.memory_space<hbm>> -> memref<8x128xi32, #tpu.memory_space<hbm>>
    tpu.wait_dma2 semaphore(%arg15 : memref<!tpu.dma_semaphore, #tpu.memory_space<semaphore_mem>>) src(%dma_wait3A_63 : memref<8x128xi32, #tpu.memory_space<hbm>>) dst(%dma_wait3A_61 : memref<8x128xi32, #tpu.memory_space<vmem>>)
    %barrier3A_64 = arith.constant 0 : index
    tpu.barrier barrier_id(%barrier3A_64)
    %mul3A_65 = arith.constant 632 : i32
    %mul3A_66 = arith.muli %arg1, %mul3A_65 : i32
    %mul3A_67 = arith.constant 632 : i32
    %mul3A_68 = arith.muli %arg1, %mul3A_67 : i32
    "tpu.region"() ({
      %run_scoped3A = tpu.sem_alloc : memref<!tpu.dma_semaphore, #tpu.memory_space<semaphore_mem>>
      %dma_start3A_69 = arith.constant 0 : i32
      %dma_start3A_70 = tpu.memref_slice %arg6[%arg0, %mul3A_68, %dma_start3A_69] : memref<2x10112x128xf32, #tpu.memory_space<hbm>> -> memref<1x632x128xf32, #tpu.memory_space<hbm>>
      %dma_start3A_71 = tpu.memref_squeeze %dma_start3A_70 : memref<1x632x128xf32, #tpu.memory_space<hbm>> -> memref<632x128xf32, #tpu.memory_space<hbm>>
      %dma_start3A_72 = arith.constant 0 : i32
      %dma_start3A_73 = tpu.memref_slice %arg11[%mul3A_66, %dma_start3A_72] : memref<10112x128xf32, #tpu.memory_space<vmem_shared>> -> memref<632x128xf32, #tpu.memory_space<vmem_shared>>
      tpu.enqueue_dma source(%dma_start3A_73 : memref<632x128xf32, #tpu.memory_space<vmem_shared>>) target(%dma_start3A_71 : memref<632x128xf32, #tpu.memory_space<hbm>>) target_semaphore(%run_scoped3A : memref<!tpu.dma_semaphore, #tpu.memory_space<semaphore_mem>>)
      %dma_wait3A_74 = arith.constant 0 : i32
      %dma_wait3A_75 = tpu.memref_slice %arg6[%arg0, %mul3A_68, %dma_wait3A_74] : memref<2x10112x128xf32, #tpu.memory_space<hbm>> -> memref<1x632x128xf32, #tpu.memory_space<hbm>>
      %dma_wait3A_76 = tpu.memref_squeeze %dma_wait3A_75 : memref<1x632x128xf32, #tpu.memory_space<hbm>> -> memref<632x128xf32, #tpu.memory_space<hbm>>
      %dma_wait3A_77 = arith.constant 0 : i32
      %dma_wait3A_78 = tpu.memref_slice %arg11[%mul3A_66, %dma_wait3A_77] : memref<10112x128xf32, #tpu.memory_space<vmem_shared>> -> memref<632x128xf32, #tpu.memory_space<vmem_shared>>
      tpu.wait_dma2 semaphore(%run_scoped3A : memref<!tpu.dma_semaphore, #tpu.memory_space<semaphore_mem>>) src(%dma_wait3A_78 : memref<632x128xf32, #tpu.memory_space<vmem_shared>>) dst(%dma_wait3A_76 : memref<632x128xf32, #tpu.memory_space<hbm>>)
      tpu.yield
    }) : () -> ()
    return
  }
}

module attributes {stable_mosaic.version = 14 : i64} {
  func.func @_pool_body(%arg0: i32, %arg1: memref<1000x128xf32, #tpu.memory_space<vmem>>, %arg2: memref<2x1000x128xf32, #tpu.memory_space<vmem>>, %arg3: memref<1x1x1000xi32, #tpu.memory_space<vmem>>, %arg4: memref<128x128xf32, #tpu.memory_space<vmem>>, %arg5: memref<1x128xf32, #tpu.memory_space<vmem>>, %arg6: memref<128x128xf32, #tpu.memory_space<vmem>>, %arg7: memref<1x128xf32, #tpu.memory_space<vmem>>, %arg8: memref<128x128xf32, #tpu.memory_space<vmem>>, %arg9: memref<1x128xf32, #tpu.memory_space<vmem>>, %arg10: memref<64x128xf32, #tpu.memory_space<vmem>>, %arg11: memref<64x128xf32, #tpu.memory_space<vmem>>) attributes {dimension_semantics = [#tpu.dimension_semantics<arbitrary>], iteration_bounds = array<i64: 10>, scalar_prefetch = 0 : i64, scratch_operands = 1 : i64, tpu.core_type = #tpu.core_type<tc>, window_params = [{transform_indices = @transform_0, window_bounds = array<i64: 1000, 128>}, {transform_indices = @transform_1, window_bounds = array<i64: 2, 1000, 128>}, {transform_indices = @transform_2, window_bounds = array<i64: 1, 1, 1000>}, {pipeline_mode = #tpu.pipeline_mode<synchronous>, transform_indices = @transform_3, window_bounds = array<i64: 128, 128>}, {pipeline_mode = #tpu.pipeline_mode<synchronous>, transform_indices = @transform_4, window_bounds = array<i64: 1, 128>}, {pipeline_mode = #tpu.pipeline_mode<synchronous>, transform_indices = @transform_5, window_bounds = array<i64: 128, 128>}, {pipeline_mode = #tpu.pipeline_mode<synchronous>, transform_indices = @transform_6, window_bounds = array<i64: 1, 128>}, {pipeline_mode = #tpu.pipeline_mode<synchronous>, transform_indices = @transform_7, window_bounds = array<i64: 128, 128>}, {pipeline_mode = #tpu.pipeline_mode<synchronous>, transform_indices = @transform_8, window_bounds = array<i64: 1, 128>}, {pipeline_mode = #tpu.pipeline_mode<synchronous>, transform_indices = @transform_9, window_bounds = array<i64: 64, 128>}]} {
    %get3A = arith.constant 0 : index
    %get3A_0 = arith.constant 0 : index
    %get3A_1 = vector.load %arg1[%get3A, %get3A_0] : memref<1000x128xf32, #tpu.memory_space<vmem>>, vector<1000x128xf32>
    %get3A_2 = arith.constant 0 : index
    %get3A_3 = arith.constant 0 : index
    %get3A_4 = arith.constant 0 : index
    %get3A_5 = vector.load %arg2[%get3A_2, %get3A_3, %get3A_4] : memref<2x1000x128xf32, #tpu.memory_space<vmem>>, vector<1x1000x128xf32>
    %get3A_6 = vector.shape_cast %get3A_5 : vector<1x1000x128xf32> to vector<1000x128xf32>
    %add3A = arith.addf %get3A_1, %get3A_6 : vector<1000x128xf32>
    %get3A_7 = arith.constant 1 : index
    %get3A_8 = arith.constant 0 : index
    %get3A_9 = arith.constant 0 : index
    %get3A_10 = vector.load %arg2[%get3A_7, %get3A_8, %get3A_9] : memref<2x1000x128xf32, #tpu.memory_space<vmem>>, vector<1x1000x128xf32>
    %get3A_11 = vector.shape_cast %get3A_10 : vector<1x1000x128xf32> to vector<1000x128xf32>
    %add3A_12 = arith.addf %add3A, %get3A_11 : vector<1000x128xf32>
    %get3A_13 = arith.constant 0 : index
    %get3A_14 = arith.constant 0 : index
    %get3A_15 = vector.load %arg4[%get3A_13, %get3A_14] : memref<128x128xf32, #tpu.memory_space<vmem>>, vector<128x128xf32>
    %dot_general3A = arith.constant dense<0.000000e+00> : vector<1000x128xf32>
    %dot_general3A_16 = tpu.matmul %add3A_12, %get3A_15, %dot_general3A {dimension_numbers = #tpu.dot_dimension_numbers<[1], [1], [0], [0], [0, 0, 1, 0], [], []>, transpose_lhs_hint = false} : vector<1000x128xf32>, vector<128x128xf32>, vector<1000x128xf32> -> vector<1000x128xf32>
    %get3A_17 = arith.constant 0 : index
    %get3A_18 = arith.constant 0 : index
    %get3A_19 = vector.load %arg5[%get3A_17, %get3A_18] : memref<1x128xf32, #tpu.memory_space<vmem>>, vector<1x128xf32>
    %add3A_20 = vector.broadcast %get3A_19 : vector<1x128xf32> to vector<1000x128xf32>
    %add3A_21 = arith.addf %dot_general3A_16, %add3A_20 : vector<1000x128xf32>
    %max3A = arith.constant 0.000000e+00 : f32
    %max3A_22 = vector.broadcast %max3A : f32 to vector<1000x128xf32>
    %max3A_23 = arith.maximumf %add3A_21, %max3A_22 : vector<1000x128xf32>
    %get3A_24 = arith.constant 0 : index
    %get3A_25 = arith.constant 0 : index
    %get3A_26 = vector.load %arg6[%get3A_24, %get3A_25] : memref<128x128xf32, #tpu.memory_space<vmem>>, vector<128x128xf32>
    %dot_general3A_27 = arith.constant dense<0.000000e+00> : vector<1000x128xf32>
    %dot_general3A_28 = tpu.matmul %max3A_23, %get3A_26, %dot_general3A_27 {dimension_numbers = #tpu.dot_dimension_numbers<[1], [1], [0], [0], [0, 0, 1, 0], [], []>, transpose_lhs_hint = false} : vector<1000x128xf32>, vector<128x128xf32>, vector<1000x128xf32> -> vector<1000x128xf32>
    %get3A_29 = arith.constant 0 : index
    %get3A_30 = arith.constant 0 : index
    %get3A_31 = vector.load %arg7[%get3A_29, %get3A_30] : memref<1x128xf32, #tpu.memory_space<vmem>>, vector<1x128xf32>
    %add3A_32 = vector.broadcast %get3A_31 : vector<1x128xf32> to vector<1000x128xf32>
    %add3A_33 = arith.addf %dot_general3A_28, %add3A_32 : vector<1000x128xf32>
    %max3A_34 = arith.constant 0.000000e+00 : f32
    %max3A_35 = vector.broadcast %max3A_34 : f32 to vector<1000x128xf32>
    %max3A_36 = arith.maximumf %add3A_33, %max3A_35 : vector<1000x128xf32>
    %get3A_37 = arith.constant 0 : index
    %get3A_38 = arith.constant 0 : index
    %get3A_39 = arith.constant 0 : index
    %get3A_40 = vector.load %arg3[%get3A_37, %get3A_38, %get3A_39] : memref<1x1x1000xi32, #tpu.memory_space<vmem>>, vector<1x1x1000xi32>
    %get3A_41 = vector.shape_cast %get3A_40 : vector<1x1x1000xi32> to vector<1000xi32>
    %broadcast_in_dim3A = vector.shape_cast %get3A_41 : vector<1000xi32> to vector<1000x1xi32>
    %iota3A = tpu.iota {dimensions = array<i32: 1>} : vector<1x64xi32>
    %eq3A = vector.broadcast %broadcast_in_dim3A : vector<1000x1xi32> to vector<1000x64xi32>
    %eq3A_42 = vector.broadcast %iota3A : vector<1x64xi32> to vector<1000x64xi32>
    %eq3A_43 = arith.cmpi eq, %eq3A, %eq3A_42 : vector<1000x64xi32>
    %convert_element_type3A = arith.extui %eq3A_43 : vector<1000x64xi1> to vector<1000x64xi32>
    %convert_element_type3A_44 = arith.sitofp %convert_element_type3A : vector<1000x64xi32> to vector<1000x64xf32>
    %dot_general3A_45 = arith.constant dense<0.000000e+00> : vector<64x128xf32>
    %dot_general3A_46 = tpu.matmul %convert_element_type3A_44, %max3A_36, %dot_general3A_45 {dimension_numbers = #tpu.dot_dimension_numbers<[0], [0], [1], [1], [0, 1, 1, 1], [], []>, transpose_lhs_hint = false} : vector<1000x64xf32>, vector<1000x128xf32>, vector<64x128xf32> -> vector<64x128xf32>
    %eq3A_47 = arith.constant 0 : i32
    %eq3A_48 = arith.cmpi eq, %arg0, %eq3A_47 : i32
    %convert_element_type3A_49 = arith.extui %eq3A_48 : i1 to i32
    %cond3A = arith.constant 0 : i32
    %cond3A_50 = arith.cmpi ne, %convert_element_type3A_49, %cond3A : i32
    scf.if %cond3A_50 {
      %swap3A = arith.constant 0 : index
      %swap3A_60 = arith.constant 0 : index
      %swap3A_61 = vector.load %arg11[%swap3A, %swap3A_60] : memref<64x128xf32, #tpu.memory_space<vmem>>, vector<64x128xf32>
      tpu.vector_store %arg11[%swap3A, %swap3A_60], %dot_general3A_46 {strides = array<i32>} : memref<64x128xf32, #tpu.memory_space<vmem>>, vector<64x128xf32>,
    } else {
    }
    %gt3A = arith.constant 0 : i32
    %gt3A_51 = arith.cmpi sgt, %arg0, %gt3A : i32
    %convert_element_type3A_52 = arith.extui %gt3A_51 : i1 to i32
    %cond3A_53 = arith.constant 0 : i32
    %cond3A_54 = arith.cmpi ne, %convert_element_type3A_52, %cond3A_53 : i32
    scf.if %cond3A_54 {
      %get3A_60 = arith.constant 0 : index
      %get3A_61 = arith.constant 0 : index
      %get3A_62 = vector.load %arg11[%get3A_60, %get3A_61] : memref<64x128xf32, #tpu.memory_space<vmem>>, vector<64x128xf32>
      %add3A_63 = arith.addf %get3A_62, %dot_general3A_46 : vector<64x128xf32>
      %swap3A = arith.constant 0 : index
      %swap3A_64 = arith.constant 0 : index
      %swap3A_65 = vector.load %arg11[%swap3A, %swap3A_64] : memref<64x128xf32, #tpu.memory_space<vmem>>, vector<64x128xf32>
      tpu.vector_store %arg11[%swap3A, %swap3A_64], %add3A_63 {strides = array<i32>} : memref<64x128xf32, #tpu.memory_space<vmem>>, vector<64x128xf32>,
    } else {
    }
    %eq3A_55 = arith.constant 9 : i32
    %eq3A_56 = arith.cmpi eq, %arg0, %eq3A_55 : i32
    %convert_element_type3A_57 = arith.extui %eq3A_56 : i1 to i32
    %cond3A_58 = arith.constant 0 : i32
    %cond3A_59 = arith.cmpi ne, %convert_element_type3A_57, %cond3A_58 : i32
    scf.if %cond3A_59 {
      %get3A_60 = arith.constant 0 : index
      %get3A_61 = arith.constant 0 : index
      %get3A_62 = vector.load %arg11[%get3A_60, %get3A_61] : memref<64x128xf32, #tpu.memory_space<vmem>>, vector<64x128xf32>
      %get3A_63 = arith.constant 0 : index
      %get3A_64 = arith.constant 0 : index
      %get3A_65 = vector.load %arg8[%get3A_63, %get3A_64] : memref<128x128xf32, #tpu.memory_space<vmem>>, vector<128x128xf32>
      %dot_general3A_66 = arith.constant dense<0.000000e+00> : vector<64x128xf32>
      %dot_general3A_67 = tpu.matmul %get3A_62, %get3A_65, %dot_general3A_66 {dimension_numbers = #tpu.dot_dimension_numbers<[1], [1], [0], [0], [0, 0, 1, 0], [], []>, transpose_lhs_hint = false} : vector<64x128xf32>, vector<128x128xf32>, vector<64x128xf32> -> vector<64x128xf32>
      %get3A_68 = arith.constant 0 : index
      %get3A_69 = arith.constant 0 : index
      %get3A_70 = vector.load %arg9[%get3A_68, %get3A_69] : memref<1x128xf32, #tpu.memory_space<vmem>>, vector<1x128xf32>
      %add3A_71 = vector.broadcast %get3A_70 : vector<1x128xf32> to vector<64x128xf32>
      %add3A_72 = arith.addf %dot_general3A_67, %add3A_71 : vector<64x128xf32>
      %max3A_73 = arith.constant 0.000000e+00 : f32
      %max3A_74 = vector.broadcast %max3A_73 : f32 to vector<64x128xf32>
      %max3A_75 = arith.maximumf %add3A_72, %max3A_74 : vector<64x128xf32>
      %swap3A = arith.constant 0 : index
      %swap3A_76 = arith.constant 0 : index
      %swap3A_77 = vector.load %arg10[%swap3A, %swap3A_76] : memref<64x128xf32, #tpu.memory_space<vmem>>, vector<64x128xf32>
      tpu.vector_store %arg10[%swap3A, %swap3A_76], %max3A_75 {strides = array<i32>} : memref<64x128xf32, #tpu.memory_space<vmem>>, vector<64x128xf32>,
    } else {
    }
    return
  }
  func.func @transform_0(%arg0: i32) -> (i32, i32) {
    %c0_i32 = arith.constant 0 : i32
    %c0_i32_0 = arith.constant 0 : i32
    return %arg0, %c0_i32 : i32, i32
  }
  func.func @transform_1(%arg0: i32) -> (i32, i32, i32) {
    %c0_i32 = arith.constant 0 : i32
    %c0_i32_0 = arith.constant 0 : i32
    %c0_i32_1 = arith.constant 0 : i32
    return %c0_i32, %arg0, %c0_i32_0 : i32, i32, i32
  }
  func.func @transform_2(%arg0: i32) -> (i32, i32, i32) {
    %c0_i32 = arith.constant 0 : i32
    %c0_i32_0 = arith.constant 0 : i32
    %c0_i32_1 = arith.constant 0 : i32
    return %arg0, %c0_i32, %c0_i32_0 : i32, i32, i32
  }
  func.func @transform_3(%arg0: i32) -> (i32, i32) {
    %c0_i32 = arith.constant 0 : i32
    %c0_i32_0 = arith.constant 0 : i32
    %c0_i32_1 = arith.constant 0 : i32
    return %c0_i32, %c0_i32_0 : i32, i32
  }
  func.func @transform_4(%arg0: i32) -> (i32, i32) {
    %c0_i32 = arith.constant 0 : i32
    %c0_i32_0 = arith.constant 0 : i32
    %c0_i32_1 = arith.constant 0 : i32
    return %c0_i32, %c0_i32_0 : i32, i32
  }
  func.func @transform_5(%arg0: i32) -> (i32, i32) {
    %c0_i32 = arith.constant 0 : i32
    %c0_i32_0 = arith.constant 0 : i32
    %c0_i32_1 = arith.constant 0 : i32
    return %c0_i32, %c0_i32_0 : i32, i32
  }
  func.func @transform_6(%arg0: i32) -> (i32, i32) {
    %c0_i32 = arith.constant 0 : i32
    %c0_i32_0 = arith.constant 0 : i32
    %c0_i32_1 = arith.constant 0 : i32
    return %c0_i32, %c0_i32_0 : i32, i32
  }
  func.func @transform_7(%arg0: i32) -> (i32, i32) {
    %c0_i32 = arith.constant 0 : i32
    %c0_i32_0 = arith.constant 0 : i32
    %c0_i32_1 = arith.constant 0 : i32
    return %c0_i32, %c0_i32_0 : i32, i32
  }
  func.func @transform_8(%arg0: i32) -> (i32, i32) {
    %c0_i32 = arith.constant 0 : i32
    %c0_i32_0 = arith.constant 0 : i32
    %c0_i32_1 = arith.constant 0 : i32
    return %c0_i32, %c0_i32_0 : i32, i32
  }
  func.func @transform_9(%arg0: i32) -> (i32, i32) {
    %c0_i32 = arith.constant 0 : i32
    %c0_i32_0 = arith.constant 0 : i32
    %c0_i32_1 = arith.constant 0 : i32
    return %c0_i32, %c0_i32_0 : i32, i32
  }
}

module attributes {stable_mosaic.version = 14 : i64} {
  func.func @_mlp_body(%arg0: i32, %arg1: memref<1000x128xf32, #tpu.memory_space<vmem>>, %arg2: memref<2x1000x128xf32, #tpu.memory_space<vmem>>, %arg3: memref<128x128xf32, #tpu.memory_space<vmem>>, %arg4: memref<1x128xf32, #tpu.memory_space<vmem>>, %arg5: memref<128x128xf32, #tpu.memory_space<vmem>>, %arg6: memref<1x128xf32, #tpu.memory_space<vmem>>, %arg7: memref<1000x128xf32, #tpu.memory_space<vmem>>) attributes {dimension_semantics = [#tpu.dimension_semantics<arbitrary>], iteration_bounds = array<i64: 10>, scalar_prefetch = 0 : i64, scratch_operands = 0 : i64, tpu.core_type = #tpu.core_type<tc>, window_params = [{transform_indices = @transform_0, window_bounds = array<i64: 1000, 128>}, {transform_indices = @transform_1, window_bounds = array<i64: 2, 1000, 128>}, {pipeline_mode = #tpu.pipeline_mode<synchronous>, transform_indices = @transform_2, window_bounds = array<i64: 128, 128>}, {pipeline_mode = #tpu.pipeline_mode<synchronous>, transform_indices = @transform_3, window_bounds = array<i64: 1, 128>}, {pipeline_mode = #tpu.pipeline_mode<synchronous>, transform_indices = @transform_4, window_bounds = array<i64: 128, 128>}, {pipeline_mode = #tpu.pipeline_mode<synchronous>, transform_indices = @transform_5, window_bounds = array<i64: 1, 128>}, {transform_indices = @transform_6, window_bounds = array<i64: 1000, 128>}]} {
    %get3A = arith.constant 0 : index
    %get3A_0 = arith.constant 0 : index
    %get3A_1 = vector.load %arg1[%get3A, %get3A_0] : memref<1000x128xf32, #tpu.memory_space<vmem>>, vector<1000x128xf32>
    %get3A_2 = arith.constant 0 : index
    %get3A_3 = arith.constant 0 : index
    %get3A_4 = arith.constant 0 : index
    %get3A_5 = vector.load %arg2[%get3A_2, %get3A_3, %get3A_4] : memref<2x1000x128xf32, #tpu.memory_space<vmem>>, vector<1x1000x128xf32>
    %get3A_6 = vector.shape_cast %get3A_5 : vector<1x1000x128xf32> to vector<1000x128xf32>
    %add3A = arith.addf %get3A_1, %get3A_6 : vector<1000x128xf32>
    %get3A_7 = arith.constant 1 : index
    %get3A_8 = arith.constant 0 : index
    %get3A_9 = arith.constant 0 : index
    %get3A_10 = vector.load %arg2[%get3A_7, %get3A_8, %get3A_9] : memref<2x1000x128xf32, #tpu.memory_space<vmem>>, vector<1x1000x128xf32>
    %get3A_11 = vector.shape_cast %get3A_10 : vector<1x1000x128xf32> to vector<1000x128xf32>
    %add3A_12 = arith.addf %add3A, %get3A_11 : vector<1000x128xf32>
    %get3A_13 = arith.constant 0 : index
    %get3A_14 = arith.constant 0 : index
    %get3A_15 = vector.load %arg3[%get3A_13, %get3A_14] : memref<128x128xf32, #tpu.memory_space<vmem>>, vector<128x128xf32>
    %dot_general3A = arith.constant dense<0.000000e+00> : vector<1000x128xf32>
    %dot_general3A_16 = tpu.matmul %add3A_12, %get3A_15, %dot_general3A {dimension_numbers = #tpu.dot_dimension_numbers<[1], [1], [0], [0], [0, 0, 1, 0], [], []>, transpose_lhs_hint = false} : vector<1000x128xf32>, vector<128x128xf32>, vector<1000x128xf32> -> vector<1000x128xf32>
    %get3A_17 = arith.constant 0 : index
    %get3A_18 = arith.constant 0 : index
    %get3A_19 = vector.load %arg4[%get3A_17, %get3A_18] : memref<1x128xf32, #tpu.memory_space<vmem>>, vector<1x128xf32>
    %add3A_20 = vector.broadcast %get3A_19 : vector<1x128xf32> to vector<1000x128xf32>
    %add3A_21 = arith.addf %dot_general3A_16, %add3A_20 : vector<1000x128xf32>
    %max3A = arith.constant 0.000000e+00 : f32
    %max3A_22 = vector.broadcast %max3A : f32 to vector<1000x128xf32>
    %max3A_23 = arith.maximumf %add3A_21, %max3A_22 : vector<1000x128xf32>
    %get3A_24 = arith.constant 0 : index
    %get3A_25 = arith.constant 0 : index
    %get3A_26 = vector.load %arg5[%get3A_24, %get3A_25] : memref<128x128xf32, #tpu.memory_space<vmem>>, vector<128x128xf32>
    %dot_general3A_27 = arith.constant dense<0.000000e+00> : vector<1000x128xf32>
    %dot_general3A_28 = tpu.matmul %max3A_23, %get3A_26, %dot_general3A_27 {dimension_numbers = #tpu.dot_dimension_numbers<[1], [1], [0], [0], [0, 0, 1, 0], [], []>, transpose_lhs_hint = false} : vector<1000x128xf32>, vector<128x128xf32>, vector<1000x128xf32> -> vector<1000x128xf32>
    %get3A_29 = arith.constant 0 : index
    %get3A_30 = arith.constant 0 : index
    %get3A_31 = vector.load %arg6[%get3A_29, %get3A_30] : memref<1x128xf32, #tpu.memory_space<vmem>>, vector<1x128xf32>
    %add3A_32 = vector.broadcast %get3A_31 : vector<1x128xf32> to vector<1000x128xf32>
    %add3A_33 = arith.addf %dot_general3A_28, %add3A_32 : vector<1000x128xf32>
    %max3A_34 = arith.constant 0.000000e+00 : f32
    %max3A_35 = vector.broadcast %max3A_34 : f32 to vector<1000x128xf32>
    %max3A_36 = arith.maximumf %add3A_33, %max3A_35 : vector<1000x128xf32>
    %swap3A = arith.constant 0 : index
    %swap3A_37 = arith.constant 0 : index
    %swap3A_38 = vector.load %arg7[%swap3A, %swap3A_37] : memref<1000x128xf32, #tpu.memory_space<vmem>>, vector<1000x128xf32>
    tpu.vector_store %arg7[%swap3A, %swap3A_37], %max3A_36 {strides = array<i32>} : memref<1000x128xf32, #tpu.memory_space<vmem>>, vector<1000x128xf32>,
    return
  }
  func.func @transform_0(%arg0: i32) -> (i32, i32) {
    %c0_i32 = arith.constant 0 : i32
    %c0_i32_0 = arith.constant 0 : i32
    return %arg0, %c0_i32 : i32, i32
  }
  func.func @transform_1(%arg0: i32) -> (i32, i32, i32) {
    %c0_i32 = arith.constant 0 : i32
    %c0_i32_0 = arith.constant 0 : i32
    %c0_i32_1 = arith.constant 0 : i32
    return %c0_i32, %arg0, %c0_i32_0 : i32, i32, i32
  }
  func.func @transform_2(%arg0: i32) -> (i32, i32) {
    %c0_i32 = arith.constant 0 : i32
    %c0_i32_0 = arith.constant 0 : i32
    %c0_i32_1 = arith.constant 0 : i32
    return %c0_i32, %c0_i32_0 : i32, i32
  }
  func.func @transform_3(%arg0: i32) -> (i32, i32) {
    %c0_i32 = arith.constant 0 : i32
    %c0_i32_0 = arith.constant 0 : i32
    %c0_i32_1 = arith.constant 0 : i32
    return %c0_i32, %c0_i32_0 : i32, i32
  }
  func.func @transform_4(%arg0: i32) -> (i32, i32) {
    %c0_i32 = arith.constant 0 : i32
    %c0_i32_0 = arith.constant 0 : i32
    %c0_i32_1 = arith.constant 0 : i32
    return %c0_i32, %c0_i32_0 : i32, i32
  }
  func.func @transform_5(%arg0: i32) -> (i32, i32) {
    %c0_i32 = arith.constant 0 : i32
    %c0_i32_0 = arith.constant 0 : i32
    %c0_i32_1 = arith.constant 0 : i32
    return %c0_i32, %c0_i32_0 : i32, i32
  }
  func.func @transform_6(%arg0: i32) -> (i32, i32) {
    %c0_i32 = arith.constant 0 : i32
    %c0_i32_0 = arith.constant 0 : i32
    return %arg0, %c0_i32 : i32, i32
  }
}

</mosaic_0001>

<sc_bundles>
// kernel: kernel.6.cloned.1.call-start
scs
__scs_entry_jumppad:
0x0: {  	(pc) =	sbr.rel $0x88, $3  }
0x1: {  	(tag) =	ssettag $0x0;
	lr =	simm.s32 $0x1  }
0x2: {  	[smem:$0x3F94] =	sst lr;
	_ =	strace $0xD0000000  }
0x3: {  	_ = 	snop  }
0x4: {  	_ = 	snop  }
0x5: {  	_ = 	snop  }
0x6: {  	_ = 	snop  }
0x7: {  	_ = 	snop  }
__scs_overlays_trampoline_lowered:
0x8: {  	[smem:$0x3FA3] =	sst s0  }
0x9: {  	[smem:$0x3FA4] =	sst s1  }
0xa: {  	[smem:$0x3FA5] =	sst s2  }
0xb: {  	[smem:$0x3FA6] =	sst s3  }
0xc: {  	[smem:$0x3FA7] =	sst s4  }
0xd: {  	[smem:$0x3FA8] =	sst s5  }
0xe: {  	[smem:$0x3FA9] =	sst s6  }
0xf: {  	[smem:$0x3FAA] =	sst s7  }
0x10: {  	[smem:$0x3FAB] =	sst s8  }
0x11: {  	[smem:$0x3FAC] =	sst s9;
	s0 =	simm.s32 @!p0 $0x0  }
0x12: {  	s1 =	sld [smem:$0x3F92];
	s0 =	simm.s32 @p0 $0x1  }
0x13: {  	[smem:$0x3FAD] =	sst s0;
	s0 =	simm.s32 @!p1 $0x0  }
0x14: {  	s2 =	sld [smem:$0x3F91];
	s0 =	simm.s32 @p1 $0x1  }
0x15: {  	[smem:$0x3FAE] =	sst s0;
	s0 =	simm.s32 @!p2 $0x0  }
0x16: {  	s3 =	sld [smem:$0x3FDB];
	s0 =	simm.s32 @p2 $0x1  }
0x17: {  	s4 =	simm.s32 $0x1BF5;
	[smem:$0x3FB0] =	sst s0  }
0x18: {  	s0 =	sld [smem:$0x3F93];
	_ =	swait.ge [sflag:s4], $0x0  }
0x19: {  	s7 =	sld [smem:$0x3F94]  }
0x1a: {  	s8 =	sadd.s32 $0xFFFFE003, lr  }
0x1b: {  	s9 =	sadd.s32 $0xFFFFFEF7, lr;
	s5 =	simm.s32 $0xFFFFFFFF;
	p2 =	slt.u32 s8, $0xFFFFF086  }
0x1c: {  	p1 =	slt.u32 s9, $0xF7A;
	s5 =	simm.s32 @!p2 $0x0  }
0x1d: {  	s5 =	simm.s32 @p1 $0x1;
	p0 =	seq.s32 s7, s2  }
0x1e: {  	s7 =	smul.u32 @!p0 $0xF7A, s2;
	p2 =	seq.s32 @!p0 s5, $0x0  }
0x1f: {  	s9 =	smul.u32 $0xF7A, s1;
	s8 =	simm.s32 @!p0 $0x1BF5;
	p2 =	por !p2, p0  }
0x20: {  	[sflag:s8] =	ssyncset.s32 @!p0 $0xFFFFF086;
	s6 =	sadd.s32 @!p0 s3, s7;
	s7 =	simm.s32 @!p0 $0x108  }
0x21: {  	s3 =	sadd.s32 s3, s9;
	s6 =	sadd.s32 @!p0 $0x88, s6;
	s7 =	simm.s32 @p2 $0x1082  }
0x22: {  	[simem:s7], [sflag:s8] =	dma.local @!p0 [hbm:s6], $0xF7A  }
0x23: {  	s9 =	sor.u32 $0xD0000000, s2;
	s6 =	simm.s32 $0x108;
	_ =	swait.ge @!p0 [sflag:s8], $0x0  }
0x24: {  	s3 =	sadd.s32 $0x88, s3;
	s6 =	simm.s32 @!p1 $0x1082;
	[sflag:s4] =	ssyncset.s32 $0xFFFFF086  }
0x25: {  	[simem:s6], [sflag:s4] =	dma.local [hbm:s3], $0xF7A  }
0x26: {  	[smem:$0x3F94] =	sst s1;
	(tag) =	ssettag s2;
	_ =	strace s9  }
0x27: {  	s1 =	sld [smem:$0x3FA4]  }
0x28: {  	s2 =	sld [smem:$0x3FA5]  }
0x29: {  	s4 =	sld [smem:$0x3FA7]  }
0x2a: {  	p0 =	seq.s32 s5, $0x0;
	s5 =	sld [smem:$0x3FA8]  }
0x2b: {  	s6 =	sld [smem:$0x3FA9]  }
0x2c: {  	s7 =	sld [smem:$0x3FAA]  }
0x2d: {  	s3 =	simm.s32 $0x108;
	s8 =	sld [smem:$0x3FAB]  }
0x2e: {  	s3 =	simm.s32 @!p0 $0x1082;
	s9 =	sld [smem:$0x3FAC]  }
0x2f: {  	lr =	sadd.s32 s0, s3;
	s0 =	sld [smem:$0x3FA3]  }
0x30: {  	s3 =	sld [smem:$0x3FA6]  }
0x31: {  	[smem:$0x3FAF] =	sst s10  }
0x32: {  	s10 =	sld [smem:$0x3FAD];
	_ =	sdelay $0x3  }
0x33: {  	p0 =	seq.s32 s10, $0x1;
	s10 =	sld [smem:$0x3FAF];
	_ =	sdelay $0x3  }
0x34: {  	[smem:$0x3FAF] =	sst s10  }
0x35: {  	s10 =	sld [smem:$0x3FAE];
	_ =	sdelay $0x3  }
0x36: {  	p1 =	seq.s32 s10, $0x1;
	s10 =	sld [smem:$0x3FAF];
	_ =	sdelay $0x3  }
0x37: {  	[smem:$0x3FAF] =	sst s10  }
0x38: {  	s10 =	sld [smem:$0x3FB0]  }
0x39: {  	_ = 	snop;
	(pc) =	sbr.ind lr, $3  }
0x3a: {  	_ = 	snop  }
0x3b: {  	_ = 	snop  }
0x3c: {  	p2 =	seq.s32 s10, $0x1;
	s10 =	sld [smem:$0x3FAF]  }
0x3d: {  	_ =	shalt  }
0x3e: {  	_ =	shalt  }
0x3f: {  	_ =	shalt  }
0x40: {  	_ =	shalt  }
0x41: {  	_ =	shalt  }
0x42: {  	_ =	shalt  }
0x43: {  	_ =	shalt  }
0x44: {  	_ =	shalt  }
0x45: {  	_ =	shalt  }
0x46: {  	_ =	shalt  }
0x47: {  	_ =	shalt  }
0x48: {  	_ =	shalt  }
0x49: {  	_ =	shalt  }
0x4a: {  	_ =	shalt  }
0x4b: {  	_ =	shalt  }
0x4c: {  	_ =	shalt  }
0x4d: {  	_ =	shalt  }
0x4e: {  	_ =	shalt  }
0x4f: {  	_ =	shalt  }
0x50: {  	_ =	shalt  }
0x51: {  	_ =	shalt  }
0x52: {  	_ =	shalt  }
0x53: {  	_ =	shalt  }
0x54: {  	_ =	shalt  }
0x55: {  	_ =	shalt  }
0x56: {  	_ =	shalt  }
0x57: {  	_ =	shalt  }
0x58: {  	_ =	shalt  }
0x59: {  	_ =	shalt  }
0x5a: {  	_ =	shalt  }
0x5b: {  	_ =	shalt  }
0x5c: {  	_ =	shalt  }
0x5d: {  	_ =	shalt  }
0x5e: {  	_ =	shalt  }
0x5f: {  	_ =	shalt  }
0x60: {  	_ =	shalt  }
0x61: {  	_ =	shalt  }
0x62: {  	_ =	shalt  }
0x63: {  	_ =	shalt  }
0x64: {  	_ =	shalt  }
0x65: {  	_ =	shalt  }
0x66: {  	_ =	shalt  }
0x67: {  	_ =	shalt  }
0x68: {  	_ =	shalt  }
0x69: {  	_ =	shalt  }
0x6a: {  	_ =	shalt  }
0x6b: {  	_ =	shalt  }
0x6c: {  	_ =	shalt  }
0x6d: {  	_ =	shalt  }
0x6e: {  	_ =	shalt  }
0x6f: {  	_ =	shalt  }
0x70: {  	_ =	shalt  }
0x71: {  	_ =	shalt  }
0x72: {  	_ =	shalt  }
0x73: {  	_ =	shalt  }
0x74: {  	_ =	shalt  }
0x75: {  	_ =	shalt  }
0x76: {  	_ =	shalt  }
0x77: {  	_ =	shalt  }
0x78: {  	_ =	shalt  }
0x79: {  	_ =	shalt  }
0x7a: {  	_ =	shalt  }
0x7b: {  	_ =	shalt  }
0x7c: {  	_ =	shalt  }
0x7d: {  	_ =	shalt  }
0x7e: {  	_ =	shalt  }
0x7f: {  	_ =	shalt  }
0x80: {  	_ =	shalt  }
0x81: {  	_ =	shalt  }
0x82: {  	_ =	shalt  }
0x83: {  	_ =	shalt  }
0x84: {  	_ =	shalt  }
0x85: {  	_ =	shalt  }
0x86: {  	_ =	shalt  }
0x87: {  	_ =	shalt  }
.Lfunc_end0:
.L_simem_size_0:
called_computation_lowered:
.L_overlay_start_0:
0x88: {  	s2 =	sld [smem:$0x3FD9]  }
0x89: {  	s3 =	sld [smem:$0x3FFE];
	_ =	sdelay $0x1  }
0x8a: {  	s1 =	srdreg.scid  }
0x8b: {  	s0 =	sand.u32 $0x1, s1  }
0x8c: {  	s17 =	sshll.u32 s0, $0xA;
	s2 =	sadd.s32 s3, s2  }
0x8d: {  	s2 =	sadd.s32 s2, s17  }
0x8e: {  	[smem:$0x3FBB] =	sst s2  }
0x8f: {  	_ = 	snop  }
0x90: {  	s2 =	sld [smem:$0x3FC9];
	(tm) =	ssettm $0x1  }
0x91: {  	s18 =	sld [smem:$0x3FFB];
	_ =	sdelay $0x3  }
0x92: {  	_ =	strace s18  }
0x93: {  	s3 =	sld [smem:$0x3FFC];
	_ =	sdelay $0x3  }
0x94: {  	_ =	strace s3  }
0x95: {  	s3 =	sld [smem:$0x3FFD];
	_ =	sdelay $0x3  }
0x96: {  	_ =	strace s3  }
0x97: {  	_ =	strace $0x8FFFFFFF  }
0x98: {  	s19 =	sld [smem:$0x3FDB];
	_ =	sdelay $0x1  }
0x99: {  	s4 =	simm.s32 $_scs_section_size  }
0x9a: {  	s5 =	simm.s32 $_size__tile_overlayer_lowered;
	s6 =	simm.s32 $_tile_overlayer_lowered  }
0x9b: {  	s22 =	simm.s32 $0x1BFF;
	s21 =	sshll.u32 s6, $0x1;
	s3 =	sadd.s32 s4, s19  }
0x9c: {  	s7 =	simm.s32 $0x0;
	s20 =	sshll.u32 s5, $0x1;
	s5 =	sadd.s32 s21, s3  }
0x9d: {  	[timem:s7], [sflag:s22] =	dma.local [hbm:s5], s20  }
0x9e: {  	_ =	swait.ge [sflag:s22], s20  }
0x9f: {  	s4 =	ssub.s32 $0x0, s20;
	[sflag:s22] =	ssyncset.done $0x0  }
0xa0: {  	[sflag:s22] =	ssyncadd.s32 s4;
	_ =	sdelay $0x1  }
0xa1: {  	s23 =	simm.s32 $0x1B8B  }
0xa2: {  	_ =	swait.ge [sflag:s23], $0x1  }
0xa3: {  	[sflag:s23] =	ssyncset.done $0x0  }
0xa4: {  	s25 =	simm.s32 $0x1B8E;
	s24 =	sld [smem:$0x3FFE];
	[sflag:s23] =	ssyncadd.s32 $0xFFFFFFFF  }
0xa5: {  	s26 =	simm.s32 $execute0_lowered;
	[smem:$0x3FD2] =	sst s25  }
0xa6: {  	s5 =	sshll.u32 s26, $0x1;
	_ =	strace $0x80000046;
	[dreg:$0x1] =	wrdreg $0xFFFFFFFF  }
0xa7: {  	s28 =	simm.s32 $_size_execute0_lowered;
	s3 =	sadd.s32 s3, s5;
	[dreg:$0x0] =	wrdreg $0x0  }
0xa8: {  	s5 =	sshll.u32 s28, $0x1;
	[dreg:$0x2] =	wrdreg s3  }
0xa9: {  	[dreg:$0x3] =	wrdreg s5  }
0xaa: {  	[dreg:$0x4] =	wrdreg $0xC0  }
0xab: {  	_ =	task [dreg:s7], $0x5FFFF  }
0xac: {  	[dreg:$0x1] =	wrdreg $0xFFFFFFFF  }
0xad: {  	[dreg:$0x0] =	wrdreg $0x60  }
0xae: {  	[dreg:$0x2] =	wrdreg s2  }
0xaf: {  	[dreg:$0x3] =	wrdreg s24  }
0xb0: {  	[dreg:$0x4] =	wrdreg $0x90000  }
0xb1: {  	[dreg:$0x5] =	wrdreg $0x9  }
0xb2: {  	_ =	task.clear_ibuf [dreg:s7], $0x6FFFF;
	_ =	strace $0x90000046  }
0xb3: {  	s29 =	simm.s32 $0x9;
	_ =	strace $0x80000048  }
0xb4: {  	_ =	swait.ge [sflag:s29], $0x1  }
0xb5: {  	[sflag:s29] =	ssyncadd.s32 $0xFFFFFFFF  }
0xb6: {  	_ =	strace $0x90000048  }
0xb7: {  	_ =	sfence  }
0xb8: {  	s30 =	sld [smem:$0x0];
	_ =	sdelay $0x2  }
0xb9: {  	s31 =	sshll.u32 s1, $0xD;
	s1 =	sshrl.u32 s1, $0x2  }
0xba: {  	s3 =	sand.u32 $0x4000, s31;
	s1 =	sadd.s32 s1, s30  }
0xbb: {  	s0 =	sor.u32 s3, s0;
	s1 =	sshll.u32 s1, $0x11  }
0xbc: {  	s0 =	sor.u32 s1, s0  }
0xbd: {  	s0 =	sadd.s32 $0x8F2B, s0  }
0xbe: {  	[sflag:s0] =	ssyncadd.remote.s32 $0x1  }
0xbf: {  	_ =	sfence.sel $0xFFFF  }
0xc0: {  	[dreg:$0x0] =	wrdreg $0xFFFFFFFF;
	(pc) =	sbr.abs _section_cstart, $3  }
0xc1: {  	[dreg:$0x1] =	wrdreg $0xFFFFFFFF  }
0xc2: {  	_ =	task.clear_ibuf [dreg:s7], $0x2FFFF;
	_ =	strace $0x9FFFFFFF  }
0xc3: {  	(tm) =	ssettm $0x7FFFFFFF  }
tec
execute0_lowered:
.L_overlay_start_1:
0x0: {  	(tag) =	ssettag $0x1  }
0x1: {  	s1 =	rddreg [dreg:$0x0]  }
0x2: {  	s0 =	rddreg [dreg:$0x1]  }
0x3: {  	s2 =	rddreg [dreg:$0x2];
	s4 =	simm.s32 $0x0  }
0x4: {  	s3 =	srdreg.scid;
	s7 =	stileid.u32;
	s18 =	simm.s32 $0x100  }
0x5: {  	s19 =	simm.s32 $0x880;
	s20 =	simm.s32 $0x180;
	s21 =	simm.s32 $0x900  }
0x6: {  	s23 =	simm.s32 $0x200;
	s25 =	simm.s32 $0x980;
	s28 =	simm.s32 $0xF00  }
0x7: {  	s29 =	simm.s32 $0xF80;
	[smem:$0x7FF] =	sst s4;
	s10 =	sadd.s32 $0x16800, s0  }
0x8: {  	s30 =	simm.s32 $0x0;
	_ =	strace $0x80000047;
	[dreg:$0x1e] =	wrdreg s10  }
0x9: {  	s3 =	sand.u32 $0x1, s3;
	s9 =	smul.u32 $0x13C00, s7;
	[dreg:$0x7] =	wrdreg s18  }
0xa: {  	s5 =	sadd.s32 $0x2800, s0;
	s11 =	smul.u32 $0x500, s7;
	[dreg:$0x8] =	wrdreg s19  }
0xb: {  	s6 =	sadd.s32 $0xC800, s0;
	s17 =	smul.u32 $0x4F000, s7;
	[dreg:$0x9] =	wrdreg s20  }
0xc: {  	s22 =	sshll.u32 s7, $0x6;
	s8 =	smul.u32 $0x13C000, s3;
	[dreg:$0xa] =	wrdreg s21  }
0xd: {  	s26 =	sshll.u32 s3, $0x4;
	s31 =	smul.u32 $0x5000, s3;
	[dreg:$0xb] =	wrdreg s23  }
0xe: {  	s3 =	ssub.s32 $0x2, s3;
	[dreg:$0xc] =	wrdreg s25;
	s18 =	simm.s32 $0x480  }
0xf: {  	s19 =	simm.s32 $0x500;
	s20 =	simm.s32 $0xC80;
	[dreg:$0x14] =	wrdreg s18  }
0x10: {  	s21 =	simm.s32 $0x580;
	s23 =	simm.s32 $0x600;
	[dreg:$0x15] =	wrdreg s19  }
0x11: {  	s25 =	simm.s32 $0x680;
	s15 =	sshrl.u32 s3, $0x1;
	[dreg:$0x16] =	wrdreg s20  }
0x12: {  	s18 =	simm.s32 $0x1000;
	s19 =	simm.s32 $0x4;
	[dreg:$0x17] =	wrdreg s21  }
0x13: {  	s20 =	simm.s32 $0x400;
	s21 =	simm.s32 $0xC00;
	[dreg:$0x19] =	wrdreg s23  }
0x14: {  	s23 =	simm.s32 $0x5000;
	[dreg:$0x1b] =	wrdreg s25;
	s25 =	simm.s32 $0xE80  }
0x15: {  	s8 =	sadd.s32 s9, s8;
	s9 =	sor.u32 s7, s26;
	s12 =	sadd.s32 s31, s6  }
0x16: {  	s10 =	sadd.s32 s31, s5;
	s3 =	ssub.s32 s3, s15;
	s26 =	simm.s32 $0x280  }
0x17: {  	s7 =	simm.s32 $0xA00;
	s15 =	simm.s32 $0x380;
	s8 =	sshrl.u32 s8, $0x3  }
0x18: {  	s13 =	smul.u32 $0xA, s9;
	s12 =	sadd.s32 s11, s12;
	[dreg:$0xd] =	wrdreg s26  }
0x19: {  	s10 =	sadd.s32 s11, s10;
	s24 =	smul.u32 $0x500, s9;
	[dreg:$0xe] =	wrdreg s7  }
0x1a: {  	s9 =	simm.s32 $0x300;
	[dreg:$0x11] =	wrdreg s15;
	s15 =	simm.s32 $0x800  }
0x1b: {  	s26 =	simm.s32 $0xE00;
	s0 =	sadd.s32 s8, s0;
	[dreg:$0xf] =	wrdreg s9  }
0x1c: {  	s14 =	sadd.s32 $0x80, s12;
	s16 =	sadd.s32 $0x80, s10;
	[dreg:$0x1c] =	wrdreg s26  }
0x1d: {  	s10 =	sshrl.u32 s17, $0x2;
	s8 =	sor.u32 $0x1C05, s22;
	[dreg:$0x4] =	wrdreg s13  }
0x1e: {  	s12 =	smax.u32 s3, $0x1;
	s17 =	simm.s32 $0xB80;
	[dreg:$0x5] =	wrdreg s14  }
0x1f: {  	s22 =	simm.s32 $0xD00;
	s26 =	simm.s32 $0x780;
	[dreg:$0x6] =	wrdreg s16  }
0x20: {  	s13 =	sadd.s32 s10, s2;
	s31 =	sadd.s32 s5, s24;
	[dreg:$0x13] =	wrdreg s17  }
0x21: {  	s10 =	sadd.s32 s6, s24;
	s11 =	sadd.s32 $0x19000, s0;
	[dreg:$0x18] =	wrdreg s22  }
0x22: {  	s14 =	simm.s32 $0xA80;
	s16 =	simm.s32 $0xB00;
	[dreg:$0x1f] =	wrdreg s31  }
0x23: {  	s17 =	simm.s32 $0x80;
	s24 =	simm.s32 $0xD80;
	[dreg:$0x10] =	wrdreg s14  }
0x24: {  	s22 =	simm.s32 $0x1;
	s13 =	sshrl.u32 s13, $0x3;
	[dreg:$0x12] =	wrdreg s16  }
0x25: {  	s14 =	simm.s32 $0x5;
	[dreg:$0x1a] =	wrdreg s24;
	s31 =	simm.s32 $0x700  }
0x26: {  	s16 =	simm.s32 $0x3;
	s24 =	simm.s32 $0x2;
	[dreg:$0x1d] =	wrdreg s31  }
.LBB2_1:
0x27: {  	s0 =	rddreg [dreg:$0x1e]  }
0x28: {  	[spmem:s13], [sflag:s8] =	dma.local [hbm:s0], $0x2780  }
0x29: {  	_ =	swait.ge [sflag:s14], $0x2780  }
0x2a: {  	[sflag:s14] =	ssyncset.done $0x0  }
0x2b: {  	s7 =	rddreg [dreg:$0x1f];
	[sflag:s14] =	ssyncadd.s32 $0xFFFFD880  }
0x2c: {  	[tilespmem:s4], [sflag:$0x3] =	stream.linear.gather [hbm4b:s7+s4], $0x400, $0x38;
	[tilespmem:$0x1CC00] =	vst v63  }
0x2d: {  	_ = 	snop  }
0x2e: {  	[tilespmem:s15], [sflag:$0x4] =	stream.linear.gather [hbm4b:s10+s4], $0x400, $0x38;
	[tilespmem:$0x1CC00] =	vst v63  }
0x2f: {  	_ =	swait.ge [sflag:s16], $0x400  }
0x30: {  	[sflag:s16] =	ssyncset.done $0x0  }
0x31: {  	[sflag:s16] =	ssyncadd.s32 $0xFFFFFC00  }
0x32: {  	[tilespmem:s18], [sflag:$0x1] =	stream.indirect.gather [hbm4b:s1+s17], $0x80, s4, s17, $0xb8;
	[tilespmem:$0x1CC00] =	vst v63  }
0x33: {  	[bflag:$0x0] =	sbarrier.arrive $0xFFFF  }
0x34: {  	_ =	swait.ge [sflag:s19], $0x400  }
0x35: {  	s9 =	rddreg [dreg:$0x6];
	[sflag:s19] =	ssyncset.done $0x0  }
0x36: {  	s3 =	rddreg [dreg:$0x5];
	[sflag:s19] =	ssyncadd.s32 $0xFFFFFC00;
	s0 =	sadd.s32 $0x0, s9  }
0x37: {  	[tilespmem:s20], [sflag:$0x3] =	stream.linear.gather [hbm4b:s0+s4], $0x400, $0x38;
	[tilespmem:$0x1CC00] =	vst v63  }
0x38: {  	s3 =	sadd.s32 $0x0, s3  }
0x39: {  	[tilespmem:s21], [sflag:$0x4] =	stream.linear.gather [hbm4b:s3+s4], $0x400, $0x38;
	[tilespmem:$0x1CC00] =	vst v63  }
0x3a: {  	_ =	swait.ge [sflag:s22], $0x4000  }
0x3b: {  	[sflag:s22] =	ssyncset.done $0x0  }
0x3c: {  	[sflag:s22] =	ssyncadd.s32 $0xFFFFC000  }
0x3d: {  	[tilespmem:s23], [sflag:$0x2] =	stream.indirect.gather [hbm4b:s1+s17], $0x80, s17, s17, $0xb8;
	[tilespmem:$0x1CC00] =	vst v63  }
0x3e: {  	_ = 	snop  }
0x3f: {  	[spmem:s2] =	stream.indirect.scatter.add.f32 [tilespmem:s18], [sflag:$0x5], $0x80, s15, s17, $0xb8;
	[tilespmem:$0x1CC00] =	vst v63  }
0x40: {  	_ =	swait.ge [sflag:s14], $0x4000  }
0x41: {  	[sflag:s14] =	ssyncset.done $0x0  }
0x42: {  	[sflag:s14] =	ssyncadd.s32 $0xFFFFC000  }
0x43: {  	_ =	swait.ge [sflag:s24], $0x4000  }
0x44: {  	[sflag:s24] =	ssyncset.done $0x0  }
0x45: {  	s7 =	rddreg [dreg:$0x7];
	[sflag:s24] =	ssyncadd.s32 $0xFFFFC000  }
0x46: {  	[tilespmem:s18], [sflag:$0x1] =	stream.indirect.gather [hbm4b:s1+s17], $0x80, s7, s17, $0xb8;
	[tilespmem:$0x1CC00] =	vst v63  }
0x47: {  	s9 =	rddreg [dreg:$0x8]  }
0x48: {  	[spmem:s2] =	stream.indirect.scatter.add.f32 [tilespmem:s23], [sflag:$0x5], $0x80, s9, s17, $0xb8;
	[tilespmem:$0x1CC00] =	vst v63  }
0x49: {  	_ =	swait.ge [sflag:s14], $0x4000  }
0x4a: {  	[sflag:s14] =	ssyncset.done $0x0  }
0x4b: {  	[sflag:s14] =	ssyncadd.s32 $0xFFFFC000  }
0x4c: {  	_ =	swait.ge [sflag:s22], $0x4000  }
0x4d: {  	[sflag:s22] =	ssyncset.done $0x0  }
0x4e: {  	s7 =	rddreg [dreg:$0x9];
	[sflag:s22] =	ssyncadd.s32 $0xFFFFC000  }
0x4f: {  	[tilespmem:s23], [sflag:$0x2] =	stream.indirect.gather [hbm4b:s1+s17], $0x80, s7, s17, $0xb8;
	[tilespmem:$0x1CC00] =	vst v63  }
0x50: {  	s9 =	rddreg [dreg:$0xa]  }
0x51: {  	[spmem:s2] =	stream.indirect.scatter.add.f32 [tilespmem:s18], [sflag:$0x5], $0x80, s9, s17, $0xb8;
	[tilespmem:$0x1CC00] =	vst v63  }
0x52: {  	_ =	swait.ge [sflag:s14], $0x4000  }
0x53: {  	[sflag:s14] =	ssyncset.done $0x0  }
0x54: {  	[sflag:s14] =	ssyncadd.s32 $0xFFFFC000  }
0x55: {  	_ =	swait.ge [sflag:s24], $0x4000  }
0x56: {  	[sflag:s24] =	ssyncset.done $0x0  }
0x57: {  	s7 =	rddreg [dreg:$0xb];
	[sflag:s24] =	ssyncadd.s32 $0xFFFFC000  }
0x58: {  	[tilespmem:s18], [sflag:$0x1] =	stream.indirect.gather [hbm4b:s1+s17], $0x80, s7, s17, $0xb8;
	[tilespmem:$0x1CC00] =	vst v63  }
0x59: {  	s9 =	rddreg [dreg:$0xc]  }
0x5a: {  	[spmem:s2] =	stream.indirect.scatter.add.f32 [tilespmem:s23], [sflag:$0x5], $0x80, s9, s17, $0xb8;
	[tilespmem:$0x1CC00] =	vst v63  }
0x5b: {  	_ =	swait.ge [sflag:s14], $0x4000  }
0x5c: {  	[sflag:s14] =	ssyncset.done $0x0  }
0x5d: {  	[sflag:s14] =	ssyncadd.s32 $0xFFFFC000  }
0x5e: {  	_ =	swait.ge [sflag:s22], $0x4000  }
0x5f: {  	[sflag:s22] =	ssyncset.done $0x0  }
0x60: {  	s7 =	rddreg [dreg:$0xd];
	[sflag:s22] =	ssyncadd.s32 $0xFFFFC000  }
0x61: {  	[tilespmem:s23], [sflag:$0x2] =	stream.indirect.gather [hbm4b:s1+s17], $0x80, s7, s17, $0xb8;
	[tilespmem:$0x1CC00] =	vst v63  }
0x62: {  	s9 =	rddreg [dreg:$0xe]  }
0x63: {  	[spmem:s2] =	stream.indirect.scatter.add.f32 [tilespmem:s18], [sflag:$0x5], $0x80, s9, s17, $0xb8;
	[tilespmem:$0x1CC00] =	vst v63  }
0x64: {  	_ =	swait.ge [sflag:s14], $0x4000  }
0x65: {  	[sflag:s14] =	ssyncset.done $0x0  }
0x66: {  	[sflag:s14] =	ssyncadd.s32 $0xFFFFC000  }
0x67: {  	_ =	swait.ge [sflag:s24], $0x4000  }
0x68: {  	[sflag:s24] =	ssyncset.done $0x0  }
0x69: {  	s7 =	rddreg [dreg:$0xf];
	[sflag:s24] =	ssyncadd.s32 $0xFFFFC000  }
0x6a: {  	[tilespmem:s18], [sflag:$0x1] =	stream.indirect.gather [hbm4b:s1+s17], $0x80, s7, s17, $0xb8;
	[tilespmem:$0x1CC00] =	vst v63  }
0x6b: {  	s9 =	rddreg [dreg:$0x10]  }
0x6c: {  	[spmem:s2] =	stream.indirect.scatter.add.f32 [tilespmem:s23], [sflag:$0x5], $0x80, s9, s17, $0xb8;
	[tilespmem:$0x1CC00] =	vst v63  }
0x6d: {  	_ =	swait.ge [sflag:s14], $0x4000  }
0x6e: {  	[sflag:s14] =	ssyncset.done $0x0  }
0x6f: {  	[sflag:s14] =	ssyncadd.s32 $0xFFFFC000  }
0x70: {  	_ =	swait.ge [sflag:s22], $0x4000  }
0x71: {  	[sflag:s22] =	ssyncset.done $0x0  }
0x72: {  	s7 =	rddreg [dreg:$0x11];
	[sflag:s22] =	ssyncadd.s32 $0xFFFFC000  }
0x73: {  	[tilespmem:s23], [sflag:$0x2] =	stream.indirect.gather [hbm4b:s1+s17], $0x80, s7, s17, $0xb8;
	[tilespmem:$0x1CC00] =	vst v63  }
0x74: {  	s9 =	rddreg [dreg:$0x12]  }
0x75: {  	[spmem:s2] =	stream.indirect.scatter.add.f32 [tilespmem:s18], [sflag:$0x5], $0x80, s9, s17, $0xb8;
	[tilespmem:$0x1CC00] =	vst v63  }
0x76: {  	_ =	swait.ge [sflag:s14], $0x4000  }
0x77: {  	[sflag:s14] =	ssyncset.done $0x0  }
0x78: {  	[sflag:s14] =	ssyncadd.s32 $0xFFFFC000  }
0x79: {  	_ =	swait.ge [sflag:s24], $0x4000  }
0x7a: {  	[sflag:s24] =	ssyncset.done $0x0  }
0x7b: {  	[sflag:s24] =	ssyncadd.s32 $0xFFFFC000  }
0x7c: {  	_ =	swait.ge [sflag:s16], $0x400  }
0x7d: {  	[sflag:s16] =	ssyncset.done $0x0  }
0x7e: {  	[sflag:s16] =	ssyncadd.s32 $0xFFFFFC00  }
0x7f: {  	[tilespmem:s18], [sflag:$0x1] =	stream.indirect.gather [hbm4b:s1+s17], $0x80, s20, s17, $0xb8;
	[tilespmem:$0x1CC00] =	vst v63  }
0x80: {  	s3 =	rddreg [dreg:$0x13]  }
0x81: {  	[spmem:s2] =	stream.indirect.scatter.add.f32 [tilespmem:s23], [sflag:$0x5], $0x80, s3, s17, $0xb8;
	[tilespmem:$0x1CC00] =	vst v63  }
0x82: {  	_ =	swait.ge [sflag:s14], $0x4000  }
0x83: {  	[sflag:s14] =	ssyncset.done $0x0  }
0x84: {  	[sflag:s14] =	ssyncadd.s32 $0xFFFFC000  }
0x85: {  	p0 =	por $0x0, $0x0;
	s3 =	simm.s32 $0x2;
	_ =	swait.ge [sflag:s19], $0x400  }
0x86: {  	s3 =	simm.s32 @p0 $0x0;
	s7 =	rddreg [dreg:$0x4]  }
0x87: {  	s0 =	sadd.s32 s7, s3  }
0x88: {  	s0 =	sshll.u32 s0, $0x7  }
0x89: {  	[sflag:s19] =	ssyncset.done $0x0;
	s0 =	sand.u32 $0x1FFFFF00, s0  }
0x8a: {  	[sflag:s19] =	ssyncadd.s32 $0xFFFFFC00;
	s9 =	sadd.s32 s5, s0  }
0x8b: {  	[tilespmem:s4], [sflag:$0x3] =	stream.linear.gather [hbm4b:s9+s4], $0x400, $0x38;
	[tilespmem:$0x1CC00] =	vst v63  }
0x8c: {  	s0 =	sadd.s32 s6, s0  }
0x8d: {  	[tilespmem:s15], [sflag:$0x4] =	stream.linear.gather [hbm4b:s0+s4], $0x400, $0x38;
	[tilespmem:$0x1CC00] =	vst v63  }
0x8e: {  	_ =	swait.ge [sflag:s22], $0x4000  }
0x8f: {  	[sflag:s22] =	ssyncset.done $0x0  }
0x90: {  	s3 =	rddreg [dreg:$0x14];
	[sflag:s22] =	ssyncadd.s32 $0xFFFFC000  }
0x91: {  	[tilespmem:s23], [sflag:$0x2] =	stream.indirect.gather [hbm4b:s1+s17], $0x80, s3, s17, $0xb8;
	[tilespmem:$0x1CC00] =	vst v63  }
0x92: {  	_ = 	snop  }
0x93: {  	[spmem:s2] =	stream.indirect.scatter.add.f32 [tilespmem:s18], [sflag:$0x5], $0x80, s21, s17, $0xb8;
	[tilespmem:$0x1CC00] =	vst v63  }
0x94: {  	_ =	swait.ge [sflag:s14], $0x4000  }
0x95: {  	[sflag:s14] =	ssyncset.done $0x0  }
0x96: {  	[sflag:s14] =	ssyncadd.s32 $0xFFFFC000  }
0x97: {  	_ =	swait.ge [sflag:s24], $0x4000  }
0x98: {  	[sflag:s24] =	ssyncset.done $0x0  }
0x99: {  	s7 =	rddreg [dreg:$0x15];
	[sflag:s24] =	ssyncadd.s32 $0xFFFFC000  }
0x9a: {  	[tilespmem:s18], [sflag:$0x1] =	stream.indirect.gather [hbm4b:s1+s17], $0x80, s7, s17, $0xb8;
	[tilespmem:$0x1CC00] =	vst v63  }
0x9b: {  	s9 =	rddreg [dreg:$0x16]  }
0x9c: {  	[spmem:s2] =	stream.indirect.scatter.add.f32 [tilespmem:s23], [sflag:$0x5], $0x80, s9, s17, $0xb8;
	[tilespmem:$0x1CC00] =	vst v63  }
0x9d: {  	_ =	swait.ge [sflag:s14], $0x4000  }
0x9e: {  	[sflag:s14] =	ssyncset.done $0x0  }
0x9f: {  	[sflag:s14] =	ssyncadd.s32 $0xFFFFC000  }
0xa0: {  	_ =	swait.ge [sflag:s22], $0x4000  }
0xa1: {  	[sflag:s22] =	ssyncset.done $0x0  }
0xa2: {  	s7 =	rddreg [dreg:$0x17];
	[sflag:s22] =	ssyncadd.s32 $0xFFFFC000  }
0xa3: {  	[tilespmem:s23], [sflag:$0x2] =	stream.indirect.gather [hbm4b:s1+s17], $0x80, s7, s17, $0xb8;
	[tilespmem:$0x1CC00] =	vst v63  }
0xa4: {  	s9 =	rddreg [dreg:$0x18]  }
0xa5: {  	[spmem:s2] =	stream.indirect.scatter.add.f32 [tilespmem:s18], [sflag:$0x5], $0x80, s9, s17, $0xb8;
	[tilespmem:$0x1CC00] =	vst v63  }
0xa6: {  	_ =	swait.ge [sflag:s14], $0x4000  }
0xa7: {  	[sflag:s14] =	ssyncset.done $0x0  }
0xa8: {  	[sflag:s14] =	ssyncadd.s32 $0xFFFFC000  }
0xa9: {  	_ =	swait.ge [sflag:s24], $0x4000  }
0xaa: {  	[sflag:s24] =	ssyncset.done $0x0  }
0xab: {  	s7 =	rddreg [dreg:$0x19];
	[sflag:s24] =	ssyncadd.s32 $0xFFFFC000  }
0xac: {  	[tilespmem:s18], [sflag:$0x1] =	stream.indirect.gather [hbm4b:s1+s17], $0x80, s7, s17, $0xb8;
	[tilespmem:$0x1CC00] =	vst v63  }
0xad: {  	s9 =	rddreg [dreg:$0x1a]  }
0xae: {  	[spmem:s2] =	stream.indirect.scatter.add.f32 [tilespmem:s23], [sflag:$0x5], $0x80, s9, s17, $0xb8;
	[tilespmem:$0x1CC00] =	vst v63  }
0xaf: {  	_ =	swait.ge [sflag:s14], $0x4000  }
0xb0: {  	[sflag:s14] =	ssyncset.done $0x0  }
0xb1: {  	[sflag:s14] =	ssyncadd.s32 $0xFFFFC000  }
0xb2: {  	_ =	swait.ge [sflag:s22], $0x4000  }
0xb3: {  	[sflag:s22] =	ssyncset.done $0x0  }
0xb4: {  	s3 =	rddreg [dreg:$0x1b];
	[sflag:s22] =	ssyncadd.s32 $0xFFFFC000  }
0xb5: {  	[tilespmem:s23], [sflag:$0x2] =	stream.indirect.gather [hbm4b:s1+s17], $0x80, s3, s17, $0xb8;
	[tilespmem:$0x1CC00] =	vst v63  }
0xb6: {  	s7 =	rddreg [dreg:$0x1c]  }
0xb7: {  	[spmem:s2] =	stream.indirect.scatter.add.f32 [tilespmem:s18], [sflag:$0x5], $0x80, s7, s17, $0xb8;
	[tilespmem:$0x1CC00] =	vst v63  }
0xb8: {  	_ =	swait.ge [sflag:s14], $0x4000  }
0xb9: {  	[sflag:s14] =	ssyncset.done $0x0  }
0xba: {  	[sflag:s14] =	ssyncadd.s32 $0xFFFFC000  }
0xbb: {  	_ =	swait.ge [sflag:s24], $0x4000  }
0xbc: {  	[sflag:s24] =	ssyncset.done $0x0  }
0xbd: {  	s9 =	rddreg [dreg:$0x1d];
	[sflag:s24] =	ssyncadd.s32 $0xFFFFC000  }
0xbe: {  	[tilespmem:s18], [sflag:$0x1] =	stream.indirect.gather [hbm4b:s1+s17], $0x80, s9, s17, $0xb8;
	[tilespmem:$0x1CC00] =	vst v63  }
0xbf: {  	_ = 	snop  }
0xc0: {  	[spmem:s2] =	stream.indirect.scatter.add.f32 [tilespmem:s23], [sflag:$0x5], $0x80, s25, s17, $0xb8;
	[tilespmem:$0x1CC00] =	vst v63  }
0xc1: {  	_ =	swait.ge [sflag:s14], $0x4000  }
0xc2: {  	[sflag:s14] =	ssyncset.done $0x0  }
0xc3: {  	[sflag:s14] =	ssyncadd.s32 $0xFFFFC000  }
0xc4: {  	_ =	swait.ge [sflag:s22], $0x4000  }
0xc5: {  	[sflag:s22] =	ssyncset.done $0x0  }
0xc6: {  	[sflag:s22] =	ssyncadd.s32 $0xFFFFC000  }
0xc7: {  	[tilespmem:s23], [sflag:$0x2] =	stream.indirect.gather [hbm4b:s1+s17], $0x80, s26, s17, $0xb8;
	[tilespmem:$0x1CC00] =	vst v63  }
0xc8: {  	_ = 	snop  }
0xc9: {  	[spmem:s2] =	stream.indirect.scatter.add.f32 [tilespmem:s18], [sflag:$0x5], $0x80, s28, s17, $0xb8;
	[tilespmem:$0x1CC00] =	vst v63  }
0xca: {  	_ =	swait.ge [sflag:s14], $0x4000  }
0xcb: {  	[sflag:s14] =	ssyncset.done $0x0  }
0xcc: {  	[sflag:s14] =	ssyncadd.s32 $0xFFFFC000  }
0xcd: {  	_ =	swait.ge [sflag:s24], $0x4000  }
0xce: {  	[sflag:s24] =	ssyncset.done $0x0  }
0xcf: {  	[sflag:s24] =	ssyncadd.s32 $0xFFFFC000  }
0xd0: {  	_ =	swait.ge [sflag:s16], $0x400  }
0xd1: {  	[sflag:s16] =	ssyncset.done $0x0  }
0xd2: {  	[sflag:s16] =	ssyncadd.s32 $0xFFFFFC00  }
0xd3: {  	[tilespmem:s18], [sflag:$0x1] =	stream.indirect.gather [hbm4b:s1+s17], $0x80, s4, s17, $0xb8;
	[tilespmem:$0x1CC00] =	vst v63  }
0xd4: {  	_ = 	snop  }
0xd5: {  	[spmem:s2] =	stream.indirect.scatter.add.f32 [tilespmem:s23], [sflag:$0x5], $0x80, s29, s17, $0xb8;
	[tilespmem:$0x1CC00] =	vst v63  }
0xd6: {  	_ =	swait.ge [sflag:s14], $0x4000  }
0xd7: {  	s31 =	simm.s32 $0x100;
	s0 =	simm.s32 $0x4;
	[sflag:s14] =	ssyncset.done $0x0  }
.LBB2_2:
0xd8: {  	[sflag:s14] =	ssyncadd.s32 $0xFFFFC000  }
0xd9: {  	_ =	swait.ge [sflag:s19], $0x400  }
0xda: {  	s3 =	smov.u32 s31;
	s7 =	rddreg [dreg:$0x6];
	[sflag:s19] =	ssyncset.done $0x0  }
0xdb: {  	s9 =	rddreg [dreg:$0x5];
	[sflag:s19] =	ssyncadd.s32 $0xFFFFFC00;
	s7 =	sadd.s32 s3, s7  }
0xdc: {  	[tilespmem:s20], [sflag:$0x3] =	stream.linear.gather [hbm4b:s7+s4], $0x400, $0x38;
	[tilespmem:$0x1CC00] =	vst v63  }
0xdd: {  	s9 =	sadd.s32 s3, s9  }
0xde: {  	[tilespmem:s21], [sflag:$0x4] =	stream.linear.gather [hbm4b:s9+s4], $0x400, $0x38;
	[tilespmem:$0x1CC00] =	vst v63  }
0xdf: {  	_ =	swait.ge [sflag:s22], $0x4000  }
0xe0: {  	[sflag:s22] =	ssyncset.done $0x0  }
0xe1: {  	[sflag:s22] =	ssyncadd.s32 $0xFFFFC000  }
0xe2: {  	[tilespmem:s23], [sflag:$0x2] =	stream.indirect.gather [hbm4b:s1+s17], $0x80, s17, s17, $0xb8;
	[tilespmem:$0x1CC00] =	vst v63  }
0xe3: {  	_ = 	snop  }
0xe4: {  	[spmem:s2] =	stream.indirect.scatter.add.f32 [tilespmem:s18], [sflag:$0x5], $0x80, s15, s17, $0xb8;
	[tilespmem:$0x1CC00] =	vst v63  }
0xe5: {  	_ =	swait.ge [sflag:s14], $0x4000  }
0xe6: {  	[sflag:s14] =	ssyncset.done $0x0  }
0xe7: {  	[sflag:s14] =	ssyncadd.s32 $0xFFFFC000  }
0xe8: {  	_ =	swait.ge [sflag:s24], $0x4000  }
0xe9: {  	[sflag:s24] =	ssyncset.done $0x0  }
0xea: {  	s7 =	rddreg [dreg:$0x7];
	[sflag:s24] =	ssyncadd.s32 $0xFFFFC000  }
0xeb: {  	[tilespmem:s18], [sflag:$0x1] =	stream.indirect.gather [hbm4b:s1+s17], $0x80, s7, s17, $0xb8;
	[tilespmem:$0x1CC00] =	vst v63  }
0xec: {  	s9 =	rddreg [dreg:$0x8]  }
0xed: {  	[spmem:s2] =	stream.indirect.scatter.add.f32 [tilespmem:s23], [sflag:$0x5], $0x80, s9, s17, $0xb8;
	[tilespmem:$0x1CC00] =	vst v63  }
0xee: {  	_ =	swait.ge [sflag:s14], $0x4000  }
0xef: {  	[sflag:s14] =	ssyncset.done $0x0  }
0xf0: {  	[sflag:s14] =	ssyncadd.s32 $0xFFFFC000  }
0xf1: {  	_ =	swait.ge [sflag:s22], $0x4000  }
0xf2: {  	[sflag:s22] =	ssyncset.done $0x0  }
0xf3: {  	s7 =	rddreg [dreg:$0x9];
	[sflag:s22] =	ssyncadd.s32 $0xFFFFC000  }
0xf4: {  	[tilespmem:s23], [sflag:$0x2] =	stream.indirect.gather [hbm4b:s1+s17], $0x80, s7, s17, $0xb8;
	[tilespmem:$0x1CC00] =	vst v63  }
0xf5: {  	s9 =	rddreg [dreg:$0xa]  }
0xf6: {  	[spmem:s2] =	stream.indirect.scatter.add.f32 [tilespmem:s18], [sflag:$0x5], $0x80, s9, s17, $0xb8;
	[tilespmem:$0x1CC00] =	vst v63  }
0xf7: {  	_ =	swait.ge [sflag:s14], $0x4000  }
0xf8: {  	[sflag:s14] =	ssyncset.done $0x0  }
0xf9: {  	[sflag:s14] =	ssyncadd.s32 $0xFFFFC000  }
0xfa: {  	_ =	swait.ge [sflag:s24], $0x4000  }
0xfb: {  	[sflag:s24] =	ssyncset.done $0x0  }
0xfc: {  	s7 =	rddreg [dreg:$0xb];
	[sflag:s24] =	ssyncadd.s32 $0xFFFFC000  }
0xfd: {  	[tilespmem:s18], [sflag:$0x1] =	stream.indirect.gather [hbm4b:s1+s17], $0x80, s7, s17, $0xb8;
	[tilespmem:$0x1CC00] =	vst v63  }
0xfe: {  	s9 =	rddreg [dreg:$0xc]  }
0xff: {  	[spmem:s2] =	stream.indirect.scatter.add.f32 [tilespmem:s23], [sflag:$0x5], $0x80, s9, s17, $0xb8;
	[tilespmem:$0x1CC00] =	vst v63  }
0x100: {  	_ =	swait.ge [sflag:s14], $0x4000  }
0x101: {  	[sflag:s14] =	ssyncset.done $0x0  }
0x102: {  	[sflag:s14] =	ssyncadd.s32 $0xFFFFC000  }
0x103: {  	_ =	swait.ge [sflag:s22], $0x4000  }
0x104: {  	[sflag:s22] =	ssyncset.done $0x0  }
0x105: {  	s7 =	rddreg [dreg:$0xd];
	[sflag:s22] =	ssyncadd.s32 $0xFFFFC000  }
0x106: {  	[tilespmem:s23], [sflag:$0x2] =	stream.indirect.gather [hbm4b:s1+s17], $0x80, s7, s17, $0xb8;
	[tilespmem:$0x1CC00] =	vst v63  }
0x107: {  	s9 =	rddreg [dreg:$0xe]  }
0x108: {  	[spmem:s2] =	stream.indirect.scatter.add.f32 [tilespmem:s18], [sflag:$0x5], $0x80, s9, s17, $0xb8;
	[tilespmem:$0x1CC00] =	vst v63  }
0x109: {  	_ =	swait.ge [sflag:s14], $0x4000  }
0x10a: {  	[sflag:s14] =	ssyncset.done $0x0  }
0x10b: {  	[sflag:s14] =	ssyncadd.s32 $0xFFFFC000  }
0x10c: {  	_ =	swait.ge [sflag:s24], $0x4000  }
0x10d: {  	[sflag:s24] =	ssyncset.done $0x0  }
0x10e: {  	s7 =	rddreg [dreg:$0xf];
	[sflag:s24] =	ssyncadd.s32 $0xFFFFC000  }
0x10f: {  	[tilespmem:s18], [sflag:$0x1] =	stream.indirect.gather [hbm4b:s1+s17], $0x80, s7, s17, $0xb8;
	[tilespmem:$0x1CC00] =	vst v63  }
0x110: {  	s9 =	rddreg [dreg:$0x10]  }
0x111: {  	[spmem:s2] =	stream.indirect.scatter.add.f32 [tilespmem:s23], [sflag:$0x5], $0x80, s9, s17, $0xb8;
	[tilespmem:$0x1CC00] =	vst v63  }
0x112: {  	_ =	swait.ge [sflag:s14], $0x4000  }
0x113: {  	[sflag:s14] =	ssyncset.done $0x0  }
0x114: {  	[sflag:s14] =	ssyncadd.s32 $0xFFFFC000  }
0x115: {  	_ =	swait.ge [sflag:s22], $0x4000  }
0x116: {  	[sflag:s22] =	ssyncset.done $0x0  }
0x117: {  	s7 =	rddreg [dreg:$0x11];
	[sflag:s22] =	ssyncadd.s32 $0xFFFFC000  }
0x118: {  	[tilespmem:s23], [sflag:$0x2] =	stream.indirect.gather [hbm4b:s1+s17], $0x80, s7, s17, $0xb8;
	[tilespmem:$0x1CC00] =	vst v63  }
0x119: {  	s9 =	rddreg [dreg:$0x12]  }
0x11a: {  	[spmem:s2] =	stream.indirect.scatter.add.f32 [tilespmem:s18], [sflag:$0x5], $0x80, s9, s17, $0xb8;
	[tilespmem:$0x1CC00] =	vst v63  }
0x11b: {  	_ =	swait.ge [sflag:s14], $0x4000  }
0x11c: {  	[sflag:s14] =	ssyncset.done $0x0  }
0x11d: {  	[sflag:s14] =	ssyncadd.s32 $0xFFFFC000  }
0x11e: {  	_ =	swait.ge [sflag:s24], $0x4000  }
0x11f: {  	[sflag:s24] =	ssyncset.done $0x0  }
0x120: {  	[sflag:s24] =	ssyncadd.s32 $0xFFFFC000  }
0x121: {  	_ =	swait.ge [sflag:s16], $0x400  }
0x122: {  	[sflag:s16] =	ssyncset.done $0x0  }
0x123: {  	[sflag:s16] =	ssyncadd.s32 $0xFFFFFC00  }
0x124: {  	[tilespmem:s18], [sflag:$0x1] =	stream.indirect.gather [hbm4b:s1+s17], $0x80, s20, s17, $0xb8;
	[tilespmem:$0x1CC00] =	vst v63  }
0x125: {  	s9 =	rddreg [dreg:$0x13]  }
0x126: {  	[spmem:s2] =	stream.indirect.scatter.add.f32 [tilespmem:s23], [sflag:$0x5], $0x80, s9, s17, $0xb8;
	[tilespmem:$0x1CC00] =	vst v63  }
0x127: {  	_ =	swait.ge [sflag:s14], $0x4000  }
0x128: {  	[sflag:s14] =	ssyncset.done $0x0  }
0x129: {  	[sflag:s14] =	ssyncadd.s32 $0xFFFFC000  }
0x12a: {  	p1 =	seq.s32 s3, $0x400;
	s3 =	smov.u32 s0;
	_ =	swait.ge [sflag:s19], $0x400  }
0x12b: {  	s3 =	simm.s32 @p1 $0x0;
	s9 =	rddreg [dreg:$0x4]  }
0x12c: {  	s3 =	sadd.s32 s9, s3  }
0x12d: {  	s3 =	sshll.u32 s3, $0x7  }
0x12e: {  	[sflag:s19] =	ssyncset.done $0x0;
	s3 =	sand.u32 $0x1FFFFF00, s3  }
0x12f: {  	[sflag:s19] =	ssyncadd.s32 $0xFFFFFC00;
	s9 =	sadd.s32 s5, s3  }
0x130: {  	[tilespmem:s4], [sflag:$0x3] =	stream.linear.gather [hbm4b:s9+s4], $0x400, $0x38;
	[tilespmem:$0x1CC00] =	vst v63  }
0x131: {  	s3 =	sadd.s32 s6, s3  }
0x132: {  	[tilespmem:s15], [sflag:$0x4] =	stream.linear.gather [hbm4b:s3+s4], $0x400, $0x38;
	[tilespmem:$0x1CC00] =	vst v63  }
0x133: {  	_ =	swait.ge [sflag:s22], $0x4000  }
0x134: {  	[sflag:s22] =	ssyncset.done $0x0  }
0x135: {  	s9 =	rddreg [dreg:$0x14];
	[sflag:s22] =	ssyncadd.s32 $0xFFFFC000  }
0x136: {  	[tilespmem:s23], [sflag:$0x2] =	stream.indirect.gather [hbm4b:s1+s17], $0x80, s9, s17, $0xb8;
	[tilespmem:$0x1CC00] =	vst v63  }
0x137: {  	_ = 	snop  }
0x138: {  	[spmem:s2] =	stream.indirect.scatter.add.f32 [tilespmem:s18], [sflag:$0x5], $0x80, s21, s17, $0xb8;
	[tilespmem:$0x1CC00] =	vst v63  }
0x139: {  	_ =	swait.ge [sflag:s14], $0x4000  }
0x13a: {  	[sflag:s14] =	ssyncset.done $0x0  }
0x13b: {  	[sflag:s14] =	ssyncadd.s32 $0xFFFFC000  }
0x13c: {  	_ =	swait.ge [sflag:s24], $0x4000  }
0x13d: {  	[sflag:s24] =	ssyncset.done $0x0  }
0x13e: {  	s7 =	rddreg [dreg:$0x15];
	[sflag:s24] =	ssyncadd.s32 $0xFFFFC000  }
0x13f: {  	[tilespmem:s18], [sflag:$0x1] =	stream.indirect.gather [hbm4b:s1+s17], $0x80, s7, s17, $0xb8;
	[tilespmem:$0x1CC00] =	vst v63  }
0x140: {  	s9 =	rddreg [dreg:$0x16]  }
0x141: {  	[spmem:s2] =	stream.indirect.scatter.add.f32 [tilespmem:s23], [sflag:$0x5], $0x80, s9, s17, $0xb8;
	[tilespmem:$0x1CC00] =	vst v63  }
0x142: {  	_ =	swait.ge [sflag:s14], $0x4000  }
0x143: {  	[sflag:s14] =	ssyncset.done $0x0  }
0x144: {  	[sflag:s14] =	ssyncadd.s32 $0xFFFFC000  }
0x145: {  	_ =	swait.ge [sflag:s22], $0x4000  }
0x146: {  	[sflag:s22] =	ssyncset.done $0x0  }
0x147: {  	s7 =	rddreg [dreg:$0x17];
	[sflag:s22] =	ssyncadd.s32 $0xFFFFC000  }
0x148: {  	[tilespmem:s23], [sflag:$0x2] =	stream.indirect.gather [hbm4b:s1+s17], $0x80, s7, s17, $0xb8;
	[tilespmem:$0x1CC00] =	vst v63  }
0x149: {  	s9 =	rddreg [dreg:$0x18]  }
0x14a: {  	[spmem:s2] =	stream.indirect.scatter.add.f32 [tilespmem:s18], [sflag:$0x5], $0x80, s9, s17, $0xb8;
	[tilespmem:$0x1CC00] =	vst v63  }
0x14b: {  	_ =	swait.ge [sflag:s14], $0x4000  }
0x14c: {  	[sflag:s14] =	ssyncset.done $0x0  }
0x14d: {  	[sflag:s14] =	ssyncadd.s32 $0xFFFFC000  }
0x14e: {  	_ =	swait.ge [sflag:s24], $0x4000  }
0x14f: {  	[sflag:s24] =	ssyncset.done $0x0  }
0x150: {  	s7 =	rddreg [dreg:$0x19];
	[sflag:s24] =	ssyncadd.s32 $0xFFFFC000  }
0x151: {  	[tilespmem:s18], [sflag:$0x1] =	stream.indirect.gather [hbm4b:s1+s17], $0x80, s7, s17, $0xb8;
	[tilespmem:$0x1CC00] =	vst v63  }
0x152: {  	s9 =	rddreg [dreg:$0x1a]  }
0x153: {  	[spmem:s2] =	stream.indirect.scatter.add.f32 [tilespmem:s23], [sflag:$0x5], $0x80, s9, s17, $0xb8;
	[tilespmem:$0x1CC00] =	vst v63  }
0x154: {  	_ =	swait.ge [sflag:s14], $0x4000  }
0x155: {  	[sflag:s14] =	ssyncset.done $0x0  }
0x156: {  	[sflag:s14] =	ssyncadd.s32 $0xFFFFC000  }
0x157: {  	_ =	swait.ge [sflag:s22], $0x4000  }
0x158: {  	[sflag:s22] =	ssyncset.done $0x0  }
0x159: {  	s7 =	rddreg [dreg:$0x1b];
	[sflag:s22] =	ssyncadd.s32 $0xFFFFC000  }
0x15a: {  	[tilespmem:s23], [sflag:$0x2] =	stream.indirect.gather [hbm4b:s1+s17], $0x80, s7, s17, $0xb8;
	[tilespmem:$0x1CC00] =	vst v63  }
0x15b: {  	s9 =	rddreg [dreg:$0x1c]  }
0x15c: {  	[spmem:s2] =	stream.indirect.scatter.add.f32 [tilespmem:s18], [sflag:$0x5], $0x80, s9, s17, $0xb8;
	[tilespmem:$0x1CC00] =	vst v63  }
0x15d: {  	_ =	swait.ge [sflag:s14], $0x4000  }
0x15e: {  	[sflag:s14] =	ssyncset.done $0x0  }
0x15f: {  	[sflag:s14] =	ssyncadd.s32 $0xFFFFC000  }
0x160: {  	_ =	swait.ge [sflag:s24], $0x4000  }
0x161: {  	[sflag:s24] =	ssyncset.done $0x0  }
0x162: {  	s9 =	rddreg [dreg:$0x1d];
	[sflag:s24] =	ssyncadd.s32 $0xFFFFC000  }
0x163: {  	[tilespmem:s18], [sflag:$0x1] =	stream.indirect.gather [hbm4b:s1+s17], $0x80, s9, s17, $0xb8;
	[tilespmem:$0x1CC00] =	vst v63  }
0x164: {  	_ = 	snop  }
0x165: {  	[spmem:s2] =	stream.indirect.scatter.add.f32 [tilespmem:s23], [sflag:$0x5], $0x80, s25, s17, $0xb8;
	[tilespmem:$0x1CC00] =	vst v63  }
0x166: {  	_ =	swait.ge [sflag:s14], $0x4000  }
0x167: {  	[sflag:s14] =	ssyncset.done $0x0  }
0x168: {  	[sflag:s14] =	ssyncadd.s32 $0xFFFFC000  }
0x169: {  	_ =	swait.ge [sflag:s22], $0x4000  }
0x16a: {  	[sflag:s22] =	ssyncset.done $0x0  }
0x16b: {  	[sflag:s22] =	ssyncadd.s32 $0xFFFFC000  }
0x16c: {  	[tilespmem:s23], [sflag:$0x2] =	stream.indirect.gather [hbm4b:s1+s17], $0x80, s26, s17, $0xb8;
	[tilespmem:$0x1CC00] =	vst v63  }
0x16d: {  	_ = 	snop  }
0x16e: {  	[spmem:s2] =	stream.indirect.scatter.add.f32 [tilespmem:s18], [sflag:$0x5], $0x80, s28, s17, $0xb8;
	[tilespmem:$0x1CC00] =	vst v63  }
0x16f: {  	_ =	swait.ge [sflag:s14], $0x4000  }
0x170: {  	[sflag:s14] =	ssyncset.done $0x0  }
0x171: {  	[sflag:s14] =	ssyncadd.s32 $0xFFFFC000  }
0x172: {  	_ =	swait.ge [sflag:s24], $0x4000  }
0x173: {  	[sflag:s24] =	ssyncset.done $0x0  }
0x174: {  	[sflag:s24] =	ssyncadd.s32 $0xFFFFC000  }
0x175: {  	_ =	swait.ge [sflag:s16], $0x400  }
0x176: {  	[sflag:s16] =	ssyncset.done $0x0  }
0x177: {  	p0 =	sne.s32 s31, $0x400;
	[sflag:s16] =	ssyncadd.s32 $0xFFFFFC00  }
0x178: {  	[tilespmem:s18], [sflag:$0x1] =	stream.indirect.gather [hbm4b:s1+s17], $0x80, s4, s17, $0xb8;
	[tilespmem:$0x1CC00] =	vst v63  }
.Ltmp0:
0x179: {  	_ = 	snop;
	(pc) =	sbr.rel @p0 .LBB2_2-.Ltmp0, $4  }
0x17a: {  	_ = 	snop  }
0x17b: {  	[spmem:s2] =	stream.indirect.scatter.add.f32 [tilespmem:s23], [sflag:$0x5], $0x80, s29, s17, $0xb8;
	[tilespmem:$0x1CC00] =	vst v63  }
0x17c: {  	_ =	swait.ge [sflag:s14], $0x4000  }
0x17d: {  	s31 =	sadd.s32 $0x100, s31;
	s0 =	sadd.s32 $0x2, s0;
	[sflag:s14] =	ssyncset.done $0x0  }
0x17e: {  	[sflag:s14] =	ssyncadd.s32 $0xFFFFC000  }
0x17f: {  	_ =	swait.ge [sflag:s22], $0x4000  }
0x180: {  	[sflag:s22] =	ssyncset.done $0x0  }
0x181: {  	[sflag:s22] =	ssyncadd.s32 $0xFFFFC000  }
0x182: {  	_ =	swait.ge [sflag:s19], $0x400  }
0x183: {  	s30 =	sadd.s32 $0x1, s30;
	[sflag:s19] =	ssyncset.done $0x0  }
0x184: {  	p0 =	sne.s32 s30, s12;
	[sflag:s19] =	ssyncadd.s32 $0xFFFFFC00  }
.Ltmp1:
0x185: {  	[bflag:$0x0] =	sbarrier.arrive $0xFFFF;
	(pc) =	sbr.rel @p0 .LBB2_1-.Ltmp1, $4  }
0x186: {  	[hbm:s11], [sflag:s8] =	dma.local [spmem:s13], $0x2780  }
0x187: {  	_ =	swait.ge [sflag:s14], $0x2780  }
0x188: {  	[sflag:s14] =	ssyncset.done $0x0  }
0x189: {  	[sflag:s14] =	ssyncadd.s32 $0xFFFFD880  }
0x18a: {  	_ =	sfence.sel $0x180000  }
0x18b: {  	[bflag:$0x0] =	sbarrier.arrive $0xFFFF  }
0x18c: {  	_ =	strace $0x90000047  }
0x18d: {  	s0 =	stileid.u32;
	[bflag:$0x2] =	sbarrier.arrive $0xFFFF  }
0x18e: {  	p0 =	sne.s32 s0, $0x0;
	s0 =	rddreg [dreg:$0x3]  }
0x18f: {  	s0 =	sadd.s32 @!p0 $0x100000, s0  }
0x190: {  	[sflag:s0] =	ssyncadd.tile.s32 @!p0 $0x1;
	_ =	shalt  }
.Lfunc_end2:
_tile_overlayer_lowered:
.L_overlay_start_2:
0x191: {  	(tag) =	ssettag $0x2  }
0x192: {  	s0 =	rddreg [dreg:$0x0];
	s2 =	stileid.u32  }
0x193: {  	s1 =	rddreg [dreg:$0x1];
	p0 =	sne.s32 s2, $0x0  }
0x194: {  	s3 =	rddreg [dreg:$0x2];
	[bflag:$0x3] =	sbarrier.arrive $0xFFFF;
	s2 =	simm.s32 @!p0 $0x1C05  }
0x195: {  	[timem:s3], [sflag:s2] =	dma.local @!p0 [hbm:s0], s1  }
0x196: {  	s0 =	simm.s32 @!p0 $0x5  }
0x197: {  	_ =	swait.ge @!p0 [sflag:s0], s1  }
0x198: {  	s1 =	ssub.s32 @!p0 $0x0, s1;
	[sflag:s0] =	ssyncset.done @!p0 $0x0  }
0x199: {  	[sflag:s0] =	ssyncadd.s32 @!p0 s1  }
0x19a: {  	[bflag:$0x3] =	sbarrier.arrive $0xFFFF  }
0x19b: {  	_ =	shalt  }

// kernel: kernel.9.cloned.1.call-start
scs
__scs_entry_jumppad:
0x0: {  	(pc) =	sbr.rel $0x88, $3  }
0x1: {  	(tag) =	ssettag $0x0;
	lr =	simm.s32 $0x1  }
0x2: {  	[smem:$0x3F94] =	sst lr;
	_ =	strace $0xD0000000  }
0x3: {  	_ = 	snop  }
0x4: {  	_ = 	snop  }
0x5: {  	_ = 	snop  }
0x6: {  	_ = 	snop  }
0x7: {  	_ = 	snop  }
__scs_overlays_trampoline_lowered:
0x8: {  	[smem:$0x3FA3] =	sst s0  }
0x9: {  	[smem:$0x3FA4] =	sst s1  }
0xa: {  	[smem:$0x3FA5] =	sst s2  }
0xb: {  	[smem:$0x3FA6] =	sst s3  }
0xc: {  	[smem:$0x3FA7] =	sst s4  }
0xd: {  	[smem:$0x3FA8] =	sst s5  }
0xe: {  	[smem:$0x3FA9] =	sst s6  }
0xf: {  	[smem:$0x3FAA] =	sst s7  }
0x10: {  	[smem:$0x3FAB] =	sst s8  }
0x11: {  	[smem:$0x3FAC] =	sst s9;
	s0 =	simm.s32 @!p0 $0x0  }
0x12: {  	s1 =	sld [smem:$0x3F92];
	s0 =	simm.s32 @p0 $0x1  }
0x13: {  	[smem:$0x3FAD] =	sst s0;
	s0 =	simm.s32 @!p1 $0x0  }
0x14: {  	s2 =	sld [smem:$0x3F91];
	s0 =	simm.s32 @p1 $0x1  }
0x15: {  	[smem:$0x3FAE] =	sst s0;
	s0 =	simm.s32 @!p2 $0x0  }
0x16: {  	s3 =	sld [smem:$0x3FDB];
	s0 =	simm.s32 @p2 $0x1  }
0x17: {  	s4 =	simm.s32 $0x1BF5;
	[smem:$0x3FB0] =	sst s0  }
0x18: {  	s0 =	sld [smem:$0x3F93];
	_ =	swait.ge [sflag:s4], $0x0  }
0x19: {  	s7 =	sld [smem:$0x3F94]  }
0x1a: {  	s8 =	sadd.s32 $0xFFFFE003, lr  }
0x1b: {  	s9 =	sadd.s32 $0xFFFFFEF7, lr;
	s5 =	simm.s32 $0xFFFFFFFF;
	p2 =	slt.u32 s8, $0xFFFFF086  }
0x1c: {  	p1 =	slt.u32 s9, $0xF7A;
	s5 =	simm.s32 @!p2 $0x0  }
0x1d: {  	s5 =	simm.s32 @p1 $0x1;
	p0 =	seq.s32 s7, s2  }
0x1e: {  	s7 =	smul.u32 @!p0 $0xF7A, s2;
	p2 =	seq.s32 @!p0 s5, $0x0  }
0x1f: {  	s9 =	smul.u32 $0xF7A, s1;
	s8 =	simm.s32 @!p0 $0x1BF5;
	p2 =	por !p2, p0  }
0x20: {  	[sflag:s8] =	ssyncset.s32 @!p0 $0xFFFFF086;
	s6 =	sadd.s32 @!p0 s3, s7;
	s7 =	simm.s32 @!p0 $0x108  }
0x21: {  	s3 =	sadd.s32 s3, s9;
	s6 =	sadd.s32 @!p0 $0x88, s6;
	s7 =	simm.s32 @p2 $0x1082  }
0x22: {  	[simem:s7], [sflag:s8] =	dma.local @!p0 [hbm:s6], $0xF7A  }
0x23: {  	s9 =	sor.u32 $0xD0000000, s2;
	s6 =	simm.s32 $0x108;
	_ =	swait.ge @!p0 [sflag:s8], $0x0  }
0x24: {  	s3 =	sadd.s32 $0x88, s3;
	s6 =	simm.s32 @!p1 $0x1082;
	[sflag:s4] =	ssyncset.s32 $0xFFFFF086  }
0x25: {  	[simem:s6], [sflag:s4] =	dma.local [hbm:s3], $0xF7A  }
0x26: {  	[smem:$0x3F94] =	sst s1;
	(tag) =	ssettag s2;
	_ =	strace s9  }
0x27: {  	s1 =	sld [smem:$0x3FA4]  }
0x28: {  	s2 =	sld [smem:$0x3FA5]  }
0x29: {  	s4 =	sld [smem:$0x3FA7]  }
0x2a: {  	p0 =	seq.s32 s5, $0x0;
	s5 =	sld [smem:$0x3FA8]  }
0x2b: {  	s6 =	sld [smem:$0x3FA9]  }
0x2c: {  	s7 =	sld [smem:$0x3FAA]  }
0x2d: {  	s3 =	simm.s32 $0x108;
	s8 =	sld [smem:$0x3FAB]  }
0x2e: {  	s3 =	simm.s32 @!p0 $0x1082;
	s9 =	sld [smem:$0x3FAC]  }
0x2f: {  	lr =	sadd.s32 s0, s3;
	s0 =	sld [smem:$0x3FA3]  }
0x30: {  	s3 =	sld [smem:$0x3FA6]  }
0x31: {  	[smem:$0x3FAF] =	sst s10  }
0x32: {  	s10 =	sld [smem:$0x3FAD];
	_ =	sdelay $0x3  }
0x33: {  	p0 =	seq.s32 s10, $0x1;
	s10 =	sld [smem:$0x3FAF];
	_ =	sdelay $0x3  }
0x34: {  	[smem:$0x3FAF] =	sst s10  }
0x35: {  	s10 =	sld [smem:$0x3FAE];
	_ =	sdelay $0x3  }
0x36: {  	p1 =	seq.s32 s10, $0x1;
	s10 =	sld [smem:$0x3FAF];
	_ =	sdelay $0x3  }
0x37: {  	[smem:$0x3FAF] =	sst s10  }
0x38: {  	s10 =	sld [smem:$0x3FB0]  }
0x39: {  	_ = 	snop;
	(pc) =	sbr.ind lr, $3  }
0x3a: {  	_ = 	snop  }
0x3b: {  	_ = 	snop  }
0x3c: {  	p2 =	seq.s32 s10, $0x1;
	s10 =	sld [smem:$0x3FAF]  }
0x3d: {  	_ =	shalt  }
0x3e: {  	_ =	shalt  }
0x3f: {  	_ =	shalt  }
0x40: {  	_ =	shalt  }
0x41: {  	_ =	shalt  }
0x42: {  	_ =	shalt  }
0x43: {  	_ =	shalt  }
0x44: {  	_ =	shalt  }
0x45: {  	_ =	shalt  }
0x46: {  	_ =	shalt  }
0x47: {  	_ =	shalt  }
0x48: {  	_ =	shalt  }
0x49: {  	_ =	shalt  }
0x4a: {  	_ =	shalt  }
0x4b: {  	_ =	shalt  }
0x4c: {  	_ =	shalt  }
0x4d: {  	_ =	shalt  }
0x4e: {  	_ =	shalt  }
0x4f: {  	_ =	shalt  }
0x50: {  	_ =	shalt  }
0x51: {  	_ =	shalt  }
0x52: {  	_ =	shalt  }
0x53: {  	_ =	shalt  }
0x54: {  	_ =	shalt  }
0x55: {  	_ =	shalt  }
0x56: {  	_ =	shalt  }
0x57: {  	_ =	shalt  }
0x58: {  	_ =	shalt  }
0x59: {  	_ =	shalt  }
0x5a: {  	_ =	shalt  }
0x5b: {  	_ =	shalt  }
0x5c: {  	_ =	shalt  }
0x5d: {  	_ =	shalt  }
0x5e: {  	_ =	shalt  }
0x5f: {  	_ =	shalt  }
0x60: {  	_ =	shalt  }
0x61: {  	_ =	shalt  }
0x62: {  	_ =	shalt  }
0x63: {  	_ =	shalt  }
0x64: {  	_ =	shalt  }
0x65: {  	_ =	shalt  }
0x66: {  	_ =	shalt  }
0x67: {  	_ =	shalt  }
0x68: {  	_ =	shalt  }
0x69: {  	_ =	shalt  }
0x6a: {  	_ =	shalt  }
0x6b: {  	_ =	shalt  }
0x6c: {  	_ =	shalt  }
0x6d: {  	_ =	shalt  }
0x6e: {  	_ =	shalt  }
0x6f: {  	_ =	shalt  }
0x70: {  	_ =	shalt  }
0x71: {  	_ =	shalt  }
0x72: {  	_ =	shalt  }
0x73: {  	_ =	shalt  }
0x74: {  	_ =	shalt  }
0x75: {  	_ =	shalt  }
0x76: {  	_ =	shalt  }
0x77: {  	_ =	shalt  }
0x78: {  	_ =	shalt  }
0x79: {  	_ =	shalt  }
0x7a: {  	_ =	shalt  }
0x7b: {  	_ =	shalt  }
0x7c: {  	_ =	shalt  }
0x7d: {  	_ =	shalt  }
0x7e: {  	_ =	shalt  }
0x7f: {  	_ =	shalt  }
0x80: {  	_ =	shalt  }
0x81: {  	_ =	shalt  }
0x82: {  	_ =	shalt  }
0x83: {  	_ =	shalt  }
0x84: {  	_ =	shalt  }
0x85: {  	_ =	shalt  }
0x86: {  	_ =	shalt  }
0x87: {  	_ =	shalt  }
.Lfunc_end0:
.L_simem_size_0:
called_computation.1_lowered:
.L_overlay_start_0:
0x88: {  	s2 =	sld [smem:$0x3FD9]  }
0x89: {  	s3 =	sld [smem:$0x3FFE];
	_ =	sdelay $0x1  }
0x8a: {  	s1 =	srdreg.scid  }
0x8b: {  	s0 =	sand.u32 $0x1, s1  }
0x8c: {  	s16 =	sshll.u32 s0, $0xA;
	s2 =	sadd.s32 s3, s2  }
0x8d: {  	s2 =	sadd.s32 s2, s16  }
0x8e: {  	[smem:$0x3FBB] =	sst s2  }
0x8f: {  	_ = 	snop  }
0x90: {  	(tm) =	ssettm $0x1  }
0x91: {  	s17 =	sld [smem:$0x3FFB];
	_ =	sdelay $0x3  }
0x92: {  	_ =	strace s17  }
0x93: {  	s2 =	sld [smem:$0x3FFC];
	_ =	sdelay $0x3  }
0x94: {  	_ =	strace s2  }
0x95: {  	s2 =	sld [smem:$0x3FFD];
	_ =	sdelay $0x3  }
0x96: {  	_ =	strace s2  }
0x97: {  	_ =	strace $0x8FFFFFFF  }
0x98: {  	s18 =	sld [smem:$0x3FDB];
	_ =	sdelay $0x1  }
0x99: {  	s19 =	simm.s32 $_scs_section_size  }
0x9a: {  	s4 =	simm.s32 $_size__tile_overlayer_lowered;
	s5 =	simm.s32 $_tile_overlayer_lowered  }
0x9b: {  	s22 =	simm.s32 $0x1BFF;
	s21 =	sshll.u32 s5, $0x1;
	s2 =	sadd.s32 s19, s18  }
0x9c: {  	s6 =	simm.s32 $0x0;
	s20 =	sshll.u32 s4, $0x1;
	s4 =	sadd.s32 s21, s2  }
0x9d: {  	[timem:s6], [sflag:s22] =	dma.local [hbm:s4], s20  }
0x9e: {  	_ =	swait.ge [sflag:s22], s20  }
0x9f: {  	s3 =	ssub.s32 $0x0, s20;
	[sflag:s22] =	ssyncset.done $0x0  }
0xa0: {  	[sflag:s22] =	ssyncadd.s32 s3;
	_ =	sdelay $0x1  }
0xa1: {  	s23 =	simm.s32 $0x1B8B  }
0xa2: {  	_ =	swait.ge [sflag:s23], $0x1  }
0xa3: {  	[sflag:s23] =	ssyncset.done $0x0  }
0xa4: {  	s25 =	simm.s32 $0x1B8E;
	s24 =	sld [smem:$0x3FFE];
	[sflag:s23] =	ssyncadd.s32 $0xFFFFFFFF  }
0xa5: {  	s26 =	simm.s32 $execute0_lowered;
	[smem:$0x3FD2] =	sst s25  }
0xa6: {  	s4 =	sshll.u32 s26, $0x1;
	_ =	strace $0x80000049;
	[dreg:$0x1] =	wrdreg $0xFFFFFFFF  }
0xa7: {  	s28 =	simm.s32 $_size_execute0_lowered;
	s2 =	sadd.s32 s2, s4;
	[dreg:$0x0] =	wrdreg $0x0  }
0xa8: {  	s4 =	sshll.u32 s28, $0x1;
	[dreg:$0x2] =	wrdreg s2  }
0xa9: {  	[dreg:$0x3] =	wrdreg s4  }
0xaa: {  	[dreg:$0x4] =	wrdreg $0xC0  }
0xab: {  	_ =	task [dreg:s6], $0x5FFFF  }
0xac: {  	[dreg:$0x1] =	wrdreg $0xFFFFFFFF  }
0xad: {  	[dreg:$0x0] =	wrdreg $0x60  }
0xae: {  	[dreg:$0x2] =	wrdreg s24  }
0xaf: {  	[dreg:$0x3] =	wrdreg $0x90000  }
0xb0: {  	[dreg:$0x4] =	wrdreg $0x9  }
0xb1: {  	_ =	task.clear_ibuf [dreg:s6], $0x5FFFF;
	_ =	strace $0x90000049  }
0xb2: {  	s29 =	simm.s32 $0x9;
	_ =	strace $0x8000004B  }
0xb3: {  	_ =	swait.ge [sflag:s29], $0x1  }
0xb4: {  	[sflag:s29] =	ssyncadd.s32 $0xFFFFFFFF  }
0xb5: {  	_ =	strace $0x9000004B  }
0xb6: {  	_ =	sfence  }
0xb7: {  	s30 =	sld [smem:$0x0];
	_ =	sdelay $0x2  }
0xb8: {  	s31 =	sshll.u32 s1, $0xD;
	s1 =	sshrl.u32 s1, $0x2  }
0xb9: {  	s3 =	sand.u32 $0x4000, s31;
	s1 =	sadd.s32 s1, s30  }
0xba: {  	s0 =	sor.u32 s3, s0;
	s1 =	sshll.u32 s1, $0x11  }
0xbb: {  	s0 =	sor.u32 s1, s0  }
0xbc: {  	s0 =	sadd.s32 $0x8F2B, s0  }
0xbd: {  	[sflag:s0] =	ssyncadd.remote.s32 $0x1  }
0xbe: {  	_ =	sfence.sel $0xFFFF  }
0xbf: {  	[dreg:$0x0] =	wrdreg $0xFFFFFFFF;
	(pc) =	sbr.abs _section_cstart, $3  }
0xc0: {  	[dreg:$0x1] =	wrdreg $0xFFFFFFFF  }
0xc1: {  	_ =	task.clear_ibuf [dreg:s6], $0x2FFFF;
	_ =	strace $0x9FFFFFFF  }
0xc2: {  	(tm) =	ssettm $0x7FFFFFFF  }
0xc3: {  	_ =	shalt  }
tec
execute0_lowered:
.L_overlay_start_1:
0x0: {  	(tag) =	ssettag $0x1  }
0x1: {  	s0 =	rddreg [dreg:$0x0]  }
0x2: {  	s1 =	rddreg [dreg:$0x1];
	s3 =	simm.s32 $0x0;
	s2 =	srdreg.scid  }
0x3: {  	s7 =	stileid.u32;
	s18 =	simm.s32 $0x100;
	s19 =	simm.s32 $0x880  }
0x4: {  	s20 =	simm.s32 $0x180;
	s21 =	simm.s32 $0x900;
	s23 =	simm.s32 $0x200  }
0x5: {  	s25 =	simm.s32 $0x980;
	s28 =	simm.s32 $0xF00;
	s29 =	simm.s32 $0xF80  }
0x6: {  	s30 =	simm.s32 $0x0;
	[smem:$0x7FF] =	sst s3;
	s10 =	sadd.s32 $0x16800, s0  }
0x7: {  	s2 =	sand.u32 $0x1, s2;
	_ =	strace $0x8000004A;
	[dreg:$0x1d] =	wrdreg s10  }
0x8: {  	s4 =	sadd.s32 $0x19000, s0;
	s9 =	smul.u32 $0x13C00, s7;
	[dreg:$0x6] =	wrdreg s18  }
0x9: {  	s5 =	sadd.s32 $0x2800, s0;
	s11 =	smul.u32 $0x500, s7;
	[dreg:$0x7] =	wrdreg s19  }
0xa: {  	s6 =	sadd.s32 $0xC800, s0;
	s17 =	smul.u32 $0x4F000, s7;
	[dreg:$0x8] =	wrdreg s20  }
0xb: {  	s22 =	sshll.u32 s7, $0x6;
	s8 =	smul.u32 $0x13C000, s2;
	[dreg:$0x9] =	wrdreg s21  }
0xc: {  	s26 =	sshll.u32 s2, $0x4;
	s31 =	smul.u32 $0x5000, s2;
	[dreg:$0xa] =	wrdreg s23  }
0xd: {  	s2 =	ssub.s32 $0x2, s2;
	[dreg:$0xb] =	wrdreg s25;
	s18 =	simm.s32 $0x480  }
0xe: {  	s19 =	simm.s32 $0x500;
	s20 =	simm.s32 $0xC80;
	[dreg:$0x13] =	wrdreg s18  }
0xf: {  	s21 =	simm.s32 $0x580;
	s23 =	simm.s32 $0x600;
	[dreg:$0x14] =	wrdreg s19  }
0x10: {  	s25 =	simm.s32 $0x680;
	s15 =	sshrl.u32 s2, $0x1;
	[dreg:$0x15] =	wrdreg s20  }
0x11: {  	s18 =	simm.s32 $0x1000;
	s19 =	simm.s32 $0x4;
	[dreg:$0x16] =	wrdreg s21  }
0x12: {  	s20 =	simm.s32 $0x400;
	s21 =	simm.s32 $0xC00;
	[dreg:$0x18] =	wrdreg s23  }
0x13: {  	s23 =	simm.s32 $0x5000;
	[dreg:$0x1a] =	wrdreg s25;
	s25 =	simm.s32 $0xE80  }
0x14: {  	s8 =	sadd.s32 s9, s8;
	s9 =	sor.u32 s7, s26;
	s12 =	sadd.s32 s31, s6  }
0x15: {  	s10 =	sadd.s32 s31, s5;
	s2 =	ssub.s32 s2, s15;
	s26 =	simm.s32 $0x280  }
0x16: {  	s7 =	simm.s32 $0xA00;
	s15 =	simm.s32 $0x380;
	s8 =	sshrl.u32 s8, $0x3  }
0x17: {  	s13 =	smul.u32 $0xA, s9;
	s12 =	sadd.s32 s11, s12;
	[dreg:$0xc] =	wrdreg s26  }
0x18: {  	s10 =	sadd.s32 s11, s10;
	s24 =	smul.u32 $0x500, s9;
	[dreg:$0xd] =	wrdreg s7  }
0x19: {  	s9 =	simm.s32 $0x300;
	[dreg:$0x10] =	wrdreg s15;
	s15 =	simm.s32 $0x800  }
0x1a: {  	s26 =	simm.s32 $0xE00;
	s0 =	sadd.s32 s8, s0;
	[dreg:$0xe] =	wrdreg s9  }
0x1b: {  	s14 =	sadd.s32 $0x80, s12;
	s16 =	sadd.s32 $0x80, s10;
	[dreg:$0x1b] =	wrdreg s26  }
0x1c: {  	s10 =	sshrl.u32 s17, $0x2;
	s8 =	sor.u32 $0x1C05, s22;
	[dreg:$0x3] =	wrdreg s13  }
0x1d: {  	s12 =	smax.u32 s2, $0x1;
	s17 =	simm.s32 $0xB80;
	[dreg:$0x4] =	wrdreg s14  }
0x1e: {  	s22 =	simm.s32 $0xD00;
	s26 =	simm.s32 $0x780;
	[dreg:$0x5] =	wrdreg s16  }
0x1f: {  	s13 =	sadd.s32 s10, s1;
	s31 =	sadd.s32 s5, s24;
	[dreg:$0x12] =	wrdreg s17  }
0x20: {  	s10 =	sadd.s32 s6, s24;
	s11 =	sadd.s32 $0x40200, s0;
	[dreg:$0x17] =	wrdreg s22  }
0x21: {  	s14 =	simm.s32 $0xA80;
	s16 =	simm.s32 $0xB00;
	[dreg:$0x1e] =	wrdreg s31  }
0x22: {  	s17 =	simm.s32 $0x80;
	s24 =	simm.s32 $0xD80;
	[dreg:$0xf] =	wrdreg s14  }
0x23: {  	s22 =	simm.s32 $0x1;
	s13 =	sshrl.u32 s13, $0x3;
	[dreg:$0x11] =	wrdreg s16  }
0x24: {  	s14 =	simm.s32 $0x5;
	[dreg:$0x19] =	wrdreg s24;
	s31 =	simm.s32 $0x700  }
0x25: {  	s16 =	simm.s32 $0x3;
	s24 =	simm.s32 $0x2;
	[dreg:$0x1c] =	wrdreg s31  }
.LBB2_1:
0x26: {  	s0 =	rddreg [dreg:$0x1d]  }
0x27: {  	[spmem:s13], [sflag:s8] =	dma.local [hbm:s0], $0x2780  }
0x28: {  	_ =	swait.ge [sflag:s14], $0x2780  }
0x29: {  	[sflag:s14] =	ssyncset.done $0x0  }
0x2a: {  	s7 =	rddreg [dreg:$0x1e];
	[sflag:s14] =	ssyncadd.s32 $0xFFFFD880  }
0x2b: {  	[tilespmem:s3], [sflag:$0x3] =	stream.linear.gather [hbm4b:s7+s3], $0x400, $0x38;
	[tilespmem:$0x1CC00] =	vst v63  }
0x2c: {  	_ = 	snop  }
0x2d: {  	[tilespmem:s15], [sflag:$0x4] =	stream.linear.gather [hbm4b:s10+s3], $0x400, $0x38;
	[tilespmem:$0x1CC00] =	vst v63  }
0x2e: {  	_ =	swait.ge [sflag:s16], $0x400  }
0x2f: {  	[sflag:s16] =	ssyncset.done $0x0  }
0x30: {  	[sflag:s16] =	ssyncadd.s32 $0xFFFFFC00  }
0x31: {  	[tilespmem:s18], [sflag:$0x1] =	stream.indirect.gather [hbm4b:s4+s17], $0x80, s3, s17, $0xb8;
	[tilespmem:$0x1CC00] =	vst v63  }
0x32: {  	[bflag:$0x0] =	sbarrier.arrive $0xFFFF  }
0x33: {  	_ =	swait.ge [sflag:s19], $0x400  }
0x34: {  	s9 =	rddreg [dreg:$0x5];
	[sflag:s19] =	ssyncset.done $0x0  }
0x35: {  	s2 =	rddreg [dreg:$0x4];
	[sflag:s19] =	ssyncadd.s32 $0xFFFFFC00;
	s0 =	sadd.s32 $0x0, s9  }
0x36: {  	[tilespmem:s20], [sflag:$0x3] =	stream.linear.gather [hbm4b:s0+s3], $0x400, $0x38;
	[tilespmem:$0x1CC00] =	vst v63  }
0x37: {  	s2 =	sadd.s32 $0x0, s2  }
0x38: {  	[tilespmem:s21], [sflag:$0x4] =	stream.linear.gather [hbm4b:s2+s3], $0x400, $0x38;
	[tilespmem:$0x1CC00] =	vst v63  }
0x39: {  	_ =	swait.ge [sflag:s22], $0x4000  }
0x3a: {  	[sflag:s22] =	ssyncset.done $0x0  }
0x3b: {  	[sflag:s22] =	ssyncadd.s32 $0xFFFFC000  }
0x3c: {  	[tilespmem:s23], [sflag:$0x2] =	stream.indirect.gather [hbm4b:s4+s17], $0x80, s17, s17, $0xb8;
	[tilespmem:$0x1CC00] =	vst v63  }
0x3d: {  	_ = 	snop  }
0x3e: {  	[spmem:s1] =	stream.indirect.scatter.add.f32 [tilespmem:s18], [sflag:$0x5], $0x80, s15, s17, $0xb8;
	[tilespmem:$0x1CC00] =	vst v63  }
0x3f: {  	_ =	swait.ge [sflag:s14], $0x4000  }
0x40: {  	[sflag:s14] =	ssyncset.done $0x0  }
0x41: {  	[sflag:s14] =	ssyncadd.s32 $0xFFFFC000  }
0x42: {  	_ =	swait.ge [sflag:s24], $0x4000  }
0x43: {  	[sflag:s24] =	ssyncset.done $0x0  }
0x44: {  	s7 =	rddreg [dreg:$0x6];
	[sflag:s24] =	ssyncadd.s32 $0xFFFFC000  }
0x45: {  	[tilespmem:s18], [sflag:$0x1] =	stream.indirect.gather [hbm4b:s4+s17], $0x80, s7, s17, $0xb8;
	[tilespmem:$0x1CC00] =	vst v63  }
0x46: {  	s9 =	rddreg [dreg:$0x7]  }
0x47: {  	[spmem:s1] =	stream.indirect.scatter.add.f32 [tilespmem:s23], [sflag:$0x5], $0x80, s9, s17, $0xb8;
	[tilespmem:$0x1CC00] =	vst v63  }
0x48: {  	_ =	swait.ge [sflag:s14], $0x4000  }
0x49: {  	[sflag:s14] =	ssyncset.done $0x0  }
0x4a: {  	[sflag:s14] =	ssyncadd.s32 $0xFFFFC000  }
0x4b: {  	_ =	swait.ge [sflag:s22], $0x4000  }
0x4c: {  	[sflag:s22] =	ssyncset.done $0x0  }
0x4d: {  	s7 =	rddreg [dreg:$0x8];
	[sflag:s22] =	ssyncadd.s32 $0xFFFFC000  }
0x4e: {  	[tilespmem:s23], [sflag:$0x2] =	stream.indirect.gather [hbm4b:s4+s17], $0x80, s7, s17, $0xb8;
	[tilespmem:$0x1CC00] =	vst v63  }
0x4f: {  	s9 =	rddreg [dreg:$0x9]  }
0x50: {  	[spmem:s1] =	stream.indirect.scatter.add.f32 [tilespmem:s18], [sflag:$0x5], $0x80, s9, s17, $0xb8;
	[tilespmem:$0x1CC00] =	vst v63  }
0x51: {  	_ =	swait.ge [sflag:s14], $0x4000  }
0x52: {  	[sflag:s14] =	ssyncset.done $0x0  }
0x53: {  	[sflag:s14] =	ssyncadd.s32 $0xFFFFC000  }
0x54: {  	_ =	swait.ge [sflag:s24], $0x4000  }
0x55: {  	[sflag:s24] =	ssyncset.done $0x0  }
0x56: {  	s7 =	rddreg [dreg:$0xa];
	[sflag:s24] =	ssyncadd.s32 $0xFFFFC000  }
0x57: {  	[tilespmem:s18], [sflag:$0x1] =	stream.indirect.gather [hbm4b:s4+s17], $0x80, s7, s17, $0xb8;
	[tilespmem:$0x1CC00] =	vst v63  }
0x58: {  	s9 =	rddreg [dreg:$0xb]  }
0x59: {  	[spmem:s1] =	stream.indirect.scatter.add.f32 [tilespmem:s23], [sflag:$0x5], $0x80, s9, s17, $0xb8;
	[tilespmem:$0x1CC00] =	vst v63  }
0x5a: {  	_ =	swait.ge [sflag:s14], $0x4000  }
0x5b: {  	[sflag:s14] =	ssyncset.done $0x0  }
0x5c: {  	[sflag:s14] =	ssyncadd.s32 $0xFFFFC000  }
0x5d: {  	_ =	swait.ge [sflag:s22], $0x4000  }
0x5e: {  	[sflag:s22] =	ssyncset.done $0x0  }
0x5f: {  	s7 =	rddreg [dreg:$0xc];
	[sflag:s22] =	ssyncadd.s32 $0xFFFFC000  }
0x60: {  	[tilespmem:s23], [sflag:$0x2] =	stream.indirect.gather [hbm4b:s4+s17], $0x80, s7, s17, $0xb8;
	[tilespmem:$0x1CC00] =	vst v63  }
0x61: {  	s9 =	rddreg [dreg:$0xd]  }
0x62: {  	[spmem:s1] =	stream.indirect.scatter.add.f32 [tilespmem:s18], [sflag:$0x5], $0x80, s9, s17, $0xb8;
	[tilespmem:$0x1CC00] =	vst v63  }
0x63: {  	_ =	swait.ge [sflag:s14], $0x4000  }
0x64: {  	[sflag:s14] =	ssyncset.done $0x0  }
0x65: {  	[sflag:s14] =	ssyncadd.s32 $0xFFFFC000  }
0x66: {  	_ =	swait.ge [sflag:s24], $0x4000  }
0x67: {  	[sflag:s24] =	ssyncset.done $0x0  }
0x68: {  	s7 =	rddreg [dreg:$0xe];
	[sflag:s24] =	ssyncadd.s32 $0xFFFFC000  }
0x69: {  	[tilespmem:s18], [sflag:$0x1] =	stream.indirect.gather [hbm4b:s4+s17], $0x80, s7, s17, $0xb8;
	[tilespmem:$0x1CC00] =	vst v63  }
0x6a: {  	s9 =	rddreg [dreg:$0xf]  }
0x6b: {  	[spmem:s1] =	stream.indirect.scatter.add.f32 [tilespmem:s23], [sflag:$0x5], $0x80, s9, s17, $0xb8;
	[tilespmem:$0x1CC00] =	vst v63  }
0x6c: {  	_ =	swait.ge [sflag:s14], $0x4000  }
0x6d: {  	[sflag:s14] =	ssyncset.done $0x0  }
0x6e: {  	[sflag:s14] =	ssyncadd.s32 $0xFFFFC000  }
0x6f: {  	_ =	swait.ge [sflag:s22], $0x4000  }
0x70: {  	[sflag:s22] =	ssyncset.done $0x0  }
0x71: {  	s7 =	rddreg [dreg:$0x10];
	[sflag:s22] =	ssyncadd.s32 $0xFFFFC000  }
0x72: {  	[tilespmem:s23], [sflag:$0x2] =	stream.indirect.gather [hbm4b:s4+s17], $0x80, s7, s17, $0xb8;
	[tilespmem:$0x1CC00] =	vst v63  }
0x73: {  	s9 =	rddreg [dreg:$0x11]  }
0x74: {  	[spmem:s1] =	stream.indirect.scatter.add.f32 [tilespmem:s18], [sflag:$0x5], $0x80, s9, s17, $0xb8;
	[tilespmem:$0x1CC00] =	vst v63  }
0x75: {  	_ =	swait.ge [sflag:s14], $0x4000  }
0x76: {  	[sflag:s14] =	ssyncset.done $0x0  }
0x77: {  	[sflag:s14] =	ssyncadd.s32 $0xFFFFC000  }
0x78: {  	_ =	swait.ge [sflag:s24], $0x4000  }
0x79: {  	[sflag:s24] =	ssyncset.done $0x0  }
0x7a: {  	[sflag:s24] =	ssyncadd.s32 $0xFFFFC000  }
0x7b: {  	_ =	swait.ge [sflag:s16], $0x400  }
0x7c: {  	[sflag:s16] =	ssyncset.done $0x0  }
0x7d: {  	[sflag:s16] =	ssyncadd.s32 $0xFFFFFC00  }
0x7e: {  	[tilespmem:s18], [sflag:$0x1] =	stream.indirect.gather [hbm4b:s4+s17], $0x80, s20, s17, $0xb8;
	[tilespmem:$0x1CC00] =	vst v63  }
0x7f: {  	s2 =	rddreg [dreg:$0x12]  }
0x80: {  	[spmem:s1] =	stream.indirect.scatter.add.f32 [tilespmem:s23], [sflag:$0x5], $0x80, s2, s17, $0xb8;
	[tilespmem:$0x1CC00] =	vst v63  }
0x81: {  	_ =	swait.ge [sflag:s14], $0x4000  }
0x82: {  	[sflag:s14] =	ssyncset.done $0x0  }
0x83: {  	[sflag:s14] =	ssyncadd.s32 $0xFFFFC000  }
0x84: {  	p0 =	por $0x0, $0x0;
	s2 =	simm.s32 $0x2;
	_ =	swait.ge [sflag:s19], $0x400  }
0x85: {  	s2 =	simm.s32 @p0 $0x0;
	s7 =	rddreg [dreg:$0x3]  }
0x86: {  	s0 =	sadd.s32 s7, s2  }
0x87: {  	s0 =	sshll.u32 s0, $0x7  }
0x88: {  	[sflag:s19] =	ssyncset.done $0x0;
	s0 =	sand.u32 $0x1FFFFF00, s0  }
0x89: {  	[sflag:s19] =	ssyncadd.s32 $0xFFFFFC00;
	s9 =	sadd.s32 s5, s0  }
0x8a: {  	[tilespmem:s3], [sflag:$0x3] =	stream.linear.gather [hbm4b:s9+s3], $0x400, $0x38;
	[tilespmem:$0x1CC00] =	vst v63  }
0x8b: {  	s0 =	sadd.s32 s6, s0  }
0x8c: {  	[tilespmem:s15], [sflag:$0x4] =	stream.linear.gather [hbm4b:s0+s3], $0x400, $0x38;
	[tilespmem:$0x1CC00] =	vst v63  }
0x8d: {  	_ =	swait.ge [sflag:s22], $0x4000  }
0x8e: {  	[sflag:s22] =	ssyncset.done $0x0  }
0x8f: {  	s2 =	rddreg [dreg:$0x13];
	[sflag:s22] =	ssyncadd.s32 $0xFFFFC000  }
0x90: {  	[tilespmem:s23], [sflag:$0x2] =	stream.indirect.gather [hbm4b:s4+s17], $0x80, s2, s17, $0xb8;
	[tilespmem:$0x1CC00] =	vst v63  }
0x91: {  	_ = 	snop  }
0x92: {  	[spmem:s1] =	stream.indirect.scatter.add.f32 [tilespmem:s18], [sflag:$0x5], $0x80, s21, s17, $0xb8;
	[tilespmem:$0x1CC00] =	vst v63  }
0x93: {  	_ =	swait.ge [sflag:s14], $0x4000  }
0x94: {  	[sflag:s14] =	ssyncset.done $0x0  }
0x95: {  	[sflag:s14] =	ssyncadd.s32 $0xFFFFC000  }
0x96: {  	_ =	swait.ge [sflag:s24], $0x4000  }
0x97: {  	[sflag:s24] =	ssyncset.done $0x0  }
0x98: {  	s7 =	rddreg [dreg:$0x14];
	[sflag:s24] =	ssyncadd.s32 $0xFFFFC000  }
0x99: {  	[tilespmem:s18], [sflag:$0x1] =	stream.indirect.gather [hbm4b:s4+s17], $0x80, s7, s17, $0xb8;
	[tilespmem:$0x1CC00] =	vst v63  }
0x9a: {  	s9 =	rddreg [dreg:$0x15]  }
0x9b: {  	[spmem:s1] =	stream.indirect.scatter.add.f32 [tilespmem:s23], [sflag:$0x5], $0x80, s9, s17, $0xb8;
	[tilespmem:$0x1CC00] =	vst v63  }
0x9c: {  	_ =	swait.ge [sflag:s14], $0x4000  }
0x9d: {  	[sflag:s14] =	ssyncset.done $0x0  }
0x9e: {  	[sflag:s14] =	ssyncadd.s32 $0xFFFFC000  }
0x9f: {  	_ =	swait.ge [sflag:s22], $0x4000  }
0xa0: {  	[sflag:s22] =	ssyncset.done $0x0  }
0xa1: {  	s7 =	rddreg [dreg:$0x16];
	[sflag:s22] =	ssyncadd.s32 $0xFFFFC000  }
0xa2: {  	[tilespmem:s23], [sflag:$0x2] =	stream.indirect.gather [hbm4b:s4+s17], $0x80, s7, s17, $0xb8;
	[tilespmem:$0x1CC00] =	vst v63  }
0xa3: {  	s9 =	rddreg [dreg:$0x17]  }
0xa4: {  	[spmem:s1] =	stream.indirect.scatter.add.f32 [tilespmem:s18], [sflag:$0x5], $0x80, s9, s17, $0xb8;
	[tilespmem:$0x1CC00] =	vst v63  }
0xa5: {  	_ =	swait.ge [sflag:s14], $0x4000  }
0xa6: {  	[sflag:s14] =	ssyncset.done $0x0  }
0xa7: {  	[sflag:s14] =	ssyncadd.s32 $0xFFFFC000  }
0xa8: {  	_ =	swait.ge [sflag:s24], $0x4000  }
0xa9: {  	[sflag:s24] =	ssyncset.done $0x0  }
0xaa: {  	s7 =	rddreg [dreg:$0x18];
	[sflag:s24] =	ssyncadd.s32 $0xFFFFC000  }
0xab: {  	[tilespmem:s18], [sflag:$0x1] =	stream.indirect.gather [hbm4b:s4+s17], $0x80, s7, s17, $0xb8;
	[tilespmem:$0x1CC00] =	vst v63  }
0xac: {  	s9 =	rddreg [dreg:$0x19]  }
0xad: {  	[spmem:s1] =	stream.indirect.scatter.add.f32 [tilespmem:s23], [sflag:$0x5], $0x80, s9, s17, $0xb8;
	[tilespmem:$0x1CC00] =	vst v63  }
0xae: {  	_ =	swait.ge [sflag:s14], $0x4000  }
0xaf: {  	[sflag:s14] =	ssyncset.done $0x0  }
0xb0: {  	[sflag:s14] =	ssyncadd.s32 $0xFFFFC000  }
0xb1: {  	_ =	swait.ge [sflag:s22], $0x4000  }
0xb2: {  	[sflag:s22] =	ssyncset.done $0x0  }
0xb3: {  	s2 =	rddreg [dreg:$0x1a];
	[sflag:s22] =	ssyncadd.s32 $0xFFFFC000  }
0xb4: {  	[tilespmem:s23], [sflag:$0x2] =	stream.indirect.gather [hbm4b:s4+s17], $0x80, s2, s17, $0xb8;
	[tilespmem:$0x1CC00] =	vst v63  }
0xb5: {  	s7 =	rddreg [dreg:$0x1b]  }
0xb6: {  	[spmem:s1] =	stream.indirect.scatter.add.f32 [tilespmem:s18], [sflag:$0x5], $0x80, s7, s17, $0xb8;
	[tilespmem:$0x1CC00] =	vst v63  }
0xb7: {  	_ =	swait.ge [sflag:s14], $0x4000  }
0xb8: {  	[sflag:s14] =	ssyncset.done $0x0  }
0xb9: {  	[sflag:s14] =	ssyncadd.s32 $0xFFFFC000  }
0xba: {  	_ =	swait.ge [sflag:s24], $0x4000  }
0xbb: {  	[sflag:s24] =	ssyncset.done $0x0  }
0xbc: {  	s9 =	rddreg [dreg:$0x1c];
	[sflag:s24] =	ssyncadd.s32 $0xFFFFC000  }
0xbd: {  	[tilespmem:s18], [sflag:$0x1] =	stream.indirect.gather [hbm4b:s4+s17], $0x80, s9, s17, $0xb8;
	[tilespmem:$0x1CC00] =	vst v63  }
0xbe: {  	_ = 	snop  }
0xbf: {  	[spmem:s1] =	stream.indirect.scatter.add.f32 [tilespmem:s23], [sflag:$0x5], $0x80, s25, s17, $0xb8;
	[tilespmem:$0x1CC00] =	vst v63  }
0xc0: {  	_ =	swait.ge [sflag:s14], $0x4000  }
0xc1: {  	[sflag:s14] =	ssyncset.done $0x0  }
0xc2: {  	[sflag:s14] =	ssyncadd.s32 $0xFFFFC000  }
0xc3: {  	_ =	swait.ge [sflag:s22], $0x4000  }
0xc4: {  	[sflag:s22] =	ssyncset.done $0x0  }
0xc5: {  	[sflag:s22] =	ssyncadd.s32 $0xFFFFC000  }
0xc6: {  	[tilespmem:s23], [sflag:$0x2] =	stream.indirect.gather [hbm4b:s4+s17], $0x80, s26, s17, $0xb8;
	[tilespmem:$0x1CC00] =	vst v63  }
0xc7: {  	_ = 	snop  }
0xc8: {  	[spmem:s1] =	stream.indirect.scatter.add.f32 [tilespmem:s18], [sflag:$0x5], $0x80, s28, s17, $0xb8;
	[tilespmem:$0x1CC00] =	vst v63  }
0xc9: {  	_ =	swait.ge [sflag:s14], $0x4000  }
0xca: {  	[sflag:s14] =	ssyncset.done $0x0  }
0xcb: {  	[sflag:s14] =	ssyncadd.s32 $0xFFFFC000  }
0xcc: {  	_ =	swait.ge [sflag:s24], $0x4000  }
0xcd: {  	[sflag:s24] =	ssyncset.done $0x0  }
0xce: {  	[sflag:s24] =	ssyncadd.s32 $0xFFFFC000  }
0xcf: {  	_ =	swait.ge [sflag:s16], $0x400  }
0xd0: {  	[sflag:s16] =	ssyncset.done $0x0  }
0xd1: {  	[sflag:s16] =	ssyncadd.s32 $0xFFFFFC00  }
0xd2: {  	[tilespmem:s18], [sflag:$0x1] =	stream.indirect.gather [hbm4b:s4+s17], $0x80, s3, s17, $0xb8;
	[tilespmem:$0x1CC00] =	vst v63  }
0xd3: {  	_ = 	snop  }
0xd4: {  	[spmem:s1] =	stream.indirect.scatter.add.f32 [tilespmem:s23], [sflag:$0x5], $0x80, s29, s17, $0xb8;
	[tilespmem:$0x1CC00] =	vst v63  }
0xd5: {  	_ =	swait.ge [sflag:s14], $0x4000  }
0xd6: {  	s31 =	simm.s32 $0x100;
	s0 =	simm.s32 $0x4;
	[sflag:s14] =	ssyncset.done $0x0  }
.LBB2_2:
0xd7: {  	[sflag:s14] =	ssyncadd.s32 $0xFFFFC000  }
0xd8: {  	_ =	swait.ge [sflag:s19], $0x400  }
0xd9: {  	s2 =	smov.u32 s31;
	s7 =	rddreg [dreg:$0x5];
	[sflag:s19] =	ssyncset.done $0x0  }
0xda: {  	s9 =	rddreg [dreg:$0x4];
	[sflag:s19] =	ssyncadd.s32 $0xFFFFFC00;
	s7 =	sadd.s32 s2, s7  }
0xdb: {  	[tilespmem:s20], [sflag:$0x3] =	stream.linear.gather [hbm4b:s7+s3], $0x400, $0x38;
	[tilespmem:$0x1CC00] =	vst v63  }
0xdc: {  	s9 =	sadd.s32 s2, s9  }
0xdd: {  	[tilespmem:s21], [sflag:$0x4] =	stream.linear.gather [hbm4b:s9+s3], $0x400, $0x38;
	[tilespmem:$0x1CC00] =	vst v63  }
0xde: {  	_ =	swait.ge [sflag:s22], $0x4000  }
0xdf: {  	[sflag:s22] =	ssyncset.done $0x0  }
0xe0: {  	[sflag:s22] =	ssyncadd.s32 $0xFFFFC000  }
0xe1: {  	[tilespmem:s23], [sflag:$0x2] =	stream.indirect.gather [hbm4b:s4+s17], $0x80, s17, s17, $0xb8;
	[tilespmem:$0x1CC00] =	vst v63  }
0xe2: {  	_ = 	snop  }
0xe3: {  	[spmem:s1] =	stream.indirect.scatter.add.f32 [tilespmem:s18], [sflag:$0x5], $0x80, s15, s17, $0xb8;
	[tilespmem:$0x1CC00] =	vst v63  }
0xe4: {  	_ =	swait.ge [sflag:s14], $0x4000  }
0xe5: {  	[sflag:s14] =	ssyncset.done $0x0  }
0xe6: {  	[sflag:s14] =	ssyncadd.s32 $0xFFFFC000  }
0xe7: {  	_ =	swait.ge [sflag:s24], $0x4000  }
0xe8: {  	[sflag:s24] =	ssyncset.done $0x0  }
0xe9: {  	s7 =	rddreg [dreg:$0x6];
	[sflag:s24] =	ssyncadd.s32 $0xFFFFC000  }
0xea: {  	[tilespmem:s18], [sflag:$0x1] =	stream.indirect.gather [hbm4b:s4+s17], $0x80, s7, s17, $0xb8;
	[tilespmem:$0x1CC00] =	vst v63  }
0xeb: {  	s9 =	rddreg [dreg:$0x7]  }
0xec: {  	[spmem:s1] =	stream.indirect.scatter.add.f32 [tilespmem:s23], [sflag:$0x5], $0x80, s9, s17, $0xb8;
	[tilespmem:$0x1CC00] =	vst v63  }
0xed: {  	_ =	swait.ge [sflag:s14], $0x4000  }
0xee: {  	[sflag:s14] =	ssyncset.done $0x0  }
0xef: {  	[sflag:s14] =	ssyncadd.s32 $0xFFFFC000  }
0xf0: {  	_ =	swait.ge [sflag:s22], $0x4000  }
0xf1: {  	[sflag:s22] =	ssyncset.done $0x0  }
0xf2: {  	s7 =	rddreg [dreg:$0x8];
	[sflag:s22] =	ssyncadd.s32 $0xFFFFC000  }
0xf3: {  	[tilespmem:s23], [sflag:$0x2] =	stream.indirect.gather [hbm4b:s4+s17], $0x80, s7, s17, $0xb8;
	[tilespmem:$0x1CC00] =	vst v63  }
0xf4: {  	s9 =	rddreg [dreg:$0x9]  }
0xf5: {  	[spmem:s1] =	stream.indirect.scatter.add.f32 [tilespmem:s18], [sflag:$0x5], $0x80, s9, s17, $0xb8;
	[tilespmem:$0x1CC00] =	vst v63  }
0xf6: {  	_ =	swait.ge [sflag:s14], $0x4000  }
0xf7: {  	[sflag:s14] =	ssyncset.done $0x0  }
0xf8: {  	[sflag:s14] =	ssyncadd.s32 $0xFFFFC000  }
0xf9: {  	_ =	swait.ge [sflag:s24], $0x4000  }
0xfa: {  	[sflag:s24] =	ssyncset.done $0x0  }
0xfb: {  	s7 =	rddreg [dreg:$0xa];
	[sflag:s24] =	ssyncadd.s32 $0xFFFFC000  }
0xfc: {  	[tilespmem:s18], [sflag:$0x1] =	stream.indirect.gather [hbm4b:s4+s17], $0x80, s7, s17, $0xb8;
	[tilespmem:$0x1CC00] =	vst v63  }
0xfd: {  	s9 =	rddreg [dreg:$0xb]  }
0xfe: {  	[spmem:s1] =	stream.indirect.scatter.add.f32 [tilespmem:s23], [sflag:$0x5], $0x80, s9, s17, $0xb8;
	[tilespmem:$0x1CC00] =	vst v63  }
0xff: {  	_ =	swait.ge [sflag:s14], $0x4000  }
0x100: {  	[sflag:s14] =	ssyncset.done $0x0  }
0x101: {  	[sflag:s14] =	ssyncadd.s32 $0xFFFFC000  }
0x102: {  	_ =	swait.ge [sflag:s22], $0x4000  }
0x103: {  	[sflag:s22] =	ssyncset.done $0x0  }
0x104: {  	s7 =	rddreg [dreg:$0xc];
	[sflag:s22] =	ssyncadd.s32 $0xFFFFC000  }
0x105: {  	[tilespmem:s23], [sflag:$0x2] =	stream.indirect.gather [hbm4b:s4+s17], $0x80, s7, s17, $0xb8;
	[tilespmem:$0x1CC00] =	vst v63  }
0x106: {  	s9 =	rddreg [dreg:$0xd]  }
0x107: {  	[spmem:s1] =	stream.indirect.scatter.add.f32 [tilespmem:s18], [sflag:$0x5], $0x80, s9, s17, $0xb8;
	[tilespmem:$0x1CC00] =	vst v63  }
0x108: {  	_ =	swait.ge [sflag:s14], $0x4000  }
0x109: {  	[sflag:s14] =	ssyncset.done $0x0  }
0x10a: {  	[sflag:s14] =	ssyncadd.s32 $0xFFFFC000  }
0x10b: {  	_ =	swait.ge [sflag:s24], $0x4000  }
0x10c: {  	[sflag:s24] =	ssyncset.done $0x0  }
0x10d: {  	s7 =	rddreg [dreg:$0xe];
	[sflag:s24] =	ssyncadd.s32 $0xFFFFC000  }
0x10e: {  	[tilespmem:s18], [sflag:$0x1] =	stream.indirect.gather [hbm4b:s4+s17], $0x80, s7, s17, $0xb8;
	[tilespmem:$0x1CC00] =	vst v63  }
0x10f: {  	s9 =	rddreg [dreg:$0xf]  }
0x110: {  	[spmem:s1] =	stream.indirect.scatter.add.f32 [tilespmem:s23], [sflag:$0x5], $0x80, s9, s17, $0xb8;
	[tilespmem:$0x1CC00] =	vst v63  }
0x111: {  	_ =	swait.ge [sflag:s14], $0x4000  }
0x112: {  	[sflag:s14] =	ssyncset.done $0x0  }
0x113: {  	[sflag:s14] =	ssyncadd.s32 $0xFFFFC000  }
0x114: {  	_ =	swait.ge [sflag:s22], $0x4000  }
0x115: {  	[sflag:s22] =	ssyncset.done $0x0  }
0x116: {  	s7 =	rddreg [dreg:$0x10];
	[sflag:s22] =	ssyncadd.s32 $0xFFFFC000  }
0x117: {  	[tilespmem:s23], [sflag:$0x2] =	stream.indirect.gather [hbm4b:s4+s17], $0x80, s7, s17, $0xb8;
	[tilespmem:$0x1CC00] =	vst v63  }
0x118: {  	s9 =	rddreg [dreg:$0x11]  }
0x119: {  	[spmem:s1] =	stream.indirect.scatter.add.f32 [tilespmem:s18], [sflag:$0x5], $0x80, s9, s17, $0xb8;
	[tilespmem:$0x1CC00] =	vst v63  }
0x11a: {  	_ =	swait.ge [sflag:s14], $0x4000  }
0x11b: {  	[sflag:s14] =	ssyncset.done $0x0  }
0x11c: {  	[sflag:s14] =	ssyncadd.s32 $0xFFFFC000  }
0x11d: {  	_ =	swait.ge [sflag:s24], $0x4000  }
0x11e: {  	[sflag:s24] =	ssyncset.done $0x0  }
0x11f: {  	[sflag:s24] =	ssyncadd.s32 $0xFFFFC000  }
0x120: {  	_ =	swait.ge [sflag:s16], $0x400  }
0x121: {  	[sflag:s16] =	ssyncset.done $0x0  }
0x122: {  	[sflag:s16] =	ssyncadd.s32 $0xFFFFFC00  }
0x123: {  	[tilespmem:s18], [sflag:$0x1] =	stream.indirect.gather [hbm4b:s4+s17], $0x80, s20, s17, $0xb8;
	[tilespmem:$0x1CC00] =	vst v63  }
0x124: {  	s9 =	rddreg [dreg:$0x12]  }
0x125: {  	[spmem:s1] =	stream.indirect.scatter.add.f32 [tilespmem:s23], [sflag:$0x5], $0x80, s9, s17, $0xb8;
	[tilespmem:$0x1CC00] =	vst v63  }
0x126: {  	_ =	swait.ge [sflag:s14], $0x4000  }
0x127: {  	[sflag:s14] =	ssyncset.done $0x0  }
0x128: {  	[sflag:s14] =	ssyncadd.s32 $0xFFFFC000  }
0x129: {  	p1 =	seq.s32 s2, $0x400;
	s2 =	smov.u32 s0;
	_ =	swait.ge [sflag:s19], $0x400  }
0x12a: {  	s2 =	simm.s32 @p1 $0x0;
	s9 =	rddreg [dreg:$0x3]  }
0x12b: {  	s2 =	sadd.s32 s9, s2  }
0x12c: {  	s2 =	sshll.u32 s2, $0x7  }
0x12d: {  	[sflag:s19] =	ssyncset.done $0x0;
	s2 =	sand.u32 $0x1FFFFF00, s2  }
0x12e: {  	[sflag:s19] =	ssyncadd.s32 $0xFFFFFC00;
	s9 =	sadd.s32 s5, s2  }
0x12f: {  	[tilespmem:s3], [sflag:$0x3] =	stream.linear.gather [hbm4b:s9+s3], $0x400, $0x38;
	[tilespmem:$0x1CC00] =	vst v63  }
0x130: {  	s2 =	sadd.s32 s6, s2  }
0x131: {  	[tilespmem:s15], [sflag:$0x4] =	stream.linear.gather [hbm4b:s2+s3], $0x400, $0x38;
	[tilespmem:$0x1CC00] =	vst v63  }
0x132: {  	_ =	swait.ge [sflag:s22], $0x4000  }
0x133: {  	[sflag:s22] =	ssyncset.done $0x0  }
0x134: {  	s9 =	rddreg [dreg:$0x13];
	[sflag:s22] =	ssyncadd.s32 $0xFFFFC000  }
0x135: {  	[tilespmem:s23], [sflag:$0x2] =	stream.indirect.gather [hbm4b:s4+s17], $0x80, s9, s17, $0xb8;
	[tilespmem:$0x1CC00] =	vst v63  }
0x136: {  	_ = 	snop  }
0x137: {  	[spmem:s1] =	stream.indirect.scatter.add.f32 [tilespmem:s18], [sflag:$0x5], $0x80, s21, s17, $0xb8;
	[tilespmem:$0x1CC00] =	vst v63  }
0x138: {  	_ =	swait.ge [sflag:s14], $0x4000  }
0x139: {  	[sflag:s14] =	ssyncset.done $0x0  }
0x13a: {  	[sflag:s14] =	ssyncadd.s32 $0xFFFFC000  }
0x13b: {  	_ =	swait.ge [sflag:s24], $0x4000  }
0x13c: {  	[sflag:s24] =	ssyncset.done $0x0  }
0x13d: {  	s7 =	rddreg [dreg:$0x14];
	[sflag:s24] =	ssyncadd.s32 $0xFFFFC000  }
0x13e: {  	[tilespmem:s18], [sflag:$0x1] =	stream.indirect.gather [hbm4b:s4+s17], $0x80, s7, s17, $0xb8;
	[tilespmem:$0x1CC00] =	vst v63  }
0x13f: {  	s9 =	rddreg [dreg:$0x15]  }
0x140: {  	[spmem:s1] =	stream.indirect.scatter.add.f32 [tilespmem:s23], [sflag:$0x5], $0x80, s9, s17, $0xb8;
	[tilespmem:$0x1CC00] =	vst v63  }
0x141: {  	_ =	swait.ge [sflag:s14], $0x4000  }
0x142: {  	[sflag:s14] =	ssyncset.done $0x0  }
0x143: {  	[sflag:s14] =	ssyncadd.s32 $0xFFFFC000  }
0x144: {  	_ =	swait.ge [sflag:s22], $0x4000  }
0x145: {  	[sflag:s22] =	ssyncset.done $0x0  }
0x146: {  	s7 =	rddreg [dreg:$0x16];
	[sflag:s22] =	ssyncadd.s32 $0xFFFFC000  }
0x147: {  	[tilespmem:s23], [sflag:$0x2] =	stream.indirect.gather [hbm4b:s4+s17], $0x80, s7, s17, $0xb8;
	[tilespmem:$0x1CC00] =	vst v63  }
0x148: {  	s9 =	rddreg [dreg:$0x17]  }
0x149: {  	[spmem:s1] =	stream.indirect.scatter.add.f32 [tilespmem:s18], [sflag:$0x5], $0x80, s9, s17, $0xb8;
	[tilespmem:$0x1CC00] =	vst v63  }
0x14a: {  	_ =	swait.ge [sflag:s14], $0x4000  }
0x14b: {  	[sflag:s14] =	ssyncset.done $0x0  }
0x14c: {  	[sflag:s14] =	ssyncadd.s32 $0xFFFFC000  }
0x14d: {  	_ =	swait.ge [sflag:s24], $0x4000  }
0x14e: {  	[sflag:s24] =	ssyncset.done $0x0  }
0x14f: {  	s7 =	rddreg [dreg:$0x18];
	[sflag:s24] =	ssyncadd.s32 $0xFFFFC000  }
0x150: {  	[tilespmem:s18], [sflag:$0x1] =	stream.indirect.gather [hbm4b:s4+s17], $0x80, s7, s17, $0xb8;
	[tilespmem:$0x1CC00] =	vst v63  }
0x151: {  	s9 =	rddreg [dreg:$0x19]  }
0x152: {  	[spmem:s1] =	stream.indirect.scatter.add.f32 [tilespmem:s23], [sflag:$0x5], $0x80, s9, s17, $0xb8;
	[tilespmem:$0x1CC00] =	vst v63  }
0x153: {  	_ =	swait.ge [sflag:s14], $0x4000  }
0x154: {  	[sflag:s14] =	ssyncset.done $0x0  }
0x155: {  	[sflag:s14] =	ssyncadd.s32 $0xFFFFC000  }
0x156: {  	_ =	swait.ge [sflag:s22], $0x4000  }
0x157: {  	[sflag:s22] =	ssyncset.done $0x0  }
0x158: {  	s7 =	rddreg [dreg:$0x1a];
	[sflag:s22] =	ssyncadd.s32 $0xFFFFC000  }
0x159: {  	[tilespmem:s23], [sflag:$0x2] =	stream.indirect.gather [hbm4b:s4+s17], $0x80, s7, s17, $0xb8;
	[tilespmem:$0x1CC00] =	vst v63  }
0x15a: {  	s9 =	rddreg [dreg:$0x1b]  }
0x15b: {  	[spmem:s1] =	stream.indirect.scatter.add.f32 [tilespmem:s18], [sflag:$0x5], $0x80, s9, s17, $0xb8;
	[tilespmem:$0x1CC00] =	vst v63  }
0x15c: {  	_ =	swait.ge [sflag:s14], $0x4000  }
0x15d: {  	[sflag:s14] =	ssyncset.done $0x0  }
0x15e: {  	[sflag:s14] =	ssyncadd.s32 $0xFFFFC000  }
0x15f: {  	_ =	swait.ge [sflag:s24], $0x4000  }
0x160: {  	[sflag:s24] =	ssyncset.done $0x0  }
0x161: {  	s9 =	rddreg [dreg:$0x1c];
	[sflag:s24] =	ssyncadd.s32 $0xFFFFC000  }
0x162: {  	[tilespmem:s18], [sflag:$0x1] =	stream.indirect.gather [hbm4b:s4+s17], $0x80, s9, s17, $0xb8;
	[tilespmem:$0x1CC00] =	vst v63  }
0x163: {  	_ = 	snop  }
0x164: {  	[spmem:s1] =	stream.indirect.scatter.add.f32 [tilespmem:s23], [sflag:$0x5], $0x80, s25, s17, $0xb8;
	[tilespmem:$0x1CC00] =	vst v63  }
0x165: {  	_ =	swait.ge [sflag:s14], $0x4000  }
0x166: {  	[sflag:s14] =	ssyncset.done $0x0  }
0x167: {  	[sflag:s14] =	ssyncadd.s32 $0xFFFFC000  }
0x168: {  	_ =	swait.ge [sflag:s22], $0x4000  }
0x169: {  	[sflag:s22] =	ssyncset.done $0x0  }
0x16a: {  	[sflag:s22] =	ssyncadd.s32 $0xFFFFC000  }
0x16b: {  	[tilespmem:s23], [sflag:$0x2] =	stream.indirect.gather [hbm4b:s4+s17], $0x80, s26, s17, $0xb8;
	[tilespmem:$0x1CC00] =	vst v63  }
0x16c: {  	_ = 	snop  }
0x16d: {  	[spmem:s1] =	stream.indirect.scatter.add.f32 [tilespmem:s18], [sflag:$0x5], $0x80, s28, s17, $0xb8;
	[tilespmem:$0x1CC00] =	vst v63  }
0x16e: {  	_ =	swait.ge [sflag:s14], $0x4000  }
0x16f: {  	[sflag:s14] =	ssyncset.done $0x0  }
0x170: {  	[sflag:s14] =	ssyncadd.s32 $0xFFFFC000  }
0x171: {  	_ =	swait.ge [sflag:s24], $0x4000  }
0x172: {  	[sflag:s24] =	ssyncset.done $0x0  }
0x173: {  	[sflag:s24] =	ssyncadd.s32 $0xFFFFC000  }
0x174: {  	_ =	swait.ge [sflag:s16], $0x400  }
0x175: {  	[sflag:s16] =	ssyncset.done $0x0  }
0x176: {  	p0 =	sne.s32 s31, $0x400;
	[sflag:s16] =	ssyncadd.s32 $0xFFFFFC00  }
0x177: {  	[tilespmem:s18], [sflag:$0x1] =	stream.indirect.gather [hbm4b:s4+s17], $0x80, s3, s17, $0xb8;
	[tilespmem:$0x1CC00] =	vst v63  }
.Ltmp0:
0x178: {  	_ = 	snop;
	(pc) =	sbr.rel @p0 .LBB2_2-.Ltmp0, $4  }
0x179: {  	_ = 	snop  }
0x17a: {  	[spmem:s1] =	stream.indirect.scatter.add.f32 [tilespmem:s23], [sflag:$0x5], $0x80, s29, s17, $0xb8;
	[tilespmem:$0x1CC00] =	vst v63  }
0x17b: {  	_ =	swait.ge [sflag:s14], $0x4000  }
0x17c: {  	s31 =	sadd.s32 $0x100, s31;
	s0 =	sadd.s32 $0x2, s0;
	[sflag:s14] =	ssyncset.done $0x0  }
0x17d: {  	[sflag:s14] =	ssyncadd.s32 $0xFFFFC000  }
0x17e: {  	_ =	swait.ge [sflag:s22], $0x4000  }
0x17f: {  	[sflag:s22] =	ssyncset.done $0x0  }
0x180: {  	[sflag:s22] =	ssyncadd.s32 $0xFFFFC000  }
0x181: {  	_ =	swait.ge [sflag:s19], $0x400  }
0x182: {  	s30 =	sadd.s32 $0x1, s30;
	[sflag:s19] =	ssyncset.done $0x0  }
0x183: {  	p0 =	sne.s32 s30, s12;
	[sflag:s19] =	ssyncadd.s32 $0xFFFFFC00  }
.Ltmp1:
0x184: {  	[bflag:$0x0] =	sbarrier.arrive $0xFFFF;
	(pc) =	sbr.rel @p0 .LBB2_1-.Ltmp1, $4  }
0x185: {  	[hbm:s11], [sflag:s8] =	dma.local [spmem:s13], $0x2780  }
0x186: {  	_ =	swait.ge [sflag:s14], $0x2780  }
0x187: {  	[sflag:s14] =	ssyncset.done $0x0  }
0x188: {  	[sflag:s14] =	ssyncadd.s32 $0xFFFFD880  }
0x189: {  	_ =	sfence.sel $0x180000  }
0x18a: {  	[bflag:$0x0] =	sbarrier.arrive $0xFFFF  }
0x18b: {  	_ =	strace $0x9000004A  }
0x18c: {  	s0 =	stileid.u32;
	[bflag:$0x2] =	sbarrier.arrive $0xFFFF  }
0x18d: {  	p0 =	sne.s32 s0, $0x0;
	s0 =	rddreg [dreg:$0x2]  }
0x18e: {  	s0 =	sadd.s32 @!p0 $0x100000, s0  }
0x18f: {  	[sflag:s0] =	ssyncadd.tile.s32 @!p0 $0x1;
	_ =	shalt  }
.Lfunc_end2:
_tile_overlayer_lowered:
.L_overlay_start_2:
0x190: {  	(tag) =	ssettag $0x2  }
0x191: {  	s0 =	rddreg [dreg:$0x0];
	s2 =	stileid.u32  }
0x192: {  	s1 =	rddreg [dreg:$0x1];
	p0 =	sne.s32 s2, $0x0  }
0x193: {  	s3 =	rddreg [dreg:$0x2];
	[bflag:$0x3] =	sbarrier.arrive $0xFFFF;
	s2 =	simm.s32 @!p0 $0x1C05  }
0x194: {  	[timem:s3], [sflag:s2] =	dma.local @!p0 [hbm:s0], s1  }
0x195: {  	s0 =	simm.s32 @!p0 $0x5  }
0x196: {  	_ =	swait.ge @!p0 [sflag:s0], s1  }
0x197: {  	s1 =	ssub.s32 @!p0 $0x0, s1;
	[sflag:s0] =	ssyncset.done @!p0 $0x0  }
0x198: {  	[sflag:s0] =	ssyncadd.s32 @!p0 s1  }
0x199: {  	[bflag:$0x3] =	sbarrier.arrive $0xFFFF  }
0x19a: {  	_ =	shalt  }

</sc_bundles>
